<compile_context>
chip_gen: v7x
topology: tpu7x:2x2x1
jax: 0.10.2.dev20260603
libtpu: 0.0.44.dev20260713+nightly
codegen_flags: <defaults>
</compile_context>

<pallas_src>
import functools

import jax
import jax.numpy as jnp
from jax import lax
from jax.experimental import pallas as pl
from jax.experimental.pallas import tpu as pltpu
from jax.experimental.pallas import tpu_sc as plsc

D = 300
L = 50
NC, NS = 2, 16
NW = NC * NS
DP = 384
NSEG = 3
RPAD = 104
NCHUNK = 19


def _sc_body(idx_hbm, emb_hbm, wck_hbm, out_hbm, idx_v, wck_v, out_v,
             ent_a, ent_b, dst_a, dst_b, sem_a, sem_b):
    wid = lax.axis_index("c") * NS + lax.axis_index("s")
    iters = idx_v.shape[0]
    row0 = wid * iters

    pltpu.sync_copy(idx_hbm.at[pl.ds(row0, iters)], idx_v)
    pltpu.sync_copy(wck_hbm, wck_v)
    iota = lax.iota(jnp.int32, 16)

    def build(it, ent):
        for m in range(7):
            off = min(16 * m, RPAD - 16)
            rcl = jnp.minimum(iota + off, 2 * L - 1)
            v = plsc.load_gather(idx_v, [jnp.full((16,), it, jnp.int32),
                                         rcl])
            e3 = v * NSEG
            for ct in range(NSEG):
                ent[ct, pl.ds(off, 16)] = e3 + ct

    def start(ent, dst, sem):
        for ct in range(NSEG):
            pltpu.async_copy(emb_hbm.at[ent.at[ct]],
                             dst.at[pl.ds(RPAD * ct, RPAD)], sem)

    def wait(ent, dst, sem):
        for ct in range(NSEG):
            pltpu.make_async_copy(emb_hbm.at[ent.at[ct]],
                                  dst.at[pl.ds(RPAD * ct, RPAD)], sem).wait()

    def compute(dst, it):
        def loads(rg):
            return tuple(
                dst[RPAD * ((16 * c) // 128) + rg, pl.ds((16 * c) % 128, 16)]
                for c in range(NCHUNK))

        for half in range(2):
            base = half * L

            def body(r, accs):
                return tuple(jnp.maximum(a, x)
                             for a, x in zip(accs, loads(base + r)))

            accs = lax.fori_loop(1, L, body, loads(base))
            psum = jnp.zeros((16,), jnp.float32)
            for c in range(NCHUNK):
                psum = psum + accs[c] * wck_v[c, :]
            out_v[2 * it + half, :] = psum

    build(0, ent_a)
    start(ent_a, dst_a, sem_a)

    def step2(k2, _):
        it0 = 2 * k2
        it1 = 2 * k2 + 1
        build(it1, ent_b)
        start(ent_b, dst_b, sem_b)
        wait(ent_a, dst_a, sem_a)
        compute(dst_a, it0)
        it2 = jnp.minimum(it0 + 2, iters - 1)
        build(it2, ent_a)
        start(ent_a, dst_a, sem_a)
        wait(ent_b, dst_b, sem_b)
        compute(dst_b, it1)
        return _

    lax.fori_loop(0, iters // 2, step2, 0)
    wait(ent_a, dst_a, sem_a)
    pltpu.sync_copy(out_v, out_hbm.at[pl.ds(row0 * 2, 2 * iters)])


def _make_sc_call(bags, iters):
    mesh = plsc.VectorSubcoreMesh(
        core_axis_name="c", subcore_axis_name="s",
        num_cores=NC, num_subcores=NS)
    return functools.partial(
        pl.kernel, mesh=mesh,
        compiler_params=pltpu.CompilerParams(
            use_tc_tiling_on_sc=False, needs_layout_passes=False),
        out_type=jax.ShapeDtypeStruct((bags, 16), jnp.float32),
        scratch_types=[
            pltpu.VMEM((iters, 2 * L), jnp.int32),
            pltpu.VMEM((NCHUNK, 16), jnp.float32),
            pltpu.VMEM((2 * iters, 16), jnp.float32),
            pltpu.VMEM((NSEG, RPAD), jnp.int32),
            pltpu.VMEM((NSEG, RPAD), jnp.int32),
            pltpu.VMEM((NSEG * RPAD, 128), jnp.float32),
            pltpu.VMEM((NSEG * RPAD, 128), jnp.float32),
            pltpu.SemaphoreType.DMA,
            pltpu.SemaphoreType.DMA,
        ])(_sc_body)


def _seg_body(in_ref, out_ref):
    x = jnp.pad(in_ref[:], ((0, 0), (0, DP - D)))
    out_ref[:] = x.reshape(out_ref.shape)


def _seg_table(emb):
    V = emb.shape[0]
    rows = 5000
    return pl.pallas_call(
        _seg_body,
        grid=(V // rows,),
        in_specs=[pl.BlockSpec((rows, D), lambda i: (i, 0))],
        out_specs=pl.BlockSpec((NSEG * rows, 128), lambda i: (i, 0)),
        out_shape=jax.ShapeDtypeStruct((NSEG * V, 128), jnp.float32),
    )(emb)


def _tc_body(part_ref, lab_ref, b_ref, logits_ref, loss_ref):
    part = part_ref[:]
    s = jnp.sum(part, axis=1, keepdims=True)
    a = s + b_ref[0, 0]
    logits_ref[:] = a
    n = part.shape[0] // 2
    l0 = a[:n]
    l1 = a[n:]
    m = jnp.maximum(l0, l1)
    logz = m + jnp.log(jnp.exp(l0 - m) + jnp.exp(l1 - m))
    ll = jnp.where(lab_ref[:] == 0, l0, l1)
    loss_ref[0, 0] = jnp.mean(logz - ll)


def kernel(warrant0s, warrant1s, label_ids, emb, W, b):
    B = warrant0s.shape[0]
    bags = 2 * B
    iters = bags // NW // 2

    idx = jnp.concatenate(
        [warrant0s.astype(jnp.int32), warrant1s.astype(jnp.int32)],
        axis=0).reshape(B, 2 * L)

    wck = jnp.pad(W.reshape(-1), (0, NCHUNK * 16 - D)).reshape(NCHUNK, 16)

    emb3 = _seg_table(emb)

    part = _make_sc_call(bags, iters)(idx, emb3, wck)

    logits_col, loss_arr = pl.pallas_call(
        _tc_body,
        out_shape=[
            jax.ShapeDtypeStruct((bags, 1), jnp.float32),
            jax.ShapeDtypeStruct((1, 1), jnp.float32),
        ],
        in_specs=[
            pl.BlockSpec(memory_space=pltpu.VMEM),
            pl.BlockSpec(memory_space=pltpu.VMEM),
            pl.BlockSpec(memory_space=pltpu.SMEM),
        ],
        out_specs=[
            pl.BlockSpec(memory_space=pltpu.VMEM),
            pl.BlockSpec(memory_space=pltpu.SMEM),
        ],
    )(part, label_ids.astype(jnp.int32).reshape(B, 1), b.reshape(1, 1))

    logits = jnp.concatenate([logits_col[:B], logits_col[B:]], axis=1)
    return (loss_arr[0, 0], logits)

# --- scband reference (transcript-rebuilt; emitter-appended) ---
"""Pipeline reference for scband-bov-w-53206054863514 (READ-ONLY COPY).

The authoritative reference and input builder live on the scoring server;
editing this copy changes nothing except your own understanding.
"""

import jax, jax.numpy as jnp
import numpy as np

VOCAB = 100000
DIM = 300
B = 4096
L = 50


def setup_inputs(seed: int = 0) -> dict:
    key = jax.random.key(seed)
    k1, k2, k3, k4, k5 = jax.random.split(key, 5)
    return {
        "warrant0s": jax.random.randint(k1, (B, L), 0, VOCAB, dtype=jnp.int64) if jax.config.jax_enable_x64 else jax.random.randint(k1, (B, L), 0, VOCAB),
        "warrant1s": jax.random.randint(k2, (B, L), 0, VOCAB),
        "label_ids": jax.random.randint(k3, (B,), 0, 2),
        "emb": jax.random.normal(k4, (VOCAB, DIM), dtype=jnp.float32) * 0.02,
        "W": jax.random.normal(k5, (1, DIM), dtype=jnp.float32) * 0.05,
        "b": jnp.zeros((1,), dtype=jnp.float32),
    }


def reference(warrant0s, warrant1s, label_ids, emb, W, b):
    # Embedding lookups (gather) -- the dominant, memory-bound op.
    w0 = jnp.take(emb, warrant0s, axis=0)  # [B, L, D]
    w1 = jnp.take(emb, warrant1s, axis=0)  # [B, L, D]
    # Bag-of-vectors max pooling over the sequence dimension.
    w0 = jnp.max(w0, axis=1)  # [B, D]
    w1 = jnp.max(w1, axis=1)  # [B, D]
    # Dropout is identity in eval mode.
    logits0 = w0 @ W.T + b  # [B, 1]
    logits1 = w1 @ W.T + b  # [B, 1]
    logits = jnp.concatenate([logits0, logits1], axis=1)  # [B, 2]
    # CrossEntropyLoss (mean reduction)
    logz = jax.scipy.special.logsumexp(logits, axis=1)
    ll = jnp.take_along_axis(logits, label_ids[:, None], axis=1)[:, 0]
    loss = jnp.mean(logz - ll)
    return (loss, logits)

if __name__ == "__main__":
    import jax
    _d = setup_inputs()
    print(jax.jit(kernel)(*tuple(_d.values())))

</pallas_src>

<mosaic_0001>
#map = affine_map<(d0, d1) -> (0, 0)>
module attributes {stable_mosaic.version = 14 : i64} {
  func.func @_sc_body(%arg0: i32, %arg1: i32, %arg2: memref<4096x100xi32, #tpu.memory_space<hbm>>, %arg3: memref<300000x128xf32, #tpu.memory_space<hbm>>, %arg4: memref<19x16xf32, #tpu.memory_space<hbm>>, %arg5: memref<8192x16xf32, #tpu.memory_space<hbm>>, %arg6: memref<128x100xi32, #tpu.memory_space<vmem>>, %arg7: memref<19x16xf32, #tpu.memory_space<vmem>>, %arg8: memref<256x16xf32, #tpu.memory_space<vmem>>, %arg9: memref<3x104xi32, #tpu.memory_space<vmem>>, %arg10: memref<3x104xi32, #tpu.memory_space<vmem>>, %arg11: memref<312x128xf32, #tpu.memory_space<vmem>>, %arg12: memref<312x128xf32, #tpu.memory_space<vmem>>, %arg13: memref<!tpu.dma_semaphore, #tpu.memory_space<semaphore_mem>>, %arg14: memref<!tpu.dma_semaphore, #tpu.memory_space<semaphore_mem>>) attributes {dimension_semantics = [#tpu.dimension_semantics<core_parallel>, #tpu.dimension_semantics<subcore_parallel>], iteration_bounds = array<i64: 2, 16>, scalar_prefetch = 0 : i64, scratch_operands = 9 : i64, tpu.core_type = #tpu.core_type<sc_vector_subcore>, window_params = [{transform_indices = #map}, {transform_indices = #map}, {transform_indices = #map}, {transform_indices = #map}]} {
    %mul3A = arith.constant 16 : i32
    %mul3A_0 = arith.muli %arg0, %mul3A : i32
    %add3A = arith.addi %mul3A_0, %arg1 : i32
    %mul3A_1 = arith.constant 128 : i32
    %mul3A_2 = arith.muli %add3A, %mul3A_1 : i32
    "tpu.region"() ({
      %run_scoped3A = tpu.sem_alloc : memref<!tpu.dma_semaphore, #tpu.memory_space<semaphore_mem>>
      %dma_start3A_295 = arith.constant 0 : i32
      %dma_start3A_296 = tpu.memref_slice %arg2[%mul3A_2, %dma_start3A_295] : memref<4096x100xi32, #tpu.memory_space<hbm>> -> memref<128x100xi32, #tpu.memory_space<hbm>>
      %dma_start3A_297 = arith.constant 0 : i32
      %dma_start3A_298 = tpu.memref_slice %arg2[%mul3A_2, %dma_start3A_297] : memref<4096x100xi32, #tpu.memory_space<hbm>> -> memref<128x100xi32, #tpu.memory_space<hbm>>
      tpu.enqueue_dma source(%dma_start3A_298 : memref<128x100xi32, #tpu.memory_space<hbm>>) target(%arg6 : memref<128x100xi32, #tpu.memory_space<vmem>>) target_semaphore(%run_scoped3A : memref<!tpu.dma_semaphore, #tpu.memory_space<semaphore_mem>>)
      %dma_wait3A_299 = arith.constant 0 : i32
      %dma_wait3A_300 = tpu.memref_slice %arg2[%mul3A_2, %dma_wait3A_299] : memref<4096x100xi32, #tpu.memory_space<hbm>> -> memref<128x100xi32, #tpu.memory_space<hbm>>
      %dma_wait3A_301 = arith.constant 0 : i32
      %dma_wait3A_302 = tpu.memref_slice %arg2[%mul3A_2, %dma_wait3A_301] : memref<4096x100xi32, #tpu.memory_space<hbm>> -> memref<128x100xi32, #tpu.memory_space<hbm>>
      tpu.wait_dma2 semaphore(%run_scoped3A : memref<!tpu.dma_semaphore, #tpu.memory_space<semaphore_mem>>) src(%dma_wait3A_302 : memref<128x100xi32, #tpu.memory_space<hbm>>) dst(%arg6 : memref<128x100xi32, #tpu.memory_space<vmem>>)
      tpu.yield
    }) : () -> ()
    "tpu.region"() ({
      %run_scoped3A = tpu.sem_alloc : memref<!tpu.dma_semaphore, #tpu.memory_space<semaphore_mem>>
      tpu.enqueue_dma source(%arg4 : memref<19x16xf32, #tpu.memory_space<hbm>>) target(%arg7 : memref<19x16xf32, #tpu.memory_space<vmem>>) target_semaphore(%run_scoped3A : memref<!tpu.dma_semaphore, #tpu.memory_space<semaphore_mem>>)
      tpu.wait_dma2 semaphore(%run_scoped3A : memref<!tpu.dma_semaphore, #tpu.memory_space<semaphore_mem>>) src(%arg4 : memref<19x16xf32, #tpu.memory_space<hbm>>) dst(%arg7 : memref<19x16xf32, #tpu.memory_space<vmem>>)
      tpu.yield
    }) : () -> ()
    %iota3A = tpu.iota {dimensions = array<i32: 0>} : vector<16xi32>
    %add3A_3 = arith.constant 0 : i32
    %add3A_4 = vector.broadcast %add3A_3 : i32 to vector<16xi32>
    %add3A_5 = arith.addi %iota3A, %add3A_4 : vector<16xi32>
    %min3A = arith.constant 99 : i32
    %min3A_6 = vector.broadcast %min3A : i32 to vector<16xi32>
    %min3A_7 = arith.minsi %add3A_5, %min3A_6 : vector<16xi32>
    %broadcast_in_dim3A = arith.constant 0 : i32
    %broadcast_in_dim3A_8 = vector.broadcast %broadcast_in_dim3A : i32 to vector<16xi32>
    %gather3A = tpu.vector_load_idx %arg6[%broadcast_in_dim3A_8, %min3A_7] : memref<128x100xi32, #tpu.memory_space<vmem>>[vector<16xi32>, vector<16xi32>], vector<16xi32>,
    %mul3A_9 = arith.constant 3 : i32
    %mul3A_10 = vector.broadcast %mul3A_9 : i32 to vector<16xi32>
    %mul3A_11 = arith.muli %gather3A, %mul3A_10 : vector<16xi32>
    %add3A_12 = arith.constant 0 : i32
    %add3A_13 = vector.broadcast %add3A_12 : i32 to vector<16xi32>
    %add3A_14 = arith.addi %mul3A_11, %add3A_13 : vector<16xi32>
    %swap3A = arith.constant 0 : i32
    %swap3A_15 = arith.index_cast %swap3A : i32 to index
    %swap3A_16 = arith.constant 0 : index
    %swap3A_17 = tpu.vector_load %arg9[%swap3A_15, %swap3A_16] {strides = array<i32>} : memref<3x104xi32, #tpu.memory_space<vmem>>, vector<16xi32>,
    tpu.vector_store %arg9[%swap3A_15, %swap3A_16], %add3A_14 {strides = array<i32>} : memref<3x104xi32, #tpu.memory_space<vmem>>, vector<16xi32>,
    %add3A_18 = arith.constant 1 : i32
    %add3A_19 = vector.broadcast %add3A_18 : i32 to vector<16xi32>
    %add3A_20 = arith.addi %mul3A_11, %add3A_19 : vector<16xi32>
    %swap3A_21 = arith.constant 1 : i32
    %swap3A_22 = arith.index_cast %swap3A_21 : i32 to index
    %swap3A_23 = arith.constant 0 : index
    %swap3A_24 = tpu.vector_load %arg9[%swap3A_22, %swap3A_23] {strides = array<i32>} : memref<3x104xi32, #tpu.memory_space<vmem>>, vector<16xi32>,
    tpu.vector_store %arg9[%swap3A_22, %swap3A_23], %add3A_20 {strides = array<i32>} : memref<3x104xi32, #tpu.memory_space<vmem>>, vector<16xi32>,
    %add3A_25 = arith.constant 2 : i32
    %add3A_26 = vector.broadcast %add3A_25 : i32 to vector<16xi32>
    %add3A_27 = arith.addi %mul3A_11, %add3A_26 : vector<16xi32>
    %swap3A_28 = arith.constant 2 : i32
    %swap3A_29 = arith.index_cast %swap3A_28 : i32 to index
    %swap3A_30 = arith.constant 0 : index
    %swap3A_31 = tpu.vector_load %arg9[%swap3A_29, %swap3A_30] {strides = array<i32>} : memref<3x104xi32, #tpu.memory_space<vmem>>, vector<16xi32>,
    tpu.vector_store %arg9[%swap3A_29, %swap3A_30], %add3A_27 {strides = array<i32>} : memref<3x104xi32, #tpu.memory_space<vmem>>, vector<16xi32>,
    %add3A_32 = arith.constant 16 : i32
    %add3A_33 = vector.broadcast %add3A_32 : i32 to vector<16xi32>
    %add3A_34 = arith.addi %iota3A, %add3A_33 : vector<16xi32>
    %min3A_35 = arith.constant 99 : i32
    %min3A_36 = vector.broadcast %min3A_35 : i32 to vector<16xi32>
    %min3A_37 = arith.minsi %add3A_34, %min3A_36 : vector<16xi32>
    %broadcast_in_dim3A_38 = arith.constant 0 : i32
    %broadcast_in_dim3A_39 = vector.broadcast %broadcast_in_dim3A_38 : i32 to vector<16xi32>
    %gather3A_40 = tpu.vector_load_idx %arg6[%broadcast_in_dim3A_39, %min3A_37] : memref<128x100xi32, #tpu.memory_space<vmem>>[vector<16xi32>, vector<16xi32>], vector<16xi32>,
    %mul3A_41 = arith.constant 3 : i32
    %mul3A_42 = vector.broadcast %mul3A_41 : i32 to vector<16xi32>
    %mul3A_43 = arith.muli %gather3A_40, %mul3A_42 : vector<16xi32>
    %add3A_44 = arith.constant 0 : i32
    %add3A_45 = vector.broadcast %add3A_44 : i32 to vector<16xi32>
    %add3A_46 = arith.addi %mul3A_43, %add3A_45 : vector<16xi32>
    %swap3A_47 = arith.constant 0 : i32
    %swap3A_48 = arith.index_cast %swap3A_47 : i32 to index
    %swap3A_49 = arith.constant 16 : index
    %swap3A_50 = tpu.vector_load %arg9[%swap3A_48, %swap3A_49] {strides = array<i32>} : memref<3x104xi32, #tpu.memory_space<vmem>>, vector<16xi32>,
    tpu.vector_store %arg9[%swap3A_48, %swap3A_49], %add3A_46 {strides = array<i32>} : memref<3x104xi32, #tpu.memory_space<vmem>>, vector<16xi32>,
    %add3A_51 = arith.constant 1 : i32
    %add3A_52 = vector.broadcast %add3A_51 : i32 to vector<16xi32>
    %add3A_53 = arith.addi %mul3A_43, %add3A_52 : vector<16xi32>
    %swap3A_54 = arith.constant 1 : i32
    %swap3A_55 = arith.index_cast %swap3A_54 : i32 to index
    %swap3A_56 = arith.constant 16 : index
    %swap3A_57 = tpu.vector_load %arg9[%swap3A_55, %swap3A_56] {strides = array<i32>} : memref<3x104xi32, #tpu.memory_space<vmem>>, vector<16xi32>,
    tpu.vector_store %arg9[%swap3A_55, %swap3A_56], %add3A_53 {strides = array<i32>} : memref<3x104xi32, #tpu.memory_space<vmem>>, vector<16xi32>,
    %add3A_58 = arith.constant 2 : i32
    %add3A_59 = vector.broadcast %add3A_58 : i32 to vector<16xi32>
    %add3A_60 = arith.addi %mul3A_43, %add3A_59 : vector<16xi32>
    %swap3A_61 = arith.constant 2 : i32
    %swap3A_62 = arith.index_cast %swap3A_61 : i32 to index
    %swap3A_63 = arith.constant 16 : index
    %swap3A_64 = tpu.vector_load %arg9[%swap3A_62, %swap3A_63] {strides = array<i32>} : memref<3x104xi32, #tpu.memory_space<vmem>>, vector<16xi32>,
    tpu.vector_store %arg9[%swap3A_62, %swap3A_63], %add3A_60 {strides = array<i32>} : memref<3x104xi32, #tpu.memory_space<vmem>>, vector<16xi32>,
    %add3A_65 = arith.constant 32 : i32
    %add3A_66 = vector.broadcast %add3A_65 : i32 to vector<16xi32>
    %add3A_67 = arith.addi %iota3A, %add3A_66 : vector<16xi32>
    %min3A_68 = arith.constant 99 : i32
    %min3A_69 = vector.broadcast %min3A_68 : i32 to vector<16xi32>
    %min3A_70 = arith.minsi %add3A_67, %min3A_69 : vector<16xi32>
    %broadcast_in_dim3A_71 = arith.constant 0 : i32
    %broadcast_in_dim3A_72 = vector.broadcast %broadcast_in_dim3A_71 : i32 to vector<16xi32>
    %gather3A_73 = tpu.vector_load_idx %arg6[%broadcast_in_dim3A_72, %min3A_70] : memref<128x100xi32, #tpu.memory_space<vmem>>[vector<16xi32>, vector<16xi32>], vector<16xi32>,
    %mul3A_74 = arith.constant 3 : i32
    %mul3A_75 = vector.broadcast %mul3A_74 : i32 to vector<16xi32>
    %mul3A_76 = arith.muli %gather3A_73, %mul3A_75 : vector<16xi32>
    %add3A_77 = arith.constant 0 : i32
    %add3A_78 = vector.broadcast %add3A_77 : i32 to vector<16xi32>
    %add3A_79 = arith.addi %mul3A_76, %add3A_78 : vector<16xi32>
    %swap3A_80 = arith.constant 0 : i32
    %swap3A_81 = arith.index_cast %swap3A_80 : i32 to index
    %swap3A_82 = arith.constant 32 : index
    %swap3A_83 = tpu.vector_load %arg9[%swap3A_81, %swap3A_82] {strides = array<i32>} : memref<3x104xi32, #tpu.memory_space<vmem>>, vector<16xi32>,
    tpu.vector_store %arg9[%swap3A_81, %swap3A_82], %add3A_79 {strides = array<i32>} : memref<3x104xi32, #tpu.memory_space<vmem>>, vector<16xi32>,
    %add3A_84 = arith.constant 1 : i32
    %add3A_85 = vector.broadcast %add3A_84 : i32 to vector<16xi32>
    %add3A_86 = arith.addi %mul3A_76, %add3A_85 : vector<16xi32>
    %swap3A_87 = arith.constant 1 : i32
    %swap3A_88 = arith.index_cast %swap3A_87 : i32 to index
    %swap3A_89 = arith.constant 32 : index
    %swap3A_90 = tpu.vector_load %arg9[%swap3A_88, %swap3A_89] {strides = array<i32>} : memref<3x104xi32, #tpu.memory_space<vmem>>, vector<16xi32>,
    tpu.vector_store %arg9[%swap3A_88, %swap3A_89], %add3A_86 {strides = array<i32>} : memref<3x104xi32, #tpu.memory_space<vmem>>, vector<16xi32>,
    %add3A_91 = arith.constant 2 : i32
    %add3A_92 = vector.broadcast %add3A_91 : i32 to vector<16xi32>
    %add3A_93 = arith.addi %mul3A_76, %add3A_92 : vector<16xi32>
    %swap3A_94 = arith.constant 2 : i32
    %swap3A_95 = arith.index_cast %swap3A_94 : i32 to index
    %swap3A_96 = arith.constant 32 : index
    %swap3A_97 = tpu.vector_load %arg9[%swap3A_95, %swap3A_96] {strides = array<i32>} : memref<3x104xi32, #tpu.memory_space<vmem>>, vector<16xi32>,
    tpu.vector_store %arg9[%swap3A_95, %swap3A_96], %add3A_93 {strides = array<i32>} : memref<3x104xi32, #tpu.memory_space<vmem>>, vector<16xi32>,
    %add3A_98 = arith.constant 48 : i32
    %add3A_99 = vector.broadcast %add3A_98 : i32 to vector<16xi32>
    %add3A_100 = arith.addi %iota3A, %add3A_99 : vector<16xi32>
    %min3A_101 = arith.constant 99 : i32
    %min3A_102 = vector.broadcast %min3A_101 : i32 to vector<16xi32>
    %min3A_103 = arith.minsi %add3A_100, %min3A_102 : vector<16xi32>
    %broadcast_in_dim3A_104 = arith.constant 0 : i32
    %broadcast_in_dim3A_105 = vector.broadcast %broadcast_in_dim3A_104 : i32 to vector<16xi32>
    %gather3A_106 = tpu.vector_load_idx %arg6[%broadcast_in_dim3A_105, %min3A_103] : memref<128x100xi32, #tpu.memory_space<vmem>>[vector<16xi32>, vector<16xi32>], vector<16xi32>,
    %mul3A_107 = arith.constant 3 : i32
    %mul3A_108 = vector.broadcast %mul3A_107 : i32 to vector<16xi32>
    %mul3A_109 = arith.muli %gather3A_106, %mul3A_108 : vector<16xi32>
    %add3A_110 = arith.constant 0 : i32
    %add3A_111 = vector.broadcast %add3A_110 : i32 to vector<16xi32>
    %add3A_112 = arith.addi %mul3A_109, %add3A_111 : vector<16xi32>
    %swap3A_113 = arith.constant 0 : i32
    %swap3A_114 = arith.index_cast %swap3A_113 : i32 to index
    %swap3A_115 = arith.constant 48 : index
    %swap3A_116 = tpu.vector_load %arg9[%swap3A_114, %swap3A_115] {strides = array<i32>} : memref<3x104xi32, #tpu.memory_space<vmem>>, vector<16xi32>,
    tpu.vector_store %arg9[%swap3A_114, %swap3A_115], %add3A_112 {strides = array<i32>} : memref<3x104xi32, #tpu.memory_space<vmem>>, vector<16xi32>,
    %add3A_117 = arith.constant 1 : i32
    %add3A_118 = vector.broadcast %add3A_117 : i32 to vector<16xi32>
    %add3A_119 = arith.addi %mul3A_109, %add3A_118 : vector<16xi32>
    %swap3A_120 = arith.constant 1 : i32
    %swap3A_121 = arith.index_cast %swap3A_120 : i32 to index
    %swap3A_122 = arith.constant 48 : index
    %swap3A_123 = tpu.vector_load %arg9[%swap3A_121, %swap3A_122] {strides = array<i32>} : memref<3x104xi32, #tpu.memory_space<vmem>>, vector<16xi32>,
    tpu.vector_store %arg9[%swap3A_121, %swap3A_122], %add3A_119 {strides = array<i32>} : memref<3x104xi32, #tpu.memory_space<vmem>>, vector<16xi32>,
    %add3A_124 = arith.constant 2 : i32
    %add3A_125 = vector.broadcast %add3A_124 : i32 to vector<16xi32>
    %add3A_126 = arith.addi %mul3A_109, %add3A_125 : vector<16xi32>
    %swap3A_127 = arith.constant 2 : i32
    %swap3A_128 = arith.index_cast %swap3A_127 : i32 to index
    %swap3A_129 = arith.constant 48 : index
    %swap3A_130 = tpu.vector_load %arg9[%swap3A_128, %swap3A_129] {strides = array<i32>} : memref<3x104xi32, #tpu.memory_space<vmem>>, vector<16xi32>,
    tpu.vector_store %arg9[%swap3A_128, %swap3A_129], %add3A_126 {strides = array<i32>} : memref<3x104xi32, #tpu.memory_space<vmem>>, vector<16xi32>,
    %add3A_131 = arith.constant 64 : i32
    %add3A_132 = vector.broadcast %add3A_131 : i32 to vector<16xi32>
    %add3A_133 = arith.addi %iota3A, %add3A_132 : vector<16xi32>
    %min3A_134 = arith.constant 99 : i32
    %min3A_135 = vector.broadcast %min3A_134 : i32 to vector<16xi32>
    %min3A_136 = arith.minsi %add3A_133, %min3A_135 : vector<16xi32>
    %broadcast_in_dim3A_137 = arith.constant 0 : i32
    %broadcast_in_dim3A_138 = vector.broadcast %broadcast_in_dim3A_137 : i32 to vector<16xi32>
    %gather3A_139 = tpu.vector_load_idx %arg6[%broadcast_in_dim3A_138, %min3A_136] : memref<128x100xi32, #tpu.memory_space<vmem>>[vector<16xi32>, vector<16xi32>], vector<16xi32>,
    %mul3A_140 = arith.constant 3 : i32
    %mul3A_141 = vector.broadcast %mul3A_140 : i32 to vector<16xi32>
    %mul3A_142 = arith.muli %gather3A_139, %mul3A_141 : vector<16xi32>
    %add3A_143 = arith.constant 0 : i32
    %add3A_144 = vector.broadcast %add3A_143 : i32 to vector<16xi32>
    %add3A_145 = arith.addi %mul3A_142, %add3A_144 : vector<16xi32>
    %swap3A_146 = arith.constant 0 : i32
    %swap3A_147 = arith.index_cast %swap3A_146 : i32 to index
    %swap3A_148 = arith.constant 64 : index
    %swap3A_149 = tpu.vector_load %arg9[%swap3A_147, %swap3A_148] {strides = array<i32>} : memref<3x104xi32, #tpu.memory_space<vmem>>, vector<16xi32>,
    tpu.vector_store %arg9[%swap3A_147, %swap3A_148], %add3A_145 {strides = array<i32>} : memref<3x104xi32, #tpu.memory_space<vmem>>, vector<16xi32>,
    %add3A_150 = arith.constant 1 : i32
    %add3A_151 = vector.broadcast %add3A_150 : i32 to vector<16xi32>
    %add3A_152 = arith.addi %mul3A_142, %add3A_151 : vector<16xi32>
    %swap3A_153 = arith.constant 1 : i32
    %swap3A_154 = arith.index_cast %swap3A_153 : i32 to index
    %swap3A_155 = arith.constant 64 : index
    %swap3A_156 = tpu.vector_load %arg9[%swap3A_154, %swap3A_155] {strides = array<i32>} : memref<3x104xi32, #tpu.memory_space<vmem>>, vector<16xi32>,
    tpu.vector_store %arg9[%swap3A_154, %swap3A_155], %add3A_152 {strides = array<i32>} : memref<3x104xi32, #tpu.memory_space<vmem>>, vector<16xi32>,
    %add3A_157 = arith.constant 2 : i32
    %add3A_158 = vector.broadcast %add3A_157 : i32 to vector<16xi32>
    %add3A_159 = arith.addi %mul3A_142, %add3A_158 : vector<16xi32>
    %swap3A_160 = arith.constant 2 : i32
    %swap3A_161 = arith.index_cast %swap3A_160 : i32 to index
    %swap3A_162 = arith.constant 64 : index
    %swap3A_163 = tpu.vector_load %arg9[%swap3A_161, %swap3A_162] {strides = array<i32>} : memref<3x104xi32, #tpu.memory_space<vmem>>, vector<16xi32>,
    tpu.vector_store %arg9[%swap3A_161, %swap3A_162], %add3A_159 {strides = array<i32>} : memref<3x104xi32, #tpu.memory_space<vmem>>, vector<16xi32>,
    %add3A_164 = arith.constant 80 : i32
    %add3A_165 = vector.broadcast %add3A_164 : i32 to vector<16xi32>
    %add3A_166 = arith.addi %iota3A, %add3A_165 : vector<16xi32>
    %min3A_167 = arith.constant 99 : i32
    %min3A_168 = vector.broadcast %min3A_167 : i32 to vector<16xi32>
    %min3A_169 = arith.minsi %add3A_166, %min3A_168 : vector<16xi32>
    %broadcast_in_dim3A_170 = arith.constant 0 : i32
    %broadcast_in_dim3A_171 = vector.broadcast %broadcast_in_dim3A_170 : i32 to vector<16xi32>
    %gather3A_172 = tpu.vector_load_idx %arg6[%broadcast_in_dim3A_171, %min3A_169] : memref<128x100xi32, #tpu.memory_space<vmem>>[vector<16xi32>, vector<16xi32>], vector<16xi32>,
    %mul3A_173 = arith.constant 3 : i32
    %mul3A_174 = vector.broadcast %mul3A_173 : i32 to vector<16xi32>
    %mul3A_175 = arith.muli %gather3A_172, %mul3A_174 : vector<16xi32>
    %add3A_176 = arith.constant 0 : i32
    %add3A_177 = vector.broadcast %add3A_176 : i32 to vector<16xi32>
    %add3A_178 = arith.addi %mul3A_175, %add3A_177 : vector<16xi32>
    %swap3A_179 = arith.constant 0 : i32
    %swap3A_180 = arith.index_cast %swap3A_179 : i32 to index
    %swap3A_181 = arith.constant 80 : index
    %swap3A_182 = tpu.vector_load %arg9[%swap3A_180, %swap3A_181] {strides = array<i32>} : memref<3x104xi32, #tpu.memory_space<vmem>>, vector<16xi32>,
    tpu.vector_store %arg9[%swap3A_180, %swap3A_181], %add3A_178 {strides = array<i32>} : memref<3x104xi32, #tpu.memory_space<vmem>>, vector<16xi32>,
    %add3A_183 = arith.constant 1 : i32
    %add3A_184 = vector.broadcast %add3A_183 : i32 to vector<16xi32>
    %add3A_185 = arith.addi %mul3A_175, %add3A_184 : vector<16xi32>
    %swap3A_186 = arith.constant 1 : i32
    %swap3A_187 = arith.index_cast %swap3A_186 : i32 to index
    %swap3A_188 = arith.constant 80 : index
    %swap3A_189 = tpu.vector_load %arg9[%swap3A_187, %swap3A_188] {strides = array<i32>} : memref<3x104xi32, #tpu.memory_space<vmem>>, vector<16xi32>,
    tpu.vector_store %arg9[%swap3A_187, %swap3A_188], %add3A_185 {strides = array<i32>} : memref<3x104xi32, #tpu.memory_space<vmem>>, vector<16xi32>,
    %add3A_190 = arith.constant 2 : i32
    %add3A_191 = vector.broadcast %add3A_190 : i32 to vector<16xi32>
    %add3A_192 = arith.addi %mul3A_175, %add3A_191 : vector<16xi32>
    %swap3A_193 = arith.constant 2 : i32
    %swap3A_194 = arith.index_cast %swap3A_193 : i32 to index
    %swap3A_195 = arith.constant 80 : index
    %swap3A_196 = tpu.vector_load %arg9[%swap3A_194, %swap3A_195] {strides = array<i32>} : memref<3x104xi32, #tpu.memory_space<vmem>>, vector<16xi32>,
    tpu.vector_store %arg9[%swap3A_194, %swap3A_195], %add3A_192 {strides = array<i32>} : memref<3x104xi32, #tpu.memory_space<vmem>>, vector<16xi32>,
    %add3A_197 = arith.constant 88 : i32
    %add3A_198 = vector.broadcast %add3A_197 : i32 to vector<16xi32>
    %add3A_199 = arith.addi %iota3A, %add3A_198 : vector<16xi32>
    %min3A_200 = arith.constant 99 : i32
    %min3A_201 = vector.broadcast %min3A_200 : i32 to vector<16xi32>
    %min3A_202 = arith.minsi %add3A_199, %min3A_201 : vector<16xi32>
    %broadcast_in_dim3A_203 = arith.constant 0 : i32
    %broadcast_in_dim3A_204 = vector.broadcast %broadcast_in_dim3A_203 : i32 to vector<16xi32>
    %gather3A_205 = tpu.vector_load_idx %arg6[%broadcast_in_dim3A_204, %min3A_202] : memref<128x100xi32, #tpu.memory_space<vmem>>[vector<16xi32>, vector<16xi32>], vector<16xi32>,
    %mul3A_206 = arith.constant 3 : i32
    %mul3A_207 = vector.broadcast %mul3A_206 : i32 to vector<16xi32>
    %mul3A_208 = arith.muli %gather3A_205, %mul3A_207 : vector<16xi32>
    %add3A_209 = arith.constant 0 : i32
    %add3A_210 = vector.broadcast %add3A_209 : i32 to vector<16xi32>
    %add3A_211 = arith.addi %mul3A_208, %add3A_210 : vector<16xi32>
    %swap3A_212 = arith.constant 0 : i32
    %swap3A_213 = arith.index_cast %swap3A_212 : i32 to index
    %swap3A_214 = arith.constant 88 : index
    %swap3A_215 = tpu.vector_load %arg9[%swap3A_213, %swap3A_214] {strides = array<i32>} : memref<3x104xi32, #tpu.memory_space<vmem>>, vector<16xi32>,
    tpu.vector_store %arg9[%swap3A_213, %swap3A_214], %add3A_211 {strides = array<i32>} : memref<3x104xi32, #tpu.memory_space<vmem>>, vector<16xi32>,
    %add3A_216 = arith.constant 1 : i32
    %add3A_217 = vector.broadcast %add3A_216 : i32 to vector<16xi32>
    %add3A_218 = arith.addi %mul3A_208, %add3A_217 : vector<16xi32>
    %swap3A_219 = arith.constant 1 : i32
    %swap3A_220 = arith.index_cast %swap3A_219 : i32 to index
    %swap3A_221 = arith.constant 88 : index
    %swap3A_222 = tpu.vector_load %arg9[%swap3A_220, %swap3A_221] {strides = array<i32>} : memref<3x104xi32, #tpu.memory_space<vmem>>, vector<16xi32>,
    tpu.vector_store %arg9[%swap3A_220, %swap3A_221], %add3A_218 {strides = array<i32>} : memref<3x104xi32, #tpu.memory_space<vmem>>, vector<16xi32>,
    %add3A_223 = arith.constant 2 : i32
    %add3A_224 = vector.broadcast %add3A_223 : i32 to vector<16xi32>
    %add3A_225 = arith.addi %mul3A_208, %add3A_224 : vector<16xi32>
    %swap3A_226 = arith.constant 2 : i32
    %swap3A_227 = arith.index_cast %swap3A_226 : i32 to index
    %swap3A_228 = arith.constant 88 : index
    %swap3A_229 = tpu.vector_load %arg9[%swap3A_227, %swap3A_228] {strides = array<i32>} : memref<3x104xi32, #tpu.memory_space<vmem>>, vector<16xi32>,
    tpu.vector_store %arg9[%swap3A_227, %swap3A_228], %add3A_225 {strides = array<i32>} : memref<3x104xi32, #tpu.memory_space<vmem>>, vector<16xi32>,
    %dma_start3A = arith.constant 0 : i32
    %dma_start3A_230 = arith.constant 0 : i32
    %dma_start3A_231 = arith.constant 0 : i32
    %dma_start3A_232 = tpu.memref_slice %arg11[%dma_start3A_230, %dma_start3A_231] : memref<312x128xf32, #tpu.memory_space<vmem>> -> memref<104x128xf32, #tpu.memory_space<vmem>>
    %dma_start3A_233 = arith.constant 0 : i32
    %dma_start3A_234 = tpu.memref_slice %arg9[%dma_start3A, %dma_start3A_233] : memref<3x104xi32, #tpu.memory_space<vmem>> -> memref<1x104xi32, #tpu.memory_space<vmem>>
    %dma_start3A_235 = tpu.memref_squeeze %dma_start3A_234 : memref<1x104xi32, #tpu.memory_space<vmem>> -> memref<104xi32, #tpu.memory_space<vmem>>
    %dma_start3A_236 = arith.constant 0 : i32
    %dma_start3A_237 = arith.constant 0 : i32
    %dma_start3A_238 = tpu.memref_slice %arg3[%dma_start3A_236, %dma_start3A_237] : memref<300000x128xf32, #tpu.memory_space<hbm>> -> memref<300000x128xf32, #tpu.memory_space<hbm>>
    tpu.enqueue_indirect_dma source(%dma_start3A_238 : memref<300000x128xf32, #tpu.memory_space<hbm>>) target(%dma_start3A_232 : memref<104x128xf32, #tpu.memory_space<vmem>>) offsets(%dma_start3A_235 : memref<104xi32, #tpu.memory_space<vmem>>) semaphore(%arg13 : memref<!tpu.dma_semaphore, #tpu.memory_space<semaphore_mem>>)
    %dma_start3A_239 = arith.constant 1 : i32
    %dma_start3A_240 = arith.constant 104 : i32
    %dma_start3A_241 = arith.constant 0 : i32
    %dma_start3A_242 = tpu.memref_slice %arg11[%dma_start3A_240, %dma_start3A_241] : memref<312x128xf32, #tpu.memory_space<vmem>> -> memref<104x128xf32, #tpu.memory_space<vmem>>
    %dma_start3A_243 = arith.constant 0 : i32
    %dma_start3A_244 = tpu.memref_slice %arg9[%dma_start3A_239, %dma_start3A_243] : memref<3x104xi32, #tpu.memory_space<vmem>> -> memref<1x104xi32, #tpu.memory_space<vmem>>
    %dma_start3A_245 = tpu.memref_squeeze %dma_start3A_244 : memref<1x104xi32, #tpu.memory_space<vmem>> -> memref<104xi32, #tpu.memory_space<vmem>>
    %dma_start3A_246 = arith.constant 0 : i32
    %dma_start3A_247 = arith.constant 0 : i32
    %dma_start3A_248 = tpu.memref_slice %arg3[%dma_start3A_246, %dma_start3A_247] : memref<300000x128xf32, #tpu.memory_space<hbm>> -> memref<300000x128xf32, #tpu.memory_space<hbm>>
    tpu.enqueue_indirect_dma source(%dma_start3A_248 : memref<300000x128xf32, #tpu.memory_space<hbm>>) target(%dma_start3A_242 : memref<104x128xf32, #tpu.memory_space<vmem>>) offsets(%dma_start3A_245 : memref<104xi32, #tpu.memory_space<vmem>>) semaphore(%arg13 : memref<!tpu.dma_semaphore, #tpu.memory_space<semaphore_mem>>)
    %dma_start3A_249 = arith.constant 2 : i32
    %dma_start3A_250 = arith.constant 208 : i32
    %dma_start3A_251 = arith.constant 0 : i32
    %dma_start3A_252 = tpu.memref_slice %arg11[%dma_start3A_250, %dma_start3A_251] : memref<312x128xf32, #tpu.memory_space<vmem>> -> memref<104x128xf32, #tpu.memory_space<vmem>>
    %dma_start3A_253 = arith.constant 0 : i32
    %dma_start3A_254 = tpu.memref_slice %arg9[%dma_start3A_249, %dma_start3A_253] : memref<3x104xi32, #tpu.memory_space<vmem>> -> memref<1x104xi32, #tpu.memory_space<vmem>>
    %dma_start3A_255 = tpu.memref_squeeze %dma_start3A_254 : memref<1x104xi32, #tpu.memory_space<vmem>> -> memref<104xi32, #tpu.memory_space<vmem>>
    %dma_start3A_256 = arith.constant 0 : i32
    %dma_start3A_257 = arith.constant 0 : i32
    %dma_start3A_258 = tpu.memref_slice %arg3[%dma_start3A_256, %dma_start3A_257] : memref<300000x128xf32, #tpu.memory_space<hbm>> -> memref<300000x128xf32, #tpu.memory_space<hbm>>
    tpu.enqueue_indirect_dma source(%dma_start3A_258 : memref<300000x128xf32, #tpu.memory_space<hbm>>) target(%dma_start3A_252 : memref<104x128xf32, #tpu.memory_space<vmem>>) offsets(%dma_start3A_255 : memref<104xi32, #tpu.memory_space<vmem>>) semaphore(%arg13 : memref<!tpu.dma_semaphore, #tpu.memory_space<semaphore_mem>>)
    %scan3A = arith.constant 0 : i32
    %scan3A_259 = arith.constant 0 : i32
    %scan3A_260 = arith.constant 64 : i32
    %scan3A_261 = arith.addi %scan3A_259, %scan3A_260 : i32
    %scan3A_262 = arith.constant 1 : i32
    scf.for %scan3A_295 = %scan3A_259 to %scan3A_261 step %scan3A_262  : i32 {
      %mul3A_296 = arith.constant 2 : i32
      %mul3A_297 = arith.muli %mul3A_296, %scan3A_295 : i32
      %mul3A_298 = arith.constant 2 : i32
      %mul3A_299 = arith.muli %mul3A_298, %scan3A_295 : i32
      %add3A_300 = arith.constant 1 : i32
      %add3A_301 = arith.addi %mul3A_299, %add3A_300 : i32
      %add3A_302 = arith.constant 0 : i32
      %add3A_303 = vector.broadcast %add3A_302 : i32 to vector<16xi32>
      %add3A_304 = arith.addi %iota3A, %add3A_303 : vector<16xi32>
      %min3A_305 = arith.constant 99 : i32
      %min3A_306 = vector.broadcast %min3A_305 : i32 to vector<16xi32>
      %min3A_307 = arith.minsi %add3A_304, %min3A_306 : vector<16xi32>
      %broadcast_in_dim3A_308 = vector.broadcast %add3A_301 : i32 to vector<16xi32>
      %gather3A_309 = tpu.vector_load_idx %arg6[%broadcast_in_dim3A_308, %min3A_307] : memref<128x100xi32, #tpu.memory_space<vmem>>[vector<16xi32>, vector<16xi32>], vector<16xi32>,
      %mul3A_310 = arith.constant 3 : i32
      %mul3A_311 = vector.broadcast %mul3A_310 : i32 to vector<16xi32>
      %mul3A_312 = arith.muli %gather3A_309, %mul3A_311 : vector<16xi32>
      %add3A_313 = arith.constant 0 : i32
      %add3A_314 = vector.broadcast %add3A_313 : i32 to vector<16xi32>
      %add3A_315 = arith.addi %mul3A_312, %add3A_314 : vector<16xi32>
      %swap3A_316 = arith.constant 0 : i32
      %swap3A_317 = arith.index_cast %swap3A_316 : i32 to index
      %swap3A_318 = arith.constant 0 : index
      %swap3A_319 = tpu.vector_load %arg10[%swap3A_317, %swap3A_318] {strides = array<i32>} : memref<3x104xi32, #tpu.memory_space<vmem>>, vector<16xi32>,
      tpu.vector_store %arg10[%swap3A_317, %swap3A_318], %add3A_315 {strides = array<i32>} : memref<3x104xi32, #tpu.memory_space<vmem>>, vector<16xi32>,
      %add3A_320 = arith.constant 1 : i32
      %add3A_321 = vector.broadcast %add3A_320 : i32 to vector<16xi32>
      %add3A_322 = arith.addi %mul3A_312, %add3A_321 : vector<16xi32>
      %swap3A_323 = arith.constant 1 : i32
      %swap3A_324 = arith.index_cast %swap3A_323 : i32 to index
      %swap3A_325 = arith.constant 0 : index
      %swap3A_326 = tpu.vector_load %arg10[%swap3A_324, %swap3A_325] {strides = array<i32>} : memref<3x104xi32, #tpu.memory_space<vmem>>, vector<16xi32>,
      tpu.vector_store %arg10[%swap3A_324, %swap3A_325], %add3A_322 {strides = array<i32>} : memref<3x104xi32, #tpu.memory_space<vmem>>, vector<16xi32>,
      %add3A_327 = arith.constant 2 : i32
      %add3A_328 = vector.broadcast %add3A_327 : i32 to vector<16xi32>
      %add3A_329 = arith.addi %mul3A_312, %add3A_328 : vector<16xi32>
      %swap3A_330 = arith.constant 2 : i32
      %swap3A_331 = arith.index_cast %swap3A_330 : i32 to index
      %swap3A_332 = arith.constant 0 : index
      %swap3A_333 = tpu.vector_load %arg10[%swap3A_331, %swap3A_332] {strides = array<i32>} : memref<3x104xi32, #tpu.memory_space<vmem>>, vector<16xi32>,
      tpu.vector_store %arg10[%swap3A_331, %swap3A_332], %add3A_329 {strides = array<i32>} : memref<3x104xi32, #tpu.memory_space<vmem>>, vector<16xi32>,
      %add3A_334 = arith.constant 16 : i32
      %add3A_335 = vector.broadcast %add3A_334 : i32 to vector<16xi32>
      %add3A_336 = arith.addi %iota3A, %add3A_335 : vector<16xi32>
      %min3A_337 = arith.constant 99 : i32
      %min3A_338 = vector.broadcast %min3A_337 : i32 to vector<16xi32>
      %min3A_339 = arith.minsi %add3A_336, %min3A_338 : vector<16xi32>
      %broadcast_in_dim3A_340 = vector.broadcast %add3A_301 : i32 to vector<16xi32>
      %gather3A_341 = tpu.vector_load_idx %arg6[%broadcast_in_dim3A_340, %min3A_339] : memref<128x100xi32, #tpu.memory_space<vmem>>[vector<16xi32>, vector<16xi32>], vector<16xi32>,
      %mul3A_342 = arith.constant 3 : i32
      %mul3A_343 = vector.broadcast %mul3A_342 : i32 to vector<16xi32>
      %mul3A_344 = arith.muli %gather3A_341, %mul3A_343 : vector<16xi32>
      %add3A_345 = arith.constant 0 : i32
      %add3A_346 = vector.broadcast %add3A_345 : i32 to vector<16xi32>
      %add3A_347 = arith.addi %mul3A_344, %add3A_346 : vector<16xi32>
      %swap3A_348 = arith.constant 0 : i32
      %swap3A_349 = arith.index_cast %swap3A_348 : i32 to index
      %swap3A_350 = arith.constant 16 : index
      %swap3A_351 = tpu.vector_load %arg10[%swap3A_349, %swap3A_350] {strides = array<i32>} : memref<3x104xi32, #tpu.memory_space<vmem>>, vector<16xi32>,
      tpu.vector_store %arg10[%swap3A_349, %swap3A_350], %add3A_347 {strides = array<i32>} : memref<3x104xi32, #tpu.memory_space<vmem>>, vector<16xi32>,
      %add3A_352 = arith.constant 1 : i32
      %add3A_353 = vector.broadcast %add3A_352 : i32 to vector<16xi32>
      %add3A_354 = arith.addi %mul3A_344, %add3A_353 : vector<16xi32>
      %swap3A_355 = arith.constant 1 : i32
      %swap3A_356 = arith.index_cast %swap3A_355 : i32 to index
      %swap3A_357 = arith.constant 16 : index
      %swap3A_358 = tpu.vector_load %arg10[%swap3A_356, %swap3A_357] {strides = array<i32>} : memref<3x104xi32, #tpu.memory_space<vmem>>, vector<16xi32>,
      tpu.vector_store %arg10[%swap3A_356, %swap3A_357], %add3A_354 {strides = array<i32>} : memref<3x104xi32, #tpu.memory_space<vmem>>, vector<16xi32>,
      %add3A_359 = arith.constant 2 : i32
      %add3A_360 = vector.broadcast %add3A_359 : i32 to vector<16xi32>
      %add3A_361 = arith.addi %mul3A_344, %add3A_360 : vector<16xi32>
      %swap3A_362 = arith.constant 2 : i32
      %swap3A_363 = arith.index_cast %swap3A_362 : i32 to index
      %swap3A_364 = arith.constant 16 : index
      %swap3A_365 = tpu.vector_load %arg10[%swap3A_363, %swap3A_364] {strides = array<i32>} : memref<3x104xi32, #tpu.memory_space<vmem>>, vector<16xi32>,
      tpu.vector_store %arg10[%swap3A_363, %swap3A_364], %add3A_361 {strides = array<i32>} : memref<3x104xi32, #tpu.memory_space<vmem>>, vector<16xi32>,
      %add3A_366 = arith.constant 32 : i32
      %add3A_367 = vector.broadcast %add3A_366 : i32 to vector<16xi32>
      %add3A_368 = arith.addi %iota3A, %add3A_367 : vector<16xi32>
      %min3A_369 = arith.constant 99 : i32
      %min3A_370 = vector.broadcast %min3A_369 : i32 to vector<16xi32>
      %min3A_371 = arith.minsi %add3A_368, %min3A_370 : vector<16xi32>
      %broadcast_in_dim3A_372 = vector.broadcast %add3A_301 : i32 to vector<16xi32>
      %gather3A_373 = tpu.vector_load_idx %arg6[%broadcast_in_dim3A_372, %min3A_371] : memref<128x100xi32, #tpu.memory_space<vmem>>[vector<16xi32>, vector<16xi32>], vector<16xi32>,
      %mul3A_374 = arith.constant 3 : i32
      %mul3A_375 = vector.broadcast %mul3A_374 : i32 to vector<16xi32>
      %mul3A_376 = arith.muli %gather3A_373, %mul3A_375 : vector<16xi32>
      %add3A_377 = arith.constant 0 : i32
      %add3A_378 = vector.broadcast %add3A_377 : i32 to vector<16xi32>
      %add3A_379 = arith.addi %mul3A_376, %add3A_378 : vector<16xi32>
      %swap3A_380 = arith.constant 0 : i32
      %swap3A_381 = arith.index_cast %swap3A_380 : i32 to index
      %swap3A_382 = arith.constant 32 : index
      %swap3A_383 = tpu.vector_load %arg10[%swap3A_381, %swap3A_382] {strides = array<i32>} : memref<3x104xi32, #tpu.memory_space<vmem>>, vector<16xi32>,
      tpu.vector_store %arg10[%swap3A_381, %swap3A_382], %add3A_379 {strides = array<i32>} : memref<3x104xi32, #tpu.memory_space<vmem>>, vector<16xi32>,
      %add3A_384 = arith.constant 1 : i32
      %add3A_385 = vector.broadcast %add3A_384 : i32 to vector<16xi32>
      %add3A_386 = arith.addi %mul3A_376, %add3A_385 : vector<16xi32>
      %swap3A_387 = arith.constant 1 : i32
      %swap3A_388 = arith.index_cast %swap3A_387 : i32 to index
      %swap3A_389 = arith.constant 32 : index
      %swap3A_390 = tpu.vector_load %arg10[%swap3A_388, %swap3A_389] {strides = array<i32>} : memref<3x104xi32, #tpu.memory_space<vmem>>, vector<16xi32>,
      tpu.vector_store %arg10[%swap3A_388, %swap3A_389], %add3A_386 {strides = array<i32>} : memref<3x104xi32, #tpu.memory_space<vmem>>, vector<16xi32>,
      %add3A_391 = arith.constant 2 : i32
      %add3A_392 = vector.broadcast %add3A_391 : i32 to vector<16xi32>
      %add3A_393 = arith.addi %mul3A_376, %add3A_392 : vector<16xi32>
      %swap3A_394 = arith.constant 2 : i32
      %swap3A_395 = arith.index_cast %swap3A_394 : i32 to index
      %swap3A_396 = arith.constant 32 : index
      %swap3A_397 = tpu.vector_load %arg10[%swap3A_395, %swap3A_396] {strides = array<i32>} : memref<3x104xi32, #tpu.memory_space<vmem>>, vector<16xi32>,
      tpu.vector_store %arg10[%swap3A_395, %swap3A_396], %add3A_393 {strides = array<i32>} : memref<3x104xi32, #tpu.memory_space<vmem>>, vector<16xi32>,
      %add3A_398 = arith.constant 48 : i32
      %add3A_399 = vector.broadcast %add3A_398 : i32 to vector<16xi32>
      %add3A_400 = arith.addi %iota3A, %add3A_399 : vector<16xi32>
      %min3A_401 = arith.constant 99 : i32
      %min3A_402 = vector.broadcast %min3A_401 : i32 to vector<16xi32>
      %min3A_403 = arith.minsi %add3A_400, %min3A_402 : vector<16xi32>
      %broadcast_in_dim3A_404 = vector.broadcast %add3A_301 : i32 to vector<16xi32>
      %gather3A_405 = tpu.vector_load_idx %arg6[%broadcast_in_dim3A_404, %min3A_403] : memref<128x100xi32, #tpu.memory_space<vmem>>[vector<16xi32>, vector<16xi32>], vector<16xi32>,
      %mul3A_406 = arith.constant 3 : i32
      %mul3A_407 = vector.broadcast %mul3A_406 : i32 to vector<16xi32>
      %mul3A_408 = arith.muli %gather3A_405, %mul3A_407 : vector<16xi32>
      %add3A_409 = arith.constant 0 : i32
      %add3A_410 = vector.broadcast %add3A_409 : i32 to vector<16xi32>
      %add3A_411 = arith.addi %mul3A_408, %add3A_410 : vector<16xi32>
      %swap3A_412 = arith.constant 0 : i32
      %swap3A_413 = arith.index_cast %swap3A_412 : i32 to index
      %swap3A_414 = arith.constant 48 : index
      %swap3A_415 = tpu.vector_load %arg10[%swap3A_413, %swap3A_414] {strides = array<i32>} : memref<3x104xi32, #tpu.memory_space<vmem>>, vector<16xi32>,
      tpu.vector_store %arg10[%swap3A_413, %swap3A_414], %add3A_411 {strides = array<i32>} : memref<3x104xi32, #tpu.memory_space<vmem>>, vector<16xi32>,
      %add3A_416 = arith.constant 1 : i32
      %add3A_417 = vector.broadcast %add3A_416 : i32 to vector<16xi32>
      %add3A_418 = arith.addi %mul3A_408, %add3A_417 : vector<16xi32>
      %swap3A_419 = arith.constant 1 : i32
      %swap3A_420 = arith.index_cast %swap3A_419 : i32 to index
      %swap3A_421 = arith.constant 48 : index
      %swap3A_422 = tpu.vector_load %arg10[%swap3A_420, %swap3A_421] {strides = array<i32>} : memref<3x104xi32, #tpu.memory_space<vmem>>, vector<16xi32>,
      tpu.vector_store %arg10[%swap3A_420, %swap3A_421], %add3A_418 {strides = array<i32>} : memref<3x104xi32, #tpu.memory_space<vmem>>, vector<16xi32>,
      %add3A_423 = arith.constant 2 : i32
      %add3A_424 = vector.broadcast %add3A_423 : i32 to vector<16xi32>
      %add3A_425 = arith.addi %mul3A_408, %add3A_424 : vector<16xi32>
      %swap3A_426 = arith.constant 2 : i32
      %swap3A_427 = arith.index_cast %swap3A_426 : i32 to index
      %swap3A_428 = arith.constant 48 : index
      %swap3A_429 = tpu.vector_load %arg10[%swap3A_427, %swap3A_428] {strides = array<i32>} : memref<3x104xi32, #tpu.memory_space<vmem>>, vector<16xi32>,
      tpu.vector_store %arg10[%swap3A_427, %swap3A_428], %add3A_425 {strides = array<i32>} : memref<3x104xi32, #tpu.memory_space<vmem>>, vector<16xi32>,
      %add3A_430 = arith.constant 64 : i32
      %add3A_431 = vector.broadcast %add3A_430 : i32 to vector<16xi32>
      %add3A_432 = arith.addi %iota3A, %add3A_431 : vector<16xi32>
      %min3A_433 = arith.constant 99 : i32
      %min3A_434 = vector.broadcast %min3A_433 : i32 to vector<16xi32>
      %min3A_435 = arith.minsi %add3A_432, %min3A_434 : vector<16xi32>
      %broadcast_in_dim3A_436 = vector.broadcast %add3A_301 : i32 to vector<16xi32>
      %gather3A_437 = tpu.vector_load_idx %arg6[%broadcast_in_dim3A_436, %min3A_435] : memref<128x100xi32, #tpu.memory_space<vmem>>[vector<16xi32>, vector<16xi32>], vector<16xi32>,
      %mul3A_438 = arith.constant 3 : i32
      %mul3A_439 = vector.broadcast %mul3A_438 : i32 to vector<16xi32>
      %mul3A_440 = arith.muli %gather3A_437, %mul3A_439 : vector<16xi32>
      %add3A_441 = arith.constant 0 : i32
      %add3A_442 = vector.broadcast %add3A_441 : i32 to vector<16xi32>
      %add3A_443 = arith.addi %mul3A_440, %add3A_442 : vector<16xi32>
      %swap3A_444 = arith.constant 0 : i32
      %swap3A_445 = arith.index_cast %swap3A_444 : i32 to index
      %swap3A_446 = arith.constant 64 : index
      %swap3A_447 = tpu.vector_load %arg10[%swap3A_445, %swap3A_446] {strides = array<i32>} : memref<3x104xi32, #tpu.memory_space<vmem>>, vector<16xi32>,
      tpu.vector_store %arg10[%swap3A_445, %swap3A_446], %add3A_443 {strides = array<i32>} : memref<3x104xi32, #tpu.memory_space<vmem>>, vector<16xi32>,
      %add3A_448 = arith.constant 1 : i32
      %add3A_449 = vector.broadcast %add3A_448 : i32 to vector<16xi32>
      %add3A_450 = arith.addi %mul3A_440, %add3A_449 : vector<16xi32>
      %swap3A_451 = arith.constant 1 : i32
      %swap3A_452 = arith.index_cast %swap3A_451 : i32 to index
      %swap3A_453 = arith.constant 64 : index
      %swap3A_454 = tpu.vector_load %arg10[%swap3A_452, %swap3A_453] {strides = array<i32>} : memref<3x104xi32, #tpu.memory_space<vmem>>, vector<16xi32>,
      tpu.vector_store %arg10[%swap3A_452, %swap3A_453], %add3A_450 {strides = array<i32>} : memref<3x104xi32, #tpu.memory_space<vmem>>, vector<16xi32>,
      %add3A_455 = arith.constant 2 : i32
      %add3A_456 = vector.broadcast %add3A_455 : i32 to vector<16xi32>
      %add3A_457 = arith.addi %mul3A_440, %add3A_456 : vector<16xi32>
      %swap3A_458 = arith.constant 2 : i32
      %swap3A_459 = arith.index_cast %swap3A_458 : i32 to index
      %swap3A_460 = arith.constant 64 : index
      %swap3A_461 = tpu.vector_load %arg10[%swap3A_459, %swap3A_460] {strides = array<i32>} : memref<3x104xi32, #tpu.memory_space<vmem>>, vector<16xi32>,
      tpu.vector_store %arg10[%swap3A_459, %swap3A_460], %add3A_457 {strides = array<i32>} : memref<3x104xi32, #tpu.memory_space<vmem>>, vector<16xi32>,
      %add3A_462 = arith.constant 80 : i32
      %add3A_463 = vector.broadcast %add3A_462 : i32 to vector<16xi32>
      %add3A_464 = arith.addi %iota3A, %add3A_463 : vector<16xi32>
      %min3A_465 = arith.constant 99 : i32
      %min3A_466 = vector.broadcast %min3A_465 : i32 to vector<16xi32>
      %min3A_467 = arith.minsi %add3A_464, %min3A_466 : vector<16xi32>
      %broadcast_in_dim3A_468 = vector.broadcast %add3A_301 : i32 to vector<16xi32>
      %gather3A_469 = tpu.vector_load_idx %arg6[%broadcast_in_dim3A_468, %min3A_467] : memref<128x100xi32, #tpu.memory_space<vmem>>[vector<16xi32>, vector<16xi32>], vector<16xi32>,
      %mul3A_470 = arith.constant 3 : i32
      %mul3A_471 = vector.broadcast %mul3A_470 : i32 to vector<16xi32>
      %mul3A_472 = arith.muli %gather3A_469, %mul3A_471 : vector<16xi32>
      %add3A_473 = arith.constant 0 : i32
      %add3A_474 = vector.broadcast %add3A_473 : i32 to vector<16xi32>
      %add3A_475 = arith.addi %mul3A_472, %add3A_474 : vector<16xi32>
      %swap3A_476 = arith.constant 0 : i32
      %swap3A_477 = arith.index_cast %swap3A_476 : i32 to index
      %swap3A_478 = arith.constant 80 : index
      %swap3A_479 = tpu.vector_load %arg10[%swap3A_477, %swap3A_478] {strides = array<i32>} : memref<3x104xi32, #tpu.memory_space<vmem>>, vector<16xi32>,
      tpu.vector_store %arg10[%swap3A_477, %swap3A_478], %add3A_475 {strides = array<i32>} : memref<3x104xi32, #tpu.memory_space<vmem>>, vector<16xi32>,
      %add3A_480 = arith.constant 1 : i32
      %add3A_481 = vector.broadcast %add3A_480 : i32 to vector<16xi32>
      %add3A_482 = arith.addi %mul3A_472, %add3A_481 : vector<16xi32>
      %swap3A_483 = arith.constant 1 : i32
      %swap3A_484 = arith.index_cast %swap3A_483 : i32 to index
      %swap3A_485 = arith.constant 80 : index
      %swap3A_486 = tpu.vector_load %arg10[%swap3A_484, %swap3A_485] {strides = array<i32>} : memref<3x104xi32, #tpu.memory_space<vmem>>, vector<16xi32>,
      tpu.vector_store %arg10[%swap3A_484, %swap3A_485], %add3A_482 {strides = array<i32>} : memref<3x104xi32, #tpu.memory_space<vmem>>, vector<16xi32>,
      %add3A_487 = arith.constant 2 : i32
      %add3A_488 = vector.broadcast %add3A_487 : i32 to vector<16xi32>
      %add3A_489 = arith.addi %mul3A_472, %add3A_488 : vector<16xi32>
      %swap3A_490 = arith.constant 2 : i32
      %swap3A_491 = arith.index_cast %swap3A_490 : i32 to index
      %swap3A_492 = arith.constant 80 : index
      %swap3A_493 = tpu.vector_load %arg10[%swap3A_491, %swap3A_492] {strides = array<i32>} : memref<3x104xi32, #tpu.memory_space<vmem>>, vector<16xi32>,
      tpu.vector_store %arg10[%swap3A_491, %swap3A_492], %add3A_489 {strides = array<i32>} : memref<3x104xi32, #tpu.memory_space<vmem>>, vector<16xi32>,
      %add3A_494 = arith.constant 88 : i32
      %add3A_495 = vector.broadcast %add3A_494 : i32 to vector<16xi32>
      %add3A_496 = arith.addi %iota3A, %add3A_495 : vector<16xi32>
      %min3A_497 = arith.constant 99 : i32
      %min3A_498 = vector.broadcast %min3A_497 : i32 to vector<16xi32>
      %min3A_499 = arith.minsi %add3A_496, %min3A_498 : vector<16xi32>
      %broadcast_in_dim3A_500 = vector.broadcast %add3A_301 : i32 to vector<16xi32>
      %gather3A_501 = tpu.vector_load_idx %arg6[%broadcast_in_dim3A_500, %min3A_499] : memref<128x100xi32, #tpu.memory_space<vmem>>[vector<16xi32>, vector<16xi32>], vector<16xi32>,
      %mul3A_502 = arith.constant 3 : i32
      %mul3A_503 = vector.broadcast %mul3A_502 : i32 to vector<16xi32>
      %mul3A_504 = arith.muli %gather3A_501, %mul3A_503 : vector<16xi32>
      %add3A_505 = arith.constant 0 : i32
      %add3A_506 = vector.broadcast %add3A_505 : i32 to vector<16xi32>
      %add3A_507 = arith.addi %mul3A_504, %add3A_506 : vector<16xi32>
      %swap3A_508 = arith.constant 0 : i32
      %swap3A_509 = arith.index_cast %swap3A_508 : i32 to index
      %swap3A_510 = arith.constant 88 : index
      %swap3A_511 = tpu.vector_load %arg10[%swap3A_509, %swap3A_510] {strides = array<i32>} : memref<3x104xi32, #tpu.memory_space<vmem>>, vector<16xi32>,
      tpu.vector_store %arg10[%swap3A_509, %swap3A_510], %add3A_507 {strides = array<i32>} : memref<3x104xi32, #tpu.memory_space<vmem>>, vector<16xi32>,
      %add3A_512 = arith.constant 1 : i32
      %add3A_513 = vector.broadcast %add3A_512 : i32 to vector<16xi32>
      %add3A_514 = arith.addi %mul3A_504, %add3A_513 : vector<16xi32>
      %swap3A_515 = arith.constant 1 : i32
      %swap3A_516 = arith.index_cast %swap3A_515 : i32 to index
      %swap3A_517 = arith.constant 88 : index
      %swap3A_518 = tpu.vector_load %arg10[%swap3A_516, %swap3A_517] {strides = array<i32>} : memref<3x104xi32, #tpu.memory_space<vmem>>, vector<16xi32>,
      tpu.vector_store %arg10[%swap3A_516, %swap3A_517], %add3A_514 {strides = array<i32>} : memref<3x104xi32, #tpu.memory_space<vmem>>, vector<16xi32>,
      %add3A_519 = arith.constant 2 : i32
      %add3A_520 = vector.broadcast %add3A_519 : i32 to vector<16xi32>
      %add3A_521 = arith.addi %mul3A_504, %add3A_520 : vector<16xi32>
      %swap3A_522 = arith.constant 2 : i32
      %swap3A_523 = arith.index_cast %swap3A_522 : i32 to index
      %swap3A_524 = arith.constant 88 : index
      %swap3A_525 = tpu.vector_load %arg10[%swap3A_523, %swap3A_524] {strides = array<i32>} : memref<3x104xi32, #tpu.memory_space<vmem>>, vector<16xi32>,
      tpu.vector_store %arg10[%swap3A_523, %swap3A_524], %add3A_521 {strides = array<i32>} : memref<3x104xi32, #tpu.memory_space<vmem>>, vector<16xi32>,
      %dma_start3A_526 = arith.constant 0 : i32
      %dma_start3A_527 = arith.constant 0 : i32
      %dma_start3A_528 = arith.constant 0 : i32
      %dma_start3A_529 = tpu.memref_slice %arg12[%dma_start3A_527, %dma_start3A_528] : memref<312x128xf32, #tpu.memory_space<vmem>> -> memref<104x128xf32, #tpu.memory_space<vmem>>
      %dma_start3A_530 = arith.constant 0 : i32
      %dma_start3A_531 = tpu.memref_slice %arg10[%dma_start3A_526, %dma_start3A_530] : memref<3x104xi32, #tpu.memory_space<vmem>> -> memref<1x104xi32, #tpu.memory_space<vmem>>
      %dma_start3A_532 = tpu.memref_squeeze %dma_start3A_531 : memref<1x104xi32, #tpu.memory_space<vmem>> -> memref<104xi32, #tpu.memory_space<vmem>>
      %dma_start3A_533 = arith.constant 0 : i32
      %dma_start3A_534 = arith.constant 0 : i32
      %dma_start3A_535 = tpu.memref_slice %arg3[%dma_start3A_533, %dma_start3A_534] : memref<300000x128xf32, #tpu.memory_space<hbm>> -> memref<300000x128xf32, #tpu.memory_space<hbm>>
      tpu.enqueue_indirect_dma source(%dma_start3A_535 : memref<300000x128xf32, #tpu.memory_space<hbm>>) target(%dma_start3A_529 : memref<104x128xf32, #tpu.memory_space<vmem>>) offsets(%dma_start3A_532 : memref<104xi32, #tpu.memory_space<vmem>>) semaphore(%arg14 : memref<!tpu.dma_semaphore, #tpu.memory_space<semaphore_mem>>)
      %dma_start3A_536 = arith.constant 1 : i32
      %dma_start3A_537 = arith.constant 104 : i32
      %dma_start3A_538 = arith.constant 0 : i32
      %dma_start3A_539 = tpu.memref_slice %arg12[%dma_start3A_537, %dma_start3A_538] : memref<312x128xf32, #tpu.memory_space<vmem>> -> memref<104x128xf32, #tpu.memory_space<vmem>>
      %dma_start3A_540 = arith.constant 0 : i32
      %dma_start3A_541 = tpu.memref_slice %arg10[%dma_start3A_536, %dma_start3A_540] : memref<3x104xi32, #tpu.memory_space<vmem>> -> memref<1x104xi32, #tpu.memory_space<vmem>>
      %dma_start3A_542 = tpu.memref_squeeze %dma_start3A_541 : memref<1x104xi32, #tpu.memory_space<vmem>> -> memref<104xi32, #tpu.memory_space<vmem>>
      %dma_start3A_543 = arith.constant 0 : i32
      %dma_start3A_544 = arith.constant 0 : i32
      %dma_start3A_545 = tpu.memref_slice %arg3[%dma_start3A_543, %dma_start3A_544] : memref<300000x128xf32, #tpu.memory_space<hbm>> -> memref<300000x128xf32, #tpu.memory_space<hbm>>
      tpu.enqueue_indirect_dma source(%dma_start3A_545 : memref<300000x128xf32, #tpu.memory_space<hbm>>) target(%dma_start3A_539 : memref<104x128xf32, #tpu.memory_space<vmem>>) offsets(%dma_start3A_542 : memref<104xi32, #tpu.memory_space<vmem>>) semaphore(%arg14 : memref<!tpu.dma_semaphore, #tpu.memory_space<semaphore_mem>>)
      %dma_start3A_546 = arith.constant 2 : i32
      %dma_start3A_547 = arith.constant 208 : i32
      %dma_start3A_548 = arith.constant 0 : i32
      %dma_start3A_549 = tpu.memref_slice %arg12[%dma_start3A_547, %dma_start3A_548] : memref<312x128xf32, #tpu.memory_space<vmem>> -> memref<104x128xf32, #tpu.memory_space<vmem>>
      %dma_start3A_550 = arith.constant 0 : i32
      %dma_start3A_551 = tpu.memref_slice %arg10[%dma_start3A_546, %dma_start3A_550] : memref<3x104xi32, #tpu.memory_space<vmem>> -> memref<1x104xi32, #tpu.memory_space<vmem>>
      %dma_start3A_552 = tpu.memref_squeeze %dma_start3A_551 : memref<1x104xi32, #tpu.memory_space<vmem>> -> memref<104xi32, #tpu.memory_space<vmem>>
      %dma_start3A_553 = arith.constant 0 : i32
      %dma_start3A_554 = arith.constant 0 : i32
      %dma_start3A_555 = tpu.memref_slice %arg3[%dma_start3A_553, %dma_start3A_554] : memref<300000x128xf32, #tpu.memory_space<hbm>> -> memref<300000x128xf32, #tpu.memory_space<hbm>>
      tpu.enqueue_indirect_dma source(%dma_start3A_555 : memref<300000x128xf32, #tpu.memory_space<hbm>>) target(%dma_start3A_549 : memref<104x128xf32, #tpu.memory_space<vmem>>) offsets(%dma_start3A_552 : memref<104xi32, #tpu.memory_space<vmem>>) semaphore(%arg14 : memref<!tpu.dma_semaphore, #tpu.memory_space<semaphore_mem>>)
      %dma_wait3A_556 = arith.constant 0 : i32
      %dma_wait3A_557 = arith.constant 0 : i32
      %dma_wait3A_558 = arith.constant 0 : i32
      %dma_wait3A_559 = tpu.memref_slice %arg11[%dma_wait3A_557, %dma_wait3A_558] : memref<312x128xf32, #tpu.memory_space<vmem>> -> memref<104x128xf32, #tpu.memory_space<vmem>>
      %dma_wait3A_560 = arith.constant 0 : i32
      %dma_wait3A_561 = tpu.memref_slice %arg9[%dma_wait3A_556, %dma_wait3A_560] : memref<3x104xi32, #tpu.memory_space<vmem>> -> memref<1x104xi32, #tpu.memory_space<vmem>>
      %dma_wait3A_562 = tpu.memref_squeeze %dma_wait3A_561 : memref<1x104xi32, #tpu.memory_space<vmem>> -> memref<104xi32, #tpu.memory_space<vmem>>
      %dma_wait3A_563 = arith.constant 0 : i32
      %dma_wait3A_564 = arith.constant 0 : i32
      %dma_wait3A_565 = tpu.memref_slice %arg3[%dma_wait3A_563, %dma_wait3A_564] : memref<300000x128xf32, #tpu.memory_space<hbm>> -> memref<300000x128xf32, #tpu.memory_space<hbm>>
      tpu.wait_indirect_dma semaphore(%arg13 : memref<!tpu.dma_semaphore, #tpu.memory_space<semaphore_mem>>) src(%dma_wait3A_565 : memref<300000x128xf32, #tpu.memory_space<hbm>>) dst(%dma_wait3A_559 : memref<104x128xf32, #tpu.memory_space<vmem>>)
      %dma_wait3A_566 = arith.constant 1 : i32
      %dma_wait3A_567 = arith.constant 104 : i32
      %dma_wait3A_568 = arith.constant 0 : i32
      %dma_wait3A_569 = tpu.memref_slice %arg11[%dma_wait3A_567, %dma_wait3A_568] : memref<312x128xf32, #tpu.memory_space<vmem>> -> memref<104x128xf32, #tpu.memory_space<vmem>>
      %dma_wait3A_570 = arith.constant 0 : i32
      %dma_wait3A_571 = tpu.memref_slice %arg9[%dma_wait3A_566, %dma_wait3A_570] : memref<3x104xi32, #tpu.memory_space<vmem>> -> memref<1x104xi32, #tpu.memory_space<vmem>>
      %dma_wait3A_572 = tpu.memref_squeeze %dma_wait3A_571 : memref<1x104xi32, #tpu.memory_space<vmem>> -> memref<104xi32, #tpu.memory_space<vmem>>
      %dma_wait3A_573 = arith.constant 0 : i32
      %dma_wait3A_574 = arith.constant 0 : i32
      %dma_wait3A_575 = tpu.memref_slice %arg3[%dma_wait3A_573, %dma_wait3A_574] : memref<300000x128xf32, #tpu.memory_space<hbm>> -> memref<300000x128xf32, #tpu.memory_space<hbm>>
      tpu.wait_indirect_dma semaphore(%arg13 : memref<!tpu.dma_semaphore, #tpu.memory_space<semaphore_mem>>) src(%dma_wait3A_575 : memref<300000x128xf32, #tpu.memory_space<hbm>>) dst(%dma_wait3A_569 : memref<104x128xf32, #tpu.memory_space<vmem>>)
      %dma_wait3A_576 = arith.constant 2 : i32
      %dma_wait3A_577 = arith.constant 208 : i32
      %dma_wait3A_578 = arith.constant 0 : i32
      %dma_wait3A_579 = tpu.memref_slice %arg11[%dma_wait3A_577, %dma_wait3A_578] : memref<312x128xf32, #tpu.memory_space<vmem>> -> memref<104x128xf32, #tpu.memory_space<vmem>>
      %dma_wait3A_580 = arith.constant 0 : i32
      %dma_wait3A_581 = tpu.memref_slice %arg9[%dma_wait3A_576, %dma_wait3A_580] : memref<3x104xi32, #tpu.memory_space<vmem>> -> memref<1x104xi32, #tpu.memory_space<vmem>>
      %dma_wait3A_582 = tpu.memref_squeeze %dma_wait3A_581 : memref<1x104xi32, #tpu.memory_space<vmem>> -> memref<104xi32, #tpu.memory_space<vmem>>
      %dma_wait3A_583 = arith.constant 0 : i32
      %dma_wait3A_584 = arith.constant 0 : i32
      %dma_wait3A_585 = tpu.memref_slice %arg3[%dma_wait3A_583, %dma_wait3A_584] : memref<300000x128xf32, #tpu.memory_space<hbm>> -> memref<300000x128xf32, #tpu.memory_space<hbm>>
      tpu.wait_indirect_dma semaphore(%arg13 : memref<!tpu.dma_semaphore, #tpu.memory_space<semaphore_mem>>) src(%dma_wait3A_585 : memref<300000x128xf32, #tpu.memory_space<hbm>>) dst(%dma_wait3A_579 : memref<104x128xf32, #tpu.memory_space<vmem>>)
      %get3A = arith.constant 0 : i32
      %get3A_586 = arith.index_cast %get3A : i32 to index
      %get3A_587 = arith.constant 0 : index
      %get3A_588 = tpu.vector_load %arg11[%get3A_586, %get3A_587] {strides = array<i32>} : memref<312x128xf32, #tpu.memory_space<vmem>>, vector<16xf32>,
      %get3A_589 = arith.constant 0 : i32
      %get3A_590 = arith.index_cast %get3A_589 : i32 to index
      %get3A_591 = arith.constant 16 : index
      %get3A_592 = tpu.vector_load %arg11[%get3A_590, %get3A_591] {strides = array<i32>} : memref<312x128xf32, #tpu.memory_space<vmem>>, vector<16xf32>,
      %get3A_593 = arith.constant 0 : i32
      %get3A_594 = arith.index_cast %get3A_593 : i32 to index
      %get3A_595 = arith.constant 32 : index
      %get3A_596 = tpu.vector_load %arg11[%get3A_594, %get3A_595] {strides = array<i32>} : memref<312x128xf32, #tpu.memory_space<vmem>>, vector<16xf32>,
      %get3A_597 = arith.constant 0 : i32
      %get3A_598 = arith.index_cast %get3A_597 : i32 to index
      %get3A_599 = arith.constant 48 : index
      %get3A_600 = tpu.vector_load %arg11[%get3A_598, %get3A_599] {strides = array<i32>} : memref<312x128xf32, #tpu.memory_space<vmem>>, vector<16xf32>,
      %get3A_601 = arith.constant 0 : i32
      %get3A_602 = arith.index_cast %get3A_601 : i32 to index
      %get3A_603 = arith.constant 64 : index
      %get3A_604 = tpu.vector_load %arg11[%get3A_602, %get3A_603] {strides = array<i32>} : memref<312x128xf32, #tpu.memory_space<vmem>>, vector<16xf32>,
      %get3A_605 = arith.constant 0 : i32
      %get3A_606 = arith.index_cast %get3A_605 : i32 to index
      %get3A_607 = arith.constant 80 : index
      %get3A_608 = tpu.vector_load %arg11[%get3A_606, %get3A_607] {strides = array<i32>} : memref<312x128xf32, #tpu.memory_space<vmem>>, vector<16xf32>,
      %get3A_609 = arith.constant 0 : i32
      %get3A_610 = arith.index_cast %get3A_609 : i32 to index
      %get3A_611 = arith.constant 96 : index
      %get3A_612 = tpu.vector_load %arg11[%get3A_610, %get3A_611] {strides = array<i32>} : memref<312x128xf32, #tpu.memory_space<vmem>>, vector<16xf32>,
      %get3A_613 = arith.constant 0 : i32
      %get3A_614 = arith.index_cast %get3A_613 : i32 to index
      %get3A_615 = arith.constant 112 : index
      %get3A_616 = tpu.vector_load %arg11[%get3A_614, %get3A_615] {strides = array<i32>} : memref<312x128xf32, #tpu.memory_space<vmem>>, vector<16xf32>,
      %get3A_617 = arith.constant 104 : i32
      %get3A_618 = arith.index_cast %get3A_617 : i32 to index
      %get3A_619 = arith.constant 0 : index
      %get3A_620 = tpu.vector_load %arg11[%get3A_618, %get3A_619] {strides = array<i32>} : memref<312x128xf32, #tpu.memory_space<vmem>>, vector<16xf32>,
      %get3A_621 = arith.constant 104 : i32
      %get3A_622 = arith.index_cast %get3A_621 : i32 to index
      %get3A_623 = arith.constant 16 : index
      %get3A_624 = tpu.vector_load %arg11[%get3A_622, %get3A_623] {strides = array<i32>} : memref<312x128xf32, #tpu.memory_space<vmem>>, vector<16xf32>,
      %get3A_625 = arith.constant 104 : i32
      %get3A_626 = arith.index_cast %get3A_625 : i32 to index
      %get3A_627 = arith.constant 32 : index
      %get3A_628 = tpu.vector_load %arg11[%get3A_626, %get3A_627] {strides = array<i32>} : memref<312x128xf32, #tpu.memory_space<vmem>>, vector<16xf32>,
      %get3A_629 = arith.constant 104 : i32
      %get3A_630 = arith.index_cast %get3A_629 : i32 to index
      %get3A_631 = arith.constant 48 : index
      %get3A_632 = tpu.vector_load %arg11[%get3A_630, %get3A_631] {strides = array<i32>} : memref<312x128xf32, #tpu.memory_space<vmem>>, vector<16xf32>,
      %get3A_633 = arith.constant 104 : i32
      %get3A_634 = arith.index_cast %get3A_633 : i32 to index
      %get3A_635 = arith.constant 64 : index
      %get3A_636 = tpu.vector_load %arg11[%get3A_634, %get3A_635] {strides = array<i32>} : memref<312x128xf32, #tpu.memory_space<vmem>>, vector<16xf32>,
      %get3A_637 = arith.constant 104 : i32
      %get3A_638 = arith.index_cast %get3A_637 : i32 to index
      %get3A_639 = arith.constant 80 : index
      %get3A_640 = tpu.vector_load %arg11[%get3A_638, %get3A_639] {strides = array<i32>} : memref<312x128xf32, #tpu.memory_space<vmem>>, vector<16xf32>,
      %get3A_641 = arith.constant 104 : i32
      %get3A_642 = arith.index_cast %get3A_641 : i32 to index
      %get3A_643 = arith.constant 96 : index
      %get3A_644 = tpu.vector_load %arg11[%get3A_642, %get3A_643] {strides = array<i32>} : memref<312x128xf32, #tpu.memory_space<vmem>>, vector<16xf32>,
      %get3A_645 = arith.constant 104 : i32
      %get3A_646 = arith.index_cast %get3A_645 : i32 to index
      %get3A_647 = arith.constant 112 : index
      %get3A_648 = tpu.vector_load %arg11[%get3A_646, %get3A_647] {strides = array<i32>} : memref<312x128xf32, #tpu.memory_space<vmem>>, vector<16xf32>,
      %get3A_649 = arith.constant 208 : i32
      %get3A_650 = arith.index_cast %get3A_649 : i32 to index
      %get3A_651 = arith.constant 0 : index
      %get3A_652 = tpu.vector_load %arg11[%get3A_650, %get3A_651] {strides = array<i32>} : memref<312x128xf32, #tpu.memory_space<vmem>>, vector<16xf32>,
      %get3A_653 = arith.constant 208 : i32
      %get3A_654 = arith.index_cast %get3A_653 : i32 to index
      %get3A_655 = arith.constant 16 : index
      %get3A_656 = tpu.vector_load %arg11[%get3A_654, %get3A_655] {strides = array<i32>} : memref<312x128xf32, #tpu.memory_space<vmem>>, vector<16xf32>,
      %get3A_657 = arith.constant 208 : i32
      %get3A_658 = arith.index_cast %get3A_657 : i32 to index
      %get3A_659 = arith.constant 32 : index
      %get3A_660 = tpu.vector_load %arg11[%get3A_658, %get3A_659] {strides = array<i32>} : memref<312x128xf32, #tpu.memory_space<vmem>>, vector<16xf32>,
      %scan3A_661 = arith.constant 1 : i32
      %scan3A_662 = arith.constant 49 : i32
      %scan3A_663 = arith.addi %scan3A_661, %scan3A_662 : i32
      %scan3A_664 = arith.constant 1 : i32
      %scan3A_665:19 = scf.for %scan3A_1693 = %scan3A_661 to %scan3A_663 step %scan3A_664 iter_args(%scan3A_1694 = %get3A_588, %scan3A_1695 = %get3A_592, %scan3A_1696 = %get3A_596, %scan3A_1697 = %get3A_600, %scan3A_1698 = %get3A_604, %scan3A_1699 = %get3A_608, %scan3A_1700 = %get3A_612, %scan3A_1701 = %get3A_616, %scan3A_1702 = %get3A_620, %scan3A_1703 = %get3A_624, %scan3A_1704 = %get3A_628, %scan3A_1705 = %get3A_632, %scan3A_1706 = %get3A_636, %scan3A_1707 = %get3A_640, %scan3A_1708 = %get3A_644, %scan3A_1709 = %get3A_648, %scan3A_1710 = %get3A_652, %scan3A_1711 = %get3A_656, %scan3A_1712 = %get3A_660) -> (vector<16xf32>, vector<16xf32>, vector<16xf32>, vector<16xf32>, vector<16xf32>, vector<16xf32>, vector<16xf32>, vector<16xf32>, vector<16xf32>, vector<16xf32>, vector<16xf32>, vector<16xf32>, vector<16xf32>, vector<16xf32>, vector<16xf32>, vector<16xf32>, vector<16xf32>, vector<16xf32>, vector<16xf32>)  : i32 {
        %add3A_1713 = arith.constant 0 : i32
        %add3A_1714 = arith.addi %add3A_1713, %scan3A_1693 : i32
        %add3A_1715 = arith.constant 0 : i32
        %add3A_1716 = arith.addi %add3A_1715, %add3A_1714 : i32
        %get3A_1717 = arith.index_cast %add3A_1716 : i32 to index
        %get3A_1718 = arith.constant 0 : index
        %get3A_1719 = tpu.vector_load %arg11[%get3A_1717, %get3A_1718] {strides = array<i32>} : memref<312x128xf32, #tpu.memory_space<vmem>>, vector<16xf32>,
        %add3A_1720 = arith.constant 0 : i32
        %add3A_1721 = arith.addi %add3A_1720, %add3A_1714 : i32
        %get3A_1722 = arith.index_cast %add3A_1721 : i32 to index
        %get3A_1723 = arith.constant 16 : index
        %get3A_1724 = tpu.vector_load %arg11[%get3A_1722, %get3A_1723] {strides = array<i32>} : memref<312x128xf32, #tpu.memory_space<vmem>>, vector<16xf32>,
        %add3A_1725 = arith.constant 0 : i32
        %add3A_1726 = arith.addi %add3A_1725, %add3A_1714 : i32
        %get3A_1727 = arith.index_cast %add3A_1726 : i32 to index
        %get3A_1728 = arith.constant 32 : index
        %get3A_1729 = tpu.vector_load %arg11[%get3A_1727, %get3A_1728] {strides = array<i32>} : memref<312x128xf32, #tpu.memory_space<vmem>>, vector<16xf32>,
        %add3A_1730 = arith.constant 0 : i32
        %add3A_1731 = arith.addi %add3A_1730, %add3A_1714 : i32
        %get3A_1732 = arith.index_cast %add3A_1731 : i32 to index
        %get3A_1733 = arith.constant 48 : index
        %get3A_1734 = tpu.vector_load %arg11[%get3A_1732, %get3A_1733] {strides = array<i32>} : memref<312x128xf32, #tpu.memory_space<vmem>>, vector<16xf32>,
        %add3A_1735 = arith.constant 0 : i32
        %add3A_1736 = arith.addi %add3A_1735, %add3A_1714 : i32
        %get3A_1737 = arith.index_cast %add3A_1736 : i32 to index
        %get3A_1738 = arith.constant 64 : index
        %get3A_1739 = tpu.vector_load %arg11[%get3A_1737, %get3A_1738] {strides = array<i32>} : memref<312x128xf32, #tpu.memory_space<vmem>>, vector<16xf32>,
        %add3A_1740 = arith.constant 0 : i32
        %add3A_1741 = arith.addi %add3A_1740, %add3A_1714 : i32
        %get3A_1742 = arith.index_cast %add3A_1741 : i32 to index
        %get3A_1743 = arith.constant 80 : index
        %get3A_1744 = tpu.vector_load %arg11[%get3A_1742, %get3A_1743] {strides = array<i32>} : memref<312x128xf32, #tpu.memory_space<vmem>>, vector<16xf32>,
        %add3A_1745 = arith.constant 0 : i32
        %add3A_1746 = arith.addi %add3A_1745, %add3A_1714 : i32
        %get3A_1747 = arith.index_cast %add3A_1746 : i32 to index
        %get3A_1748 = arith.constant 96 : index
        %get3A_1749 = tpu.vector_load %arg11[%get3A_1747, %get3A_1748] {strides = array<i32>} : memref<312x128xf32, #tpu.memory_space<vmem>>, vector<16xf32>,
        %add3A_1750 = arith.constant 0 : i32
        %add3A_1751 = arith.addi %add3A_1750, %add3A_1714 : i32
        %get3A_1752 = arith.index_cast %add3A_1751 : i32 to index
        %get3A_1753 = arith.constant 112 : index
        %get3A_1754 = tpu.vector_load %arg11[%get3A_1752, %get3A_1753] {strides = array<i32>} : memref<312x128xf32, #tpu.memory_space<vmem>>, vector<16xf32>,
        %add3A_1755 = arith.constant 104 : i32
        %add3A_1756 = arith.addi %add3A_1755, %add3A_1714 : i32
        %get3A_1757 = arith.index_cast %add3A_1756 : i32 to index
        %get3A_1758 = arith.constant 0 : index
        %get3A_1759 = tpu.vector_load %arg11[%get3A_1757, %get3A_1758] {strides = array<i32>} : memref<312x128xf32, #tpu.memory_space<vmem>>, vector<16xf32>,
        %add3A_1760 = arith.constant 104 : i32
        %add3A_1761 = arith.addi %add3A_1760, %add3A_1714 : i32
        %get3A_1762 = arith.index_cast %add3A_1761 : i32 to index
        %get3A_1763 = arith.constant 16 : index
        %get3A_1764 = tpu.vector_load %arg11[%get3A_1762, %get3A_1763] {strides = array<i32>} : memref<312x128xf32, #tpu.memory_space<vmem>>, vector<16xf32>,
        %add3A_1765 = arith.constant 104 : i32
        %add3A_1766 = arith.addi %add3A_1765, %add3A_1714 : i32
        %get3A_1767 = arith.index_cast %add3A_1766 : i32 to index
        %get3A_1768 = arith.constant 32 : index
        %get3A_1769 = tpu.vector_load %arg11[%get3A_1767, %get3A_1768] {strides = array<i32>} : memref<312x128xf32, #tpu.memory_space<vmem>>, vector<16xf32>,
        %add3A_1770 = arith.constant 104 : i32
        %add3A_1771 = arith.addi %add3A_1770, %add3A_1714 : i32
        %get3A_1772 = arith.index_cast %add3A_1771 : i32 to index
        %get3A_1773 = arith.constant 48 : index
        %get3A_1774 = tpu.vector_load %arg11[%get3A_1772, %get3A_1773] {strides = array<i32>} : memref<312x128xf32, #tpu.memory_space<vmem>>, vector<16xf32>,
        %add3A_1775 = arith.constant 104 : i32
        %add3A_1776 = arith.addi %add3A_1775, %add3A_1714 : i32
        %get3A_1777 = arith.index_cast %add3A_1776 : i32 to index
        %get3A_1778 = arith.constant 64 : index
        %get3A_1779 = tpu.vector_load %arg11[%get3A_1777, %get3A_1778] {strides = array<i32>} : memref<312x128xf32, #tpu.memory_space<vmem>>, vector<16xf32>,
        %add3A_1780 = arith.constant 104 : i32
        %add3A_1781 = arith.addi %add3A_1780, %add3A_1714 : i32
        %get3A_1782 = arith.index_cast %add3A_1781 : i32 to index
        %get3A_1783 = arith.constant 80 : index
        %get3A_1784 = tpu.vector_load %arg11[%get3A_1782, %get3A_1783] {strides = array<i32>} : memref<312x128xf32, #tpu.memory_space<vmem>>, vector<16xf32>,
        %add3A_1785 = arith.constant 104 : i32
        %add3A_1786 = arith.addi %add3A_1785, %add3A_1714 : i32
        %get3A_1787 = arith.index_cast %add3A_1786 : i32 to index
        %get3A_1788 = arith.constant 96 : index
        %get3A_1789 = tpu.vector_load %arg11[%get3A_1787, %get3A_1788] {strides = array<i32>} : memref<312x128xf32, #tpu.memory_space<vmem>>, vector<16xf32>,
        %add3A_1790 = arith.constant 104 : i32
        %add3A_1791 = arith.addi %add3A_1790, %add3A_1714 : i32
        %get3A_1792 = arith.index_cast %add3A_1791 : i32 to index
        %get3A_1793 = arith.constant 112 : index
        %get3A_1794 = tpu.vector_load %arg11[%get3A_1792, %get3A_1793] {strides = array<i32>} : memref<312x128xf32, #tpu.memory_space<vmem>>, vector<16xf32>,
        %add3A_1795 = arith.constant 208 : i32
        %add3A_1796 = arith.addi %add3A_1795, %add3A_1714 : i32
        %get3A_1797 = arith.index_cast %add3A_1796 : i32 to index
        %get3A_1798 = arith.constant 0 : index
        %get3A_1799 = tpu.vector_load %arg11[%get3A_1797, %get3A_1798] {strides = array<i32>} : memref<312x128xf32, #tpu.memory_space<vmem>>, vector<16xf32>,
        %add3A_1800 = arith.constant 208 : i32
        %add3A_1801 = arith.addi %add3A_1800, %add3A_1714 : i32
        %get3A_1802 = arith.index_cast %add3A_1801 : i32 to index
        %get3A_1803 = arith.constant 16 : index
        %get3A_1804 = tpu.vector_load %arg11[%get3A_1802, %get3A_1803] {strides = array<i32>} : memref<312x128xf32, #tpu.memory_space<vmem>>, vector<16xf32>,
        %add3A_1805 = arith.constant 208 : i32
        %add3A_1806 = arith.addi %add3A_1805, %add3A_1714 : i32
        %get3A_1807 = arith.index_cast %add3A_1806 : i32 to index
        %get3A_1808 = arith.constant 32 : index
        %get3A_1809 = tpu.vector_load %arg11[%get3A_1807, %get3A_1808] {strides = array<i32>} : memref<312x128xf32, #tpu.memory_space<vmem>>, vector<16xf32>,
        %max3A = arith.maximumf %scan3A_1694, %get3A_1719 : vector<16xf32>
        %max3A_1810 = arith.maximumf %scan3A_1695, %get3A_1724 : vector<16xf32>
        %max3A_1811 = arith.maximumf %scan3A_1696, %get3A_1729 : vector<16xf32>
        %max3A_1812 = arith.maximumf %scan3A_1697, %get3A_1734 : vector<16xf32>
        %max3A_1813 = arith.maximumf %scan3A_1698, %get3A_1739 : vector<16xf32>
        %max3A_1814 = arith.maximumf %scan3A_1699, %get3A_1744 : vector<16xf32>
        %max3A_1815 = arith.maximumf %scan3A_1700, %get3A_1749 : vector<16xf32>
        %max3A_1816 = arith.maximumf %scan3A_1701, %get3A_1754 : vector<16xf32>
        %max3A_1817 = arith.maximumf %scan3A_1702, %get3A_1759 : vector<16xf32>
        %max3A_1818 = arith.maximumf %scan3A_1703, %get3A_1764 : vector<16xf32>
        %max3A_1819 = arith.maximumf %scan3A_1704, %get3A_1769 : vector<16xf32>
        %max3A_1820 = arith.maximumf %scan3A_1705, %get3A_1774 : vector<16xf32>
        %max3A_1821 = arith.maximumf %scan3A_1706, %get3A_1779 : vector<16xf32>
        %max3A_1822 = arith.maximumf %scan3A_1707, %get3A_1784 : vector<16xf32>
        %max3A_1823 = arith.maximumf %scan3A_1708, %get3A_1789 : vector<16xf32>
        %max3A_1824 = arith.maximumf %scan3A_1709, %get3A_1794 : vector<16xf32>
        %max3A_1825 = arith.maximumf %scan3A_1710, %get3A_1799 : vector<16xf32>
        %max3A_1826 = arith.maximumf %scan3A_1711, %get3A_1804 : vector<16xf32>
        %max3A_1827 = arith.maximumf %scan3A_1712, %get3A_1809 : vector<16xf32>
        scf.yield %max3A, %max3A_1810, %max3A_1811, %max3A_1812, %max3A_1813, %max3A_1814, %max3A_1815, %max3A_1816, %max3A_1817, %max3A_1818, %max3A_1819, %max3A_1820, %max3A_1821, %max3A_1822, %max3A_1823, %max3A_1824, %max3A_1825, %max3A_1826, %max3A_1827 : vector<16xf32>, vector<16xf32>, vector<16xf32>, vector<16xf32>, vector<16xf32>, vector<16xf32>, vector<16xf32>, vector<16xf32>, vector<16xf32>, vector<16xf32>, vector<16xf32>, vector<16xf32>, vector<16xf32>, vector<16xf32>, vector<16xf32>, vector<16xf32>, vector<16xf32>, vector<16xf32>, vector<16xf32>
      }
      %scan3A_666 = arith.constant 49 : i32
      %broadcast_in_dim3A_667 = arith.constant 0.000000e+00 : f32
      %broadcast_in_dim3A_668 = vector.broadcast %broadcast_in_dim3A_667 : f32 to vector<16xf32>
      %get3A_669 = arith.constant 0 : i32
      %get3A_670 = arith.index_cast %get3A_669 : i32 to index
      %get3A_671 = arith.constant 0 : index
      %get3A_672 = tpu.vector_load %arg7[%get3A_670, %get3A_671] {strides = array<i32>} : memref<19x16xf32, #tpu.memory_space<vmem>>, vector<16xf32>,
      %mul3A_673 = arith.mulf %scan3A_665#0, %get3A_672 : vector<16xf32>
      %add3A_674 = arith.addf %broadcast_in_dim3A_668, %mul3A_673 : vector<16xf32>
      %get3A_675 = arith.constant 1 : i32
      %get3A_676 = arith.index_cast %get3A_675 : i32 to index
      %get3A_677 = arith.constant 0 : index
      %get3A_678 = tpu.vector_load %arg7[%get3A_676, %get3A_677] {strides = array<i32>} : memref<19x16xf32, #tpu.memory_space<vmem>>, vector<16xf32>,
      %mul3A_679 = arith.mulf %scan3A_665#1, %get3A_678 : vector<16xf32>
      %add3A_680 = arith.addf %add3A_674, %mul3A_679 : vector<16xf32>
      %get3A_681 = arith.constant 2 : i32
      %get3A_682 = arith.index_cast %get3A_681 : i32 to index
      %get3A_683 = arith.constant 0 : index
      %get3A_684 = tpu.vector_load %arg7[%get3A_682, %get3A_683] {strides = array<i32>} : memref<19x16xf32, #tpu.memory_space<vmem>>, vector<16xf32>,
      %mul3A_685 = arith.mulf %scan3A_665#2, %get3A_684 : vector<16xf32>
      %add3A_686 = arith.addf %add3A_680, %mul3A_685 : vector<16xf32>
      %get3A_687 = arith.constant 3 : i32
      %get3A_688 = arith.index_cast %get3A_687 : i32 to index
      %get3A_689 = arith.constant 0 : index
      %get3A_690 = tpu.vector_load %arg7[%get3A_688, %get3A_689] {strides = array<i32>} : memref<19x16xf32, #tpu.memory_space<vmem>>, vector<16xf32>,
      %mul3A_691 = arith.mulf %scan3A_665#3, %get3A_690 : vector<16xf32>
      %add3A_692 = arith.addf %add3A_686, %mul3A_691 : vector<16xf32>
      %get3A_693 = arith.constant 4 : i32
      %get3A_694 = arith.index_cast %get3A_693 : i32 to index
      %get3A_695 = arith.constant 0 : index
      %get3A_696 = tpu.vector_load %arg7[%get3A_694, %get3A_695] {strides = array<i32>} : memref<19x16xf32, #tpu.memory_space<vmem>>, vector<16xf32>,
      %mul3A_697 = arith.mulf %scan3A_665#4, %get3A_696 : vector<16xf32>
      %add3A_698 = arith.addf %add3A_692, %mul3A_697 : vector<16xf32>
      %get3A_699 = arith.constant 5 : i32
      %get3A_700 = arith.index_cast %get3A_699 : i32 to index
      %get3A_701 = arith.constant 0 : index
      %get3A_702 = tpu.vector_load %arg7[%get3A_700, %get3A_701] {strides = array<i32>} : memref<19x16xf32, #tpu.memory_space<vmem>>, vector<16xf32>,
      %mul3A_703 = arith.mulf %scan3A_665#5, %get3A_702 : vector<16xf32>
      %add3A_704 = arith.addf %add3A_698, %mul3A_703 : vector<16xf32>
      %get3A_705 = arith.constant 6 : i32
      %get3A_706 = arith.index_cast %get3A_705 : i32 to index
      %get3A_707 = arith.constant 0 : index
      %get3A_708 = tpu.vector_load %arg7[%get3A_706, %get3A_707] {strides = array<i32>} : memref<19x16xf32, #tpu.memory_space<vmem>>, vector<16xf32>,
      %mul3A_709 = arith.mulf %scan3A_665#6, %get3A_708 : vector<16xf32>
      %add3A_710 = arith.addf %add3A_704, %mul3A_709 : vector<16xf32>
      %get3A_711 = arith.constant 7 : i32
      %get3A_712 = arith.index_cast %get3A_711 : i32 to index
      %get3A_713 = arith.constant 0 : index
      %get3A_714 = tpu.vector_load %arg7[%get3A_712, %get3A_713] {strides = array<i32>} : memref<19x16xf32, #tpu.memory_space<vmem>>, vector<16xf32>,
      %mul3A_715 = arith.mulf %scan3A_665#7, %get3A_714 : vector<16xf32>
      %add3A_716 = arith.addf %add3A_710, %mul3A_715 : vector<16xf32>
      %get3A_717 = arith.constant 8 : i32
      %get3A_718 = arith.index_cast %get3A_717 : i32 to index
      %get3A_719 = arith.constant 0 : index
      %get3A_720 = tpu.vector_load %arg7[%get3A_718, %get3A_719] {strides = array<i32>} : memref<19x16xf32, #tpu.memory_space<vmem>>, vector<16xf32>,
      %mul3A_721 = arith.mulf %scan3A_665#8, %get3A_720 : vector<16xf32>
      %add3A_722 = arith.addf %add3A_716, %mul3A_721 : vector<16xf32>
      %get3A_723 = arith.constant 9 : i32
      %get3A_724 = arith.index_cast %get3A_723 : i32 to index
      %get3A_725 = arith.constant 0 : index
      %get3A_726 = tpu.vector_load %arg7[%get3A_724, %get3A_725] {strides = array<i32>} : memref<19x16xf32, #tpu.memory_space<vmem>>, vector<16xf32>,
      %mul3A_727 = arith.mulf %scan3A_665#9, %get3A_726 : vector<16xf32>
      %add3A_728 = arith.addf %add3A_722, %mul3A_727 : vector<16xf32>
      %get3A_729 = arith.constant 10 : i32
      %get3A_730 = arith.index_cast %get3A_729 : i32 to index
      %get3A_731 = arith.constant 0 : index
      %get3A_732 = tpu.vector_load %arg7[%get3A_730, %get3A_731] {strides = array<i32>} : memref<19x16xf32, #tpu.memory_space<vmem>>, vector<16xf32>,
      %mul3A_733 = arith.mulf %scan3A_665#10, %get3A_732 : vector<16xf32>
      %add3A_734 = arith.addf %add3A_728, %mul3A_733 : vector<16xf32>
      %get3A_735 = arith.constant 11 : i32
      %get3A_736 = arith.index_cast %get3A_735 : i32 to index
      %get3A_737 = arith.constant 0 : index
      %get3A_738 = tpu.vector_load %arg7[%get3A_736, %get3A_737] {strides = array<i32>} : memref<19x16xf32, #tpu.memory_space<vmem>>, vector<16xf32>,
      %mul3A_739 = arith.mulf %scan3A_665#11, %get3A_738 : vector<16xf32>
      %add3A_740 = arith.addf %add3A_734, %mul3A_739 : vector<16xf32>
      %get3A_741 = arith.constant 12 : i32
      %get3A_742 = arith.index_cast %get3A_741 : i32 to index
      %get3A_743 = arith.constant 0 : index
      %get3A_744 = tpu.vector_load %arg7[%get3A_742, %get3A_743] {strides = array<i32>} : memref<19x16xf32, #tpu.memory_space<vmem>>, vector<16xf32>,
      %mul3A_745 = arith.mulf %scan3A_665#12, %get3A_744 : vector<16xf32>
      %add3A_746 = arith.addf %add3A_740, %mul3A_745 : vector<16xf32>
      %get3A_747 = arith.constant 13 : i32
      %get3A_748 = arith.index_cast %get3A_747 : i32 to index
      %get3A_749 = arith.constant 0 : index
      %get3A_750 = tpu.vector_load %arg7[%get3A_748, %get3A_749] {strides = array<i32>} : memref<19x16xf32, #tpu.memory_space<vmem>>, vector<16xf32>,
      %mul3A_751 = arith.mulf %scan3A_665#13, %get3A_750 : vector<16xf32>
      %add3A_752 = arith.addf %add3A_746, %mul3A_751 : vector<16xf32>
      %get3A_753 = arith.constant 14 : i32
      %get3A_754 = arith.index_cast %get3A_753 : i32 to index
      %get3A_755 = arith.constant 0 : index
      %get3A_756 = tpu.vector_load %arg7[%get3A_754, %get3A_755] {strides = array<i32>} : memref<19x16xf32, #tpu.memory_space<vmem>>, vector<16xf32>,
      %mul3A_757 = arith.mulf %scan3A_665#14, %get3A_756 : vector<16xf32>
      %add3A_758 = arith.addf %add3A_752, %mul3A_757 : vector<16xf32>
      %get3A_759 = arith.constant 15 : i32
      %get3A_760 = arith.index_cast %get3A_759 : i32 to index
      %get3A_761 = arith.constant 0 : index
      %get3A_762 = tpu.vector_load %arg7[%get3A_760, %get3A_761] {strides = array<i32>} : memref<19x16xf32, #tpu.memory_space<vmem>>, vector<16xf32>,
      %mul3A_763 = arith.mulf %scan3A_665#15, %get3A_762 : vector<16xf32>
      %add3A_764 = arith.addf %add3A_758, %mul3A_763 : vector<16xf32>
      %get3A_765 = arith.constant 16 : i32
      %get3A_766 = arith.index_cast %get3A_765 : i32 to index
      %get3A_767 = arith.constant 0 : index
      %get3A_768 = tpu.vector_load %arg7[%get3A_766, %get3A_767] {strides = array<i32>} : memref<19x16xf32, #tpu.memory_space<vmem>>, vector<16xf32>,
      %mul3A_769 = arith.mulf %scan3A_665#16, %get3A_768 : vector<16xf32>
      %add3A_770 = arith.addf %add3A_764, %mul3A_769 : vector<16xf32>
      %get3A_771 = arith.constant 17 : i32
      %get3A_772 = arith.index_cast %get3A_771 : i32 to index
      %get3A_773 = arith.constant 0 : index
      %get3A_774 = tpu.vector_load %arg7[%get3A_772, %get3A_773] {strides = array<i32>} : memref<19x16xf32, #tpu.memory_space<vmem>>, vector<16xf32>,
      %mul3A_775 = arith.mulf %scan3A_665#17, %get3A_774 : vector<16xf32>
      %add3A_776 = arith.addf %add3A_770, %mul3A_775 : vector<16xf32>
      %get3A_777 = arith.constant 18 : i32
      %get3A_778 = arith.index_cast %get3A_777 : i32 to index
      %get3A_779 = arith.constant 0 : index
      %get3A_780 = tpu.vector_load %arg7[%get3A_778, %get3A_779] {strides = array<i32>} : memref<19x16xf32, #tpu.memory_space<vmem>>, vector<16xf32>,
      %mul3A_781 = arith.mulf %scan3A_665#18, %get3A_780 : vector<16xf32>
      %add3A_782 = arith.addf %add3A_776, %mul3A_781 : vector<16xf32>
      %mul3A_783 = arith.constant 2 : i32
      %mul3A_784 = arith.muli %mul3A_783, %mul3A_297 : i32
      %add3A_785 = arith.constant 0 : i32
      %add3A_786 = arith.addi %mul3A_784, %add3A_785 : i32
      %swap3A_787 = arith.index_cast %add3A_786 : i32 to index
      %swap3A_788 = arith.constant 0 : index
      %swap3A_789 = tpu.vector_load %arg8[%swap3A_787, %swap3A_788] {strides = array<i32>} : memref<256x16xf32, #tpu.memory_space<vmem>>, vector<16xf32>,
      tpu.vector_store %arg8[%swap3A_787, %swap3A_788], %add3A_782 {strides = array<i32>} : memref<256x16xf32, #tpu.memory_space<vmem>>, vector<16xf32>,
      %get3A_790 = arith.constant 50 : i32
      %get3A_791 = arith.index_cast %get3A_790 : i32 to index
      %get3A_792 = arith.constant 0 : index
      %get3A_793 = tpu.vector_load %arg11[%get3A_791, %get3A_792] {strides = array<i32>} : memref<312x128xf32, #tpu.memory_space<vmem>>, vector<16xf32>,
      %get3A_794 = arith.constant 50 : i32
      %get3A_795 = arith.index_cast %get3A_794 : i32 to index
      %get3A_796 = arith.constant 16 : index
      %get3A_797 = tpu.vector_load %arg11[%get3A_795, %get3A_796] {strides = array<i32>} : memref<312x128xf32, #tpu.memory_space<vmem>>, vector<16xf32>,
      %get3A_798 = arith.constant 50 : i32
      %get3A_799 = arith.index_cast %get3A_798 : i32 to index
      %get3A_800 = arith.constant 32 : index
      %get3A_801 = tpu.vector_load %arg11[%get3A_799, %get3A_800] {strides = array<i32>} : memref<312x128xf32, #tpu.memory_space<vmem>>, vector<16xf32>,
      %get3A_802 = arith.constant 50 : i32
      %get3A_803 = arith.index_cast %get3A_802 : i32 to index
      %get3A_804 = arith.constant 48 : index
      %get3A_805 = tpu.vector_load %arg11[%get3A_803, %get3A_804] {strides = array<i32>} : memref<312x128xf32, #tpu.memory_space<vmem>>, vector<16xf32>,
      %get3A_806 = arith.constant 50 : i32
      %get3A_807 = arith.index_cast %get3A_806 : i32 to index
      %get3A_808 = arith.constant 64 : index
      %get3A_809 = tpu.vector_load %arg11[%get3A_807, %get3A_808] {strides = array<i32>} : memref<312x128xf32, #tpu.memory_space<vmem>>, vector<16xf32>,
      %get3A_810 = arith.constant 50 : i32
      %get3A_811 = arith.index_cast %get3A_810 : i32 to index
      %get3A_812 = arith.constant 80 : index
      %get3A_813 = tpu.vector_load %arg11[%get3A_811, %get3A_812] {strides = array<i32>} : memref<312x128xf32, #tpu.memory_space<vmem>>, vector<16xf32>,
      %get3A_814 = arith.constant 50 : i32
      %get3A_815 = arith.index_cast %get3A_814 : i32 to index
      %get3A_816 = arith.constant 96 : index
      %get3A_817 = tpu.vector_load %arg11[%get3A_815, %get3A_816] {strides = array<i32>} : memref<312x128xf32, #tpu.memory_space<vmem>>, vector<16xf32>,
      %get3A_818 = arith.constant 50 : i32
      %get3A_819 = arith.index_cast %get3A_818 : i32 to index
      %get3A_820 = arith.constant 112 : index
      %get3A_821 = tpu.vector_load %arg11[%get3A_819, %get3A_820] {strides = array<i32>} : memref<312x128xf32, #tpu.memory_space<vmem>>, vector<16xf32>,
      %get3A_822 = arith.constant 154 : i32
      %get3A_823 = arith.index_cast %get3A_822 : i32 to index
      %get3A_824 = arith.constant 0 : index
      %get3A_825 = tpu.vector_load %arg11[%get3A_823, %get3A_824] {strides = array<i32>} : memref<312x128xf32, #tpu.memory_space<vmem>>, vector<16xf32>,
      %get3A_826 = arith.constant 154 : i32
      %get3A_827 = arith.index_cast %get3A_826 : i32 to index
      %get3A_828 = arith.constant 16 : index
      %get3A_829 = tpu.vector_load %arg11[%get3A_827, %get3A_828] {strides = array<i32>} : memref<312x128xf32, #tpu.memory_space<vmem>>, vector<16xf32>,
      %get3A_830 = arith.constant 154 : i32
      %get3A_831 = arith.index_cast %get3A_830 : i32 to index
      %get3A_832 = arith.constant 32 : index
      %get3A_833 = tpu.vector_load %arg11[%get3A_831, %get3A_832] {strides = array<i32>} : memref<312x128xf32, #tpu.memory_space<vmem>>, vector<16xf32>,
      %get3A_834 = arith.constant 154 : i32
      %get3A_835 = arith.index_cast %get3A_834 : i32 to index
      %get3A_836 = arith.constant 48 : index
      %get3A_837 = tpu.vector_load %arg11[%get3A_835, %get3A_836] {strides = array<i32>} : memref<312x128xf32, #tpu.memory_space<vmem>>, vector<16xf32>,
      %get3A_838 = arith.constant 154 : i32
      %get3A_839 = arith.index_cast %get3A_838 : i32 to index
      %get3A_840 = arith.constant 64 : index
      %get3A_841 = tpu.vector_load %arg11[%get3A_839, %get3A_840] {strides = array<i32>} : memref<312x128xf32, #tpu.memory_space<vmem>>, vector<16xf32>,
      %get3A_842 = arith.constant 154 : i32
      %get3A_843 = arith.index_cast %get3A_842 : i32 to index
      %get3A_844 = arith.constant 80 : index
      %get3A_845 = tpu.vector_load %arg11[%get3A_843, %get3A_844] {strides = array<i32>} : memref<312x128xf32, #tpu.memory_space<vmem>>, vector<16xf32>,
      %get3A_846 = arith.constant 154 : i32
      %get3A_847 = arith.index_cast %get3A_846 : i32 to index
      %get3A_848 = arith.constant 96 : index
      %get3A_849 = tpu.vector_load %arg11[%get3A_847, %get3A_848] {strides = array<i32>} : memref<312x128xf32, #tpu.memory_space<vmem>>, vector<16xf32>,
      %get3A_850 = arith.constant 154 : i32
      %get3A_851 = arith.index_cast %get3A_850 : i32 to index
      %get3A_852 = arith.constant 112 : index
      %get3A_853 = tpu.vector_load %arg11[%get3A_851, %get3A_852] {strides = array<i32>} : memref<312x128xf32, #tpu.memory_space<vmem>>, vector<16xf32>,
      %get3A_854 = arith.constant 258 : i32
      %get3A_855 = arith.index_cast %get3A_854 : i32 to index
      %get3A_856 = arith.constant 0 : index
      %get3A_857 = tpu.vector_load %arg11[%get3A_855, %get3A_856] {strides = array<i32>} : memref<312x128xf32, #tpu.memory_space<vmem>>, vector<16xf32>,
      %get3A_858 = arith.constant 258 : i32
      %get3A_859 = arith.index_cast %get3A_858 : i32 to index
      %get3A_860 = arith.constant 16 : index
      %get3A_861 = tpu.vector_load %arg11[%get3A_859, %get3A_860] {strides = array<i32>} : memref<312x128xf32, #tpu.memory_space<vmem>>, vector<16xf32>,
      %get3A_862 = arith.constant 258 : i32
      %get3A_863 = arith.index_cast %get3A_862 : i32 to index
      %get3A_864 = arith.constant 32 : index
      %get3A_865 = tpu.vector_load %arg11[%get3A_863, %get3A_864] {strides = array<i32>} : memref<312x128xf32, #tpu.memory_space<vmem>>, vector<16xf32>,
      %scan3A_866 = arith.constant 1 : i32
      %scan3A_867 = arith.constant 49 : i32
      %scan3A_868 = arith.addi %scan3A_866, %scan3A_867 : i32
      %scan3A_869 = arith.constant 1 : i32
      %scan3A_870:19 = scf.for %scan3A_1693 = %scan3A_866 to %scan3A_868 step %scan3A_869 iter_args(%scan3A_1694 = %get3A_793, %scan3A_1695 = %get3A_797, %scan3A_1696 = %get3A_801, %scan3A_1697 = %get3A_805, %scan3A_1698 = %get3A_809, %scan3A_1699 = %get3A_813, %scan3A_1700 = %get3A_817, %scan3A_1701 = %get3A_821, %scan3A_1702 = %get3A_825, %scan3A_1703 = %get3A_829, %scan3A_1704 = %get3A_833, %scan3A_1705 = %get3A_837, %scan3A_1706 = %get3A_841, %scan3A_1707 = %get3A_845, %scan3A_1708 = %get3A_849, %scan3A_1709 = %get3A_853, %scan3A_1710 = %get3A_857, %scan3A_1711 = %get3A_861, %scan3A_1712 = %get3A_865) -> (vector<16xf32>, vector<16xf32>, vector<16xf32>, vector<16xf32>, vector<16xf32>, vector<16xf32>, vector<16xf32>, vector<16xf32>, vector<16xf32>, vector<16xf32>, vector<16xf32>, vector<16xf32>, vector<16xf32>, vector<16xf32>, vector<16xf32>, vector<16xf32>, vector<16xf32>, vector<16xf32>, vector<16xf32>)  : i32 {
        %add3A_1713 = arith.constant 50 : i32
        %add3A_1714 = arith.addi %add3A_1713, %scan3A_1693 : i32
        %add3A_1715 = arith.constant 0 : i32
        %add3A_1716 = arith.addi %add3A_1715, %add3A_1714 : i32
        %get3A_1717 = arith.index_cast %add3A_1716 : i32 to index
        %get3A_1718 = arith.constant 0 : index
        %get3A_1719 = tpu.vector_load %arg11[%get3A_1717, %get3A_1718] {strides = array<i32>} : memref<312x128xf32, #tpu.memory_space<vmem>>, vector<16xf32>,
        %add3A_1720 = arith.constant 0 : i32
        %add3A_1721 = arith.addi %add3A_1720, %add3A_1714 : i32
        %get3A_1722 = arith.index_cast %add3A_1721 : i32 to index
        %get3A_1723 = arith.constant 16 : index
        %get3A_1724 = tpu.vector_load %arg11[%get3A_1722, %get3A_1723] {strides = array<i32>} : memref<312x128xf32, #tpu.memory_space<vmem>>, vector<16xf32>,
        %add3A_1725 = arith.constant 0 : i32
        %add3A_1726 = arith.addi %add3A_1725, %add3A_1714 : i32
        %get3A_1727 = arith.index_cast %add3A_1726 : i32 to index
        %get3A_1728 = arith.constant 32 : index
        %get3A_1729 = tpu.vector_load %arg11[%get3A_1727, %get3A_1728] {strides = array<i32>} : memref<312x128xf32, #tpu.memory_space<vmem>>, vector<16xf32>,
        %add3A_1730 = arith.constant 0 : i32
        %add3A_1731 = arith.addi %add3A_1730, %add3A_1714 : i32
        %get3A_1732 = arith.index_cast %add3A_1731 : i32 to index
        %get3A_1733 = arith.constant 48 : index
        %get3A_1734 = tpu.vector_load %arg11[%get3A_1732, %get3A_1733] {strides = array<i32>} : memref<312x128xf32, #tpu.memory_space<vmem>>, vector<16xf32>,
        %add3A_1735 = arith.constant 0 : i32
        %add3A_1736 = arith.addi %add3A_1735, %add3A_1714 : i32
        %get3A_1737 = arith.index_cast %add3A_1736 : i32 to index
        %get3A_1738 = arith.constant 64 : index
        %get3A_1739 = tpu.vector_load %arg11[%get3A_1737, %get3A_1738] {strides = array<i32>} : memref<312x128xf32, #tpu.memory_space<vmem>>, vector<16xf32>,
        %add3A_1740 = arith.constant 0 : i32
        %add3A_1741 = arith.addi %add3A_1740, %add3A_1714 : i32
        %get3A_1742 = arith.index_cast %add3A_1741 : i32 to index
        %get3A_1743 = arith.constant 80 : index
        %get3A_1744 = tpu.vector_load %arg11[%get3A_1742, %get3A_1743] {strides = array<i32>} : memref<312x128xf32, #tpu.memory_space<vmem>>, vector<16xf32>,
        %add3A_1745 = arith.constant 0 : i32
        %add3A_1746 = arith.addi %add3A_1745, %add3A_1714 : i32
        %get3A_1747 = arith.index_cast %add3A_1746 : i32 to index
        %get3A_1748 = arith.constant 96 : index
        %get3A_1749 = tpu.vector_load %arg11[%get3A_1747, %get3A_1748] {strides = array<i32>} : memref<312x128xf32, #tpu.memory_space<vmem>>, vector<16xf32>,
        %add3A_1750 = arith.constant 0 : i32
        %add3A_1751 = arith.addi %add3A_1750, %add3A_1714 : i32
        %get3A_1752 = arith.index_cast %add3A_1751 : i32 to index
        %get3A_1753 = arith.constant 112 : index
        %get3A_1754 = tpu.vector_load %arg11[%get3A_1752, %get3A_1753] {strides = array<i32>} : memref<312x128xf32, #tpu.memory_space<vmem>>, vector<16xf32>,
        %add3A_1755 = arith.constant 104 : i32
        %add3A_1756 = arith.addi %add3A_1755, %add3A_1714 : i32
        %get3A_1757 = arith.index_cast %add3A_1756 : i32 to index
        %get3A_1758 = arith.constant 0 : index
        %get3A_1759 = tpu.vector_load %arg11[%get3A_1757, %get3A_1758] {strides = array<i32>} : memref<312x128xf32, #tpu.memory_space<vmem>>, vector<16xf32>,
        %add3A_1760 = arith.constant 104 : i32
        %add3A_1761 = arith.addi %add3A_1760, %add3A_1714 : i32
        %get3A_1762 = arith.index_cast %add3A_1761 : i32 to index
        %get3A_1763 = arith.constant 16 : index
        %get3A_1764 = tpu.vector_load %arg11[%get3A_1762, %get3A_1763] {strides = array<i32>} : memref<312x128xf32, #tpu.memory_space<vmem>>, vector<16xf32>,
        %add3A_1765 = arith.constant 104 : i32
        %add3A_1766 = arith.addi %add3A_1765, %add3A_1714 : i32
        %get3A_1767 = arith.index_cast %add3A_1766 : i32 to index
        %get3A_1768 = arith.constant 32 : index
        %get3A_1769 = tpu.vector_load %arg11[%get3A_1767, %get3A_1768] {strides = array<i32>} : memref<312x128xf32, #tpu.memory_space<vmem>>, vector<16xf32>,
        %add3A_1770 = arith.constant 104 : i32
        %add3A_1771 = arith.addi %add3A_1770, %add3A_1714 : i32
        %get3A_1772 = arith.index_cast %add3A_1771 : i32 to index
        %get3A_1773 = arith.constant 48 : index
        %get3A_1774 = tpu.vector_load %arg11[%get3A_1772, %get3A_1773] {strides = array<i32>} : memref<312x128xf32, #tpu.memory_space<vmem>>, vector<16xf32>,
        %add3A_1775 = arith.constant 104 : i32
        %add3A_1776 = arith.addi %add3A_1775, %add3A_1714 : i32
        %get3A_1777 = arith.index_cast %add3A_1776 : i32 to index
        %get3A_1778 = arith.constant 64 : index
        %get3A_1779 = tpu.vector_load %arg11[%get3A_1777, %get3A_1778] {strides = array<i32>} : memref<312x128xf32, #tpu.memory_space<vmem>>, vector<16xf32>,
        %add3A_1780 = arith.constant 104 : i32
        %add3A_1781 = arith.addi %add3A_1780, %add3A_1714 : i32
        %get3A_1782 = arith.index_cast %add3A_1781 : i32 to index
        %get3A_1783 = arith.constant 80 : index
        %get3A_1784 = tpu.vector_load %arg11[%get3A_1782, %get3A_1783] {strides = array<i32>} : memref<312x128xf32, #tpu.memory_space<vmem>>, vector<16xf32>,
        %add3A_1785 = arith.constant 104 : i32
        %add3A_1786 = arith.addi %add3A_1785, %add3A_1714 : i32
        %get3A_1787 = arith.index_cast %add3A_1786 : i32 to index
        %get3A_1788 = arith.constant 96 : index
        %get3A_1789 = tpu.vector_load %arg11[%get3A_1787, %get3A_1788] {strides = array<i32>} : memref<312x128xf32, #tpu.memory_space<vmem>>, vector<16xf32>,
        %add3A_1790 = arith.constant 104 : i32
        %add3A_1791 = arith.addi %add3A_1790, %add3A_1714 : i32
        %get3A_1792 = arith.index_cast %add3A_1791 : i32 to index
        %get3A_1793 = arith.constant 112 : index
        %get3A_1794 = tpu.vector_load %arg11[%get3A_1792, %get3A_1793] {strides = array<i32>} : memref<312x128xf32, #tpu.memory_space<vmem>>, vector<16xf32>,
        %add3A_1795 = arith.constant 208 : i32
        %add3A_1796 = arith.addi %add3A_1795, %add3A_1714 : i32
        %get3A_1797 = arith.index_cast %add3A_1796 : i32 to index
        %get3A_1798 = arith.constant 0 : index
        %get3A_1799 = tpu.vector_load %arg11[%get3A_1797, %get3A_1798] {strides = array<i32>} : memref<312x128xf32, #tpu.memory_space<vmem>>, vector<16xf32>,
        %add3A_1800 = arith.constant 208 : i32
        %add3A_1801 = arith.addi %add3A_1800, %add3A_1714 : i32
        %get3A_1802 = arith.index_cast %add3A_1801 : i32 to index
        %get3A_1803 = arith.constant 16 : index
        %get3A_1804 = tpu.vector_load %arg11[%get3A_1802, %get3A_1803] {strides = array<i32>} : memref<312x128xf32, #tpu.memory_space<vmem>>, vector<16xf32>,
        %add3A_1805 = arith.constant 208 : i32
        %add3A_1806 = arith.addi %add3A_1805, %add3A_1714 : i32
        %get3A_1807 = arith.index_cast %add3A_1806 : i32 to index
        %get3A_1808 = arith.constant 32 : index
        %get3A_1809 = tpu.vector_load %arg11[%get3A_1807, %get3A_1808] {strides = array<i32>} : memref<312x128xf32, #tpu.memory_space<vmem>>, vector<16xf32>,
        %max3A = arith.maximumf %scan3A_1694, %get3A_1719 : vector<16xf32>
        %max3A_1810 = arith.maximumf %scan3A_1695, %get3A_1724 : vector<16xf32>
        %max3A_1811 = arith.maximumf %scan3A_1696, %get3A_1729 : vector<16xf32>
        %max3A_1812 = arith.maximumf %scan3A_1697, %get3A_1734 : vector<16xf32>
        %max3A_1813 = arith.maximumf %scan3A_1698, %get3A_1739 : vector<16xf32>
        %max3A_1814 = arith.maximumf %scan3A_1699, %get3A_1744 : vector<16xf32>
        %max3A_1815 = arith.maximumf %scan3A_1700, %get3A_1749 : vector<16xf32>
        %max3A_1816 = arith.maximumf %scan3A_1701, %get3A_1754 : vector<16xf32>
        %max3A_1817 = arith.maximumf %scan3A_1702, %get3A_1759 : vector<16xf32>
        %max3A_1818 = arith.maximumf %scan3A_1703, %get3A_1764 : vector<16xf32>
        %max3A_1819 = arith.maximumf %scan3A_1704, %get3A_1769 : vector<16xf32>
        %max3A_1820 = arith.maximumf %scan3A_1705, %get3A_1774 : vector<16xf32>
        %max3A_1821 = arith.maximumf %scan3A_1706, %get3A_1779 : vector<16xf32>
        %max3A_1822 = arith.maximumf %scan3A_1707, %get3A_1784 : vector<16xf32>
        %max3A_1823 = arith.maximumf %scan3A_1708, %get3A_1789 : vector<16xf32>
        %max3A_1824 = arith.maximumf %scan3A_1709, %get3A_1794 : vector<16xf32>
        %max3A_1825 = arith.maximumf %scan3A_1710, %get3A_1799 : vector<16xf32>
        %max3A_1826 = arith.maximumf %scan3A_1711, %get3A_1804 : vector<16xf32>
        %max3A_1827 = arith.maximumf %scan3A_1712, %get3A_1809 : vector<16xf32>
        scf.yield %max3A, %max3A_1810, %max3A_1811, %max3A_1812, %max3A_1813, %max3A_1814, %max3A_1815, %max3A_1816, %max3A_1817, %max3A_1818, %max3A_1819, %max3A_1820, %max3A_1821, %max3A_1822, %max3A_1823, %max3A_1824, %max3A_1825, %max3A_1826, %max3A_1827 : vector<16xf32>, vector<16xf32>, vector<16xf32>, vector<16xf32>, vector<16xf32>, vector<16xf32>, vector<16xf32>, vector<16xf32>, vector<16xf32>, vector<16xf32>, vector<16xf32>, vector<16xf32>, vector<16xf32>, vector<16xf32>, vector<16xf32>, vector<16xf32>, vector<16xf32>, vector<16xf32>, vector<16xf32>
      }
      %scan3A_871 = arith.constant 49 : i32
      %broadcast_in_dim3A_872 = arith.constant 0.000000e+00 : f32
      %broadcast_in_dim3A_873 = vector.broadcast %broadcast_in_dim3A_872 : f32 to vector<16xf32>
      %get3A_874 = arith.constant 0 : i32
      %get3A_875 = arith.index_cast %get3A_874 : i32 to index
      %get3A_876 = arith.constant 0 : index
      %get3A_877 = tpu.vector_load %arg7[%get3A_875, %get3A_876] {strides = array<i32>} : memref<19x16xf32, #tpu.memory_space<vmem>>, vector<16xf32>,
      %mul3A_878 = arith.mulf %scan3A_870#0, %get3A_877 : vector<16xf32>
      %add3A_879 = arith.addf %broadcast_in_dim3A_873, %mul3A_878 : vector<16xf32>
      %get3A_880 = arith.constant 1 : i32
      %get3A_881 = arith.index_cast %get3A_880 : i32 to index
      %get3A_882 = arith.constant 0 : index
      %get3A_883 = tpu.vector_load %arg7[%get3A_881, %get3A_882] {strides = array<i32>} : memref<19x16xf32, #tpu.memory_space<vmem>>, vector<16xf32>,
      %mul3A_884 = arith.mulf %scan3A_870#1, %get3A_883 : vector<16xf32>
      %add3A_885 = arith.addf %add3A_879, %mul3A_884 : vector<16xf32>
      %get3A_886 = arith.constant 2 : i32
      %get3A_887 = arith.index_cast %get3A_886 : i32 to index
      %get3A_888 = arith.constant 0 : index
      %get3A_889 = tpu.vector_load %arg7[%get3A_887, %get3A_888] {strides = array<i32>} : memref<19x16xf32, #tpu.memory_space<vmem>>, vector<16xf32>,
      %mul3A_890 = arith.mulf %scan3A_870#2, %get3A_889 : vector<16xf32>
      %add3A_891 = arith.addf %add3A_885, %mul3A_890 : vector<16xf32>
      %get3A_892 = arith.constant 3 : i32
      %get3A_893 = arith.index_cast %get3A_892 : i32 to index
      %get3A_894 = arith.constant 0 : index
      %get3A_895 = tpu.vector_load %arg7[%get3A_893, %get3A_894] {strides = array<i32>} : memref<19x16xf32, #tpu.memory_space<vmem>>, vector<16xf32>,
      %mul3A_896 = arith.mulf %scan3A_870#3, %get3A_895 : vector<16xf32>
      %add3A_897 = arith.addf %add3A_891, %mul3A_896 : vector<16xf32>
      %get3A_898 = arith.constant 4 : i32
      %get3A_899 = arith.index_cast %get3A_898 : i32 to index
      %get3A_900 = arith.constant 0 : index
      %get3A_901 = tpu.vector_load %arg7[%get3A_899, %get3A_900] {strides = array<i32>} : memref<19x16xf32, #tpu.memory_space<vmem>>, vector<16xf32>,
      %mul3A_902 = arith.mulf %scan3A_870#4, %get3A_901 : vector<16xf32>
      %add3A_903 = arith.addf %add3A_897, %mul3A_902 : vector<16xf32>
      %get3A_904 = arith.constant 5 : i32
      %get3A_905 = arith.index_cast %get3A_904 : i32 to index
      %get3A_906 = arith.constant 0 : index
      %get3A_907 = tpu.vector_load %arg7[%get3A_905, %get3A_906] {strides = array<i32>} : memref<19x16xf32, #tpu.memory_space<vmem>>, vector<16xf32>,
      %mul3A_908 = arith.mulf %scan3A_870#5, %get3A_907 : vector<16xf32>
      %add3A_909 = arith.addf %add3A_903, %mul3A_908 : vector<16xf32>
      %get3A_910 = arith.constant 6 : i32
      %get3A_911 = arith.index_cast %get3A_910 : i32 to index
      %get3A_912 = arith.constant 0 : index
      %get3A_913 = tpu.vector_load %arg7[%get3A_911, %get3A_912] {strides = array<i32>} : memref<19x16xf32, #tpu.memory_space<vmem>>, vector<16xf32>,
      %mul3A_914 = arith.mulf %scan3A_870#6, %get3A_913 : vector<16xf32>
      %add3A_915 = arith.addf %add3A_909, %mul3A_914 : vector<16xf32>
      %get3A_916 = arith.constant 7 : i32
      %get3A_917 = arith.index_cast %get3A_916 : i32 to index
      %get3A_918 = arith.constant 0 : index
      %get3A_919 = tpu.vector_load %arg7[%get3A_917, %get3A_918] {strides = array<i32>} : memref<19x16xf32, #tpu.memory_space<vmem>>, vector<16xf32>,
      %mul3A_920 = arith.mulf %scan3A_870#7, %get3A_919 : vector<16xf32>
      %add3A_921 = arith.addf %add3A_915, %mul3A_920 : vector<16xf32>
      %get3A_922 = arith.constant 8 : i32
      %get3A_923 = arith.index_cast %get3A_922 : i32 to index
      %get3A_924 = arith.constant 0 : index
      %get3A_925 = tpu.vector_load %arg7[%get3A_923, %get3A_924] {strides = array<i32>} : memref<19x16xf32, #tpu.memory_space<vmem>>, vector<16xf32>,
      %mul3A_926 = arith.mulf %scan3A_870#8, %get3A_925 : vector<16xf32>
      %add3A_927 = arith.addf %add3A_921, %mul3A_926 : vector<16xf32>
      %get3A_928 = arith.constant 9 : i32
      %get3A_929 = arith.index_cast %get3A_928 : i32 to index
      %get3A_930 = arith.constant 0 : index
      %get3A_931 = tpu.vector_load %arg7[%get3A_929, %get3A_930] {strides = array<i32>} : memref<19x16xf32, #tpu.memory_space<vmem>>, vector<16xf32>,
      %mul3A_932 = arith.mulf %scan3A_870#9, %get3A_931 : vector<16xf32>
      %add3A_933 = arith.addf %add3A_927, %mul3A_932 : vector<16xf32>
      %get3A_934 = arith.constant 10 : i32
      %get3A_935 = arith.index_cast %get3A_934 : i32 to index
      %get3A_936 = arith.constant 0 : index
      %get3A_937 = tpu.vector_load %arg7[%get3A_935, %get3A_936] {strides = array<i32>} : memref<19x16xf32, #tpu.memory_space<vmem>>, vector<16xf32>,
      %mul3A_938 = arith.mulf %scan3A_870#10, %get3A_937 : vector<16xf32>
      %add3A_939 = arith.addf %add3A_933, %mul3A_938 : vector<16xf32>
      %get3A_940 = arith.constant 11 : i32
      %get3A_941 = arith.index_cast %get3A_940 : i32 to index
      %get3A_942 = arith.constant 0 : index
      %get3A_943 = tpu.vector_load %arg7[%get3A_941, %get3A_942] {strides = array<i32>} : memref<19x16xf32, #tpu.memory_space<vmem>>, vector<16xf32>,
      %mul3A_944 = arith.mulf %scan3A_870#11, %get3A_943 : vector<16xf32>
      %add3A_945 = arith.addf %add3A_939, %mul3A_944 : vector<16xf32>
      %get3A_946 = arith.constant 12 : i32
      %get3A_947 = arith.index_cast %get3A_946 : i32 to index
      %get3A_948 = arith.constant 0 : index
      %get3A_949 = tpu.vector_load %arg7[%get3A_947, %get3A_948] {strides = array<i32>} : memref<19x16xf32, #tpu.memory_space<vmem>>, vector<16xf32>,
      %mul3A_950 = arith.mulf %scan3A_870#12, %get3A_949 : vector<16xf32>
      %add3A_951 = arith.addf %add3A_945, %mul3A_950 : vector<16xf32>
      %get3A_952 = arith.constant 13 : i32
      %get3A_953 = arith.index_cast %get3A_952 : i32 to index
      %get3A_954 = arith.constant 0 : index
      %get3A_955 = tpu.vector_load %arg7[%get3A_953, %get3A_954] {strides = array<i32>} : memref<19x16xf32, #tpu.memory_space<vmem>>, vector<16xf32>,
      %mul3A_956 = arith.mulf %scan3A_870#13, %get3A_955 : vector<16xf32>
      %add3A_957 = arith.addf %add3A_951, %mul3A_956 : vector<16xf32>
      %get3A_958 = arith.constant 14 : i32
      %get3A_959 = arith.index_cast %get3A_958 : i32 to index
      %get3A_960 = arith.constant 0 : index
      %get3A_961 = tpu.vector_load %arg7[%get3A_959, %get3A_960] {strides = array<i32>} : memref<19x16xf32, #tpu.memory_space<vmem>>, vector<16xf32>,
      %mul3A_962 = arith.mulf %scan3A_870#14, %get3A_961 : vector<16xf32>
      %add3A_963 = arith.addf %add3A_957, %mul3A_962 : vector<16xf32>
      %get3A_964 = arith.constant 15 : i32
      %get3A_965 = arith.index_cast %get3A_964 : i32 to index
      %get3A_966 = arith.constant 0 : index
      %get3A_967 = tpu.vector_load %arg7[%get3A_965, %get3A_966] {strides = array<i32>} : memref<19x16xf32, #tpu.memory_space<vmem>>, vector<16xf32>,
      %mul3A_968 = arith.mulf %scan3A_870#15, %get3A_967 : vector<16xf32>
      %add3A_969 = arith.addf %add3A_963, %mul3A_968 : vector<16xf32>
      %get3A_970 = arith.constant 16 : i32
      %get3A_971 = arith.index_cast %get3A_970 : i32 to index
      %get3A_972 = arith.constant 0 : index
      %get3A_973 = tpu.vector_load %arg7[%get3A_971, %get3A_972] {strides = array<i32>} : memref<19x16xf32, #tpu.memory_space<vmem>>, vector<16xf32>,
      %mul3A_974 = arith.mulf %scan3A_870#16, %get3A_973 : vector<16xf32>
      %add3A_975 = arith.addf %add3A_969, %mul3A_974 : vector<16xf32>
      %get3A_976 = arith.constant 17 : i32
      %get3A_977 = arith.index_cast %get3A_976 : i32 to index
      %get3A_978 = arith.constant 0 : index
      %get3A_979 = tpu.vector_load %arg7[%get3A_977, %get3A_978] {strides = array<i32>} : memref<19x16xf32, #tpu.memory_space<vmem>>, vector<16xf32>,
      %mul3A_980 = arith.mulf %scan3A_870#17, %get3A_979 : vector<16xf32>
      %add3A_981 = arith.addf %add3A_975, %mul3A_980 : vector<16xf32>
      %get3A_982 = arith.constant 18 : i32
      %get3A_983 = arith.index_cast %get3A_982 : i32 to index
      %get3A_984 = arith.constant 0 : index
      %get3A_985 = tpu.vector_load %arg7[%get3A_983, %get3A_984] {strides = array<i32>} : memref<19x16xf32, #tpu.memory_space<vmem>>, vector<16xf32>,
      %mul3A_986 = arith.mulf %scan3A_870#18, %get3A_985 : vector<16xf32>
      %add3A_987 = arith.addf %add3A_981, %mul3A_986 : vector<16xf32>
      %mul3A_988 = arith.constant 2 : i32
      %mul3A_989 = arith.muli %mul3A_988, %mul3A_297 : i32
      %add3A_990 = arith.constant 1 : i32
      %add3A_991 = arith.addi %mul3A_989, %add3A_990 : i32
      %swap3A_992 = arith.index_cast %add3A_991 : i32 to index
      %swap3A_993 = arith.constant 0 : index
      %swap3A_994 = tpu.vector_load %arg8[%swap3A_992, %swap3A_993] {strides = array<i32>} : memref<256x16xf32, #tpu.memory_space<vmem>>, vector<16xf32>,
      tpu.vector_store %arg8[%swap3A_992, %swap3A_993], %add3A_987 {strides = array<i32>} : memref<256x16xf32, #tpu.memory_space<vmem>>, vector<16xf32>,
      %add3A_995 = arith.constant 2 : i32
      %add3A_996 = arith.addi %mul3A_297, %add3A_995 : i32
      %min3A_997 = arith.constant 127 : i32
      %min3A_998 = arith.minsi %add3A_996, %min3A_997 : i32
      %add3A_999 = arith.constant 0 : i32
      %add3A_1000 = vector.broadcast %add3A_999 : i32 to vector<16xi32>
      %add3A_1001 = arith.addi %iota3A, %add3A_1000 : vector<16xi32>
      %min3A_1002 = arith.constant 99 : i32
      %min3A_1003 = vector.broadcast %min3A_1002 : i32 to vector<16xi32>
      %min3A_1004 = arith.minsi %add3A_1001, %min3A_1003 : vector<16xi32>
      %broadcast_in_dim3A_1005 = vector.broadcast %min3A_998 : i32 to vector<16xi32>
      %gather3A_1006 = tpu.vector_load_idx %arg6[%broadcast_in_dim3A_1005, %min3A_1004] : memref<128x100xi32, #tpu.memory_space<vmem>>[vector<16xi32>, vector<16xi32>], vector<16xi32>,
      %mul3A_1007 = arith.constant 3 : i32
      %mul3A_1008 = vector.broadcast %mul3A_1007 : i32 to vector<16xi32>
      %mul3A_1009 = arith.muli %gather3A_1006, %mul3A_1008 : vector<16xi32>
      %add3A_1010 = arith.constant 0 : i32
      %add3A_1011 = vector.broadcast %add3A_1010 : i32 to vector<16xi32>
      %add3A_1012 = arith.addi %mul3A_1009, %add3A_1011 : vector<16xi32>
      %swap3A_1013 = arith.constant 0 : i32
      %swap3A_1014 = arith.index_cast %swap3A_1013 : i32 to index
      %swap3A_1015 = arith.constant 0 : index
      %swap3A_1016 = tpu.vector_load %arg9[%swap3A_1014, %swap3A_1015] {strides = array<i32>} : memref<3x104xi32, #tpu.memory_space<vmem>>, vector<16xi32>,
      tpu.vector_store %arg9[%swap3A_1014, %swap3A_1015], %add3A_1012 {strides = array<i32>} : memref<3x104xi32, #tpu.memory_space<vmem>>, vector<16xi32>,
      %add3A_1017 = arith.constant 1 : i32
      %add3A_1018 = vector.broadcast %add3A_1017 : i32 to vector<16xi32>
      %add3A_1019 = arith.addi %mul3A_1009, %add3A_1018 : vector<16xi32>
      %swap3A_1020 = arith.constant 1 : i32
      %swap3A_1021 = arith.index_cast %swap3A_1020 : i32 to index
      %swap3A_1022 = arith.constant 0 : index
      %swap3A_1023 = tpu.vector_load %arg9[%swap3A_1021, %swap3A_1022] {strides = array<i32>} : memref<3x104xi32, #tpu.memory_space<vmem>>, vector<16xi32>,
      tpu.vector_store %arg9[%swap3A_1021, %swap3A_1022], %add3A_1019 {strides = array<i32>} : memref<3x104xi32, #tpu.memory_space<vmem>>, vector<16xi32>,
      %add3A_1024 = arith.constant 2 : i32
      %add3A_1025 = vector.broadcast %add3A_1024 : i32 to vector<16xi32>
      %add3A_1026 = arith.addi %mul3A_1009, %add3A_1025 : vector<16xi32>
      %swap3A_1027 = arith.constant 2 : i32
      %swap3A_1028 = arith.index_cast %swap3A_1027 : i32 to index
      %swap3A_1029 = arith.constant 0 : index
      %swap3A_1030 = tpu.vector_load %arg9[%swap3A_1028, %swap3A_1029] {strides = array<i32>} : memref<3x104xi32, #tpu.memory_space<vmem>>, vector<16xi32>,
      tpu.vector_store %arg9[%swap3A_1028, %swap3A_1029], %add3A_1026 {strides = array<i32>} : memref<3x104xi32, #tpu.memory_space<vmem>>, vector<16xi32>,
      %add3A_1031 = arith.constant 16 : i32
      %add3A_1032 = vector.broadcast %add3A_1031 : i32 to vector<16xi32>
      %add3A_1033 = arith.addi %iota3A, %add3A_1032 : vector<16xi32>
      %min3A_1034 = arith.constant 99 : i32
      %min3A_1035 = vector.broadcast %min3A_1034 : i32 to vector<16xi32>
      %min3A_1036 = arith.minsi %add3A_1033, %min3A_1035 : vector<16xi32>
      %broadcast_in_dim3A_1037 = vector.broadcast %min3A_998 : i32 to vector<16xi32>
      %gather3A_1038 = tpu.vector_load_idx %arg6[%broadcast_in_dim3A_1037, %min3A_1036] : memref<128x100xi32, #tpu.memory_space<vmem>>[vector<16xi32>, vector<16xi32>], vector<16xi32>,
      %mul3A_1039 = arith.constant 3 : i32
      %mul3A_1040 = vector.broadcast %mul3A_1039 : i32 to vector<16xi32>
      %mul3A_1041 = arith.muli %gather3A_1038, %mul3A_1040 : vector<16xi32>
      %add3A_1042 = arith.constant 0 : i32
      %add3A_1043 = vector.broadcast %add3A_1042 : i32 to vector<16xi32>
      %add3A_1044 = arith.addi %mul3A_1041, %add3A_1043 : vector<16xi32>
      %swap3A_1045 = arith.constant 0 : i32
      %swap3A_1046 = arith.index_cast %swap3A_1045 : i32 to index
      %swap3A_1047 = arith.constant 16 : index
      %swap3A_1048 = tpu.vector_load %arg9[%swap3A_1046, %swap3A_1047] {strides = array<i32>} : memref<3x104xi32, #tpu.memory_space<vmem>>, vector<16xi32>,
      tpu.vector_store %arg9[%swap3A_1046, %swap3A_1047], %add3A_1044 {strides = array<i32>} : memref<3x104xi32, #tpu.memory_space<vmem>>, vector<16xi32>,
      %add3A_1049 = arith.constant 1 : i32
      %add3A_1050 = vector.broadcast %add3A_1049 : i32 to vector<16xi32>
      %add3A_1051 = arith.addi %mul3A_1041, %add3A_1050 : vector<16xi32>
      %swap3A_1052 = arith.constant 1 : i32
      %swap3A_1053 = arith.index_cast %swap3A_1052 : i32 to index
      %swap3A_1054 = arith.constant 16 : index
      %swap3A_1055 = tpu.vector_load %arg9[%swap3A_1053, %swap3A_1054] {strides = array<i32>} : memref<3x104xi32, #tpu.memory_space<vmem>>, vector<16xi32>,
      tpu.vector_store %arg9[%swap3A_1053, %swap3A_1054], %add3A_1051 {strides = array<i32>} : memref<3x104xi32, #tpu.memory_space<vmem>>, vector<16xi32>,
      %add3A_1056 = arith.constant 2 : i32
      %add3A_1057 = vector.broadcast %add3A_1056 : i32 to vector<16xi32>
      %add3A_1058 = arith.addi %mul3A_1041, %add3A_1057 : vector<16xi32>
      %swap3A_1059 = arith.constant 2 : i32
      %swap3A_1060 = arith.index_cast %swap3A_1059 : i32 to index
      %swap3A_1061 = arith.constant 16 : index
      %swap3A_1062 = tpu.vector_load %arg9[%swap3A_1060, %swap3A_1061] {strides = array<i32>} : memref<3x104xi32, #tpu.memory_space<vmem>>, vector<16xi32>,
      tpu.vector_store %arg9[%swap3A_1060, %swap3A_1061], %add3A_1058 {strides = array<i32>} : memref<3x104xi32, #tpu.memory_space<vmem>>, vector<16xi32>,
      %add3A_1063 = arith.constant 32 : i32
      %add3A_1064 = vector.broadcast %add3A_1063 : i32 to vector<16xi32>
      %add3A_1065 = arith.addi %iota3A, %add3A_1064 : vector<16xi32>
      %min3A_1066 = arith.constant 99 : i32
      %min3A_1067 = vector.broadcast %min3A_1066 : i32 to vector<16xi32>
      %min3A_1068 = arith.minsi %add3A_1065, %min3A_1067 : vector<16xi32>
      %broadcast_in_dim3A_1069 = vector.broadcast %min3A_998 : i32 to vector<16xi32>
      %gather3A_1070 = tpu.vector_load_idx %arg6[%broadcast_in_dim3A_1069, %min3A_1068] : memref<128x100xi32, #tpu.memory_space<vmem>>[vector<16xi32>, vector<16xi32>], vector<16xi32>,
      %mul3A_1071 = arith.constant 3 : i32
      %mul3A_1072 = vector.broadcast %mul3A_1071 : i32 to vector<16xi32>
      %mul3A_1073 = arith.muli %gather3A_1070, %mul3A_1072 : vector<16xi32>
      %add3A_1074 = arith.constant 0 : i32
      %add3A_1075 = vector.broadcast %add3A_1074 : i32 to vector<16xi32>
      %add3A_1076 = arith.addi %mul3A_1073, %add3A_1075 : vector<16xi32>
      %swap3A_1077 = arith.constant 0 : i32
      %swap3A_1078 = arith.index_cast %swap3A_1077 : i32 to index
      %swap3A_1079 = arith.constant 32 : index
      %swap3A_1080 = tpu.vector_load %arg9[%swap3A_1078, %swap3A_1079] {strides = array<i32>} : memref<3x104xi32, #tpu.memory_space<vmem>>, vector<16xi32>,
      tpu.vector_store %arg9[%swap3A_1078, %swap3A_1079], %add3A_1076 {strides = array<i32>} : memref<3x104xi32, #tpu.memory_space<vmem>>, vector<16xi32>,
      %add3A_1081 = arith.constant 1 : i32
      %add3A_1082 = vector.broadcast %add3A_1081 : i32 to vector<16xi32>
      %add3A_1083 = arith.addi %mul3A_1073, %add3A_1082 : vector<16xi32>
      %swap3A_1084 = arith.constant 1 : i32
      %swap3A_1085 = arith.index_cast %swap3A_1084 : i32 to index
      %swap3A_1086 = arith.constant 32 : index
      %swap3A_1087 = tpu.vector_load %arg9[%swap3A_1085, %swap3A_1086] {strides = array<i32>} : memref<3x104xi32, #tpu.memory_space<vmem>>, vector<16xi32>,
      tpu.vector_store %arg9[%swap3A_1085, %swap3A_1086], %add3A_1083 {strides = array<i32>} : memref<3x104xi32, #tpu.memory_space<vmem>>, vector<16xi32>,
      %add3A_1088 = arith.constant 2 : i32
      %add3A_1089 = vector.broadcast %add3A_1088 : i32 to vector<16xi32>
      %add3A_1090 = arith.addi %mul3A_1073, %add3A_1089 : vector<16xi32>
      %swap3A_1091 = arith.constant 2 : i32
      %swap3A_1092 = arith.index_cast %swap3A_1091 : i32 to index
      %swap3A_1093 = arith.constant 32 : index
      %swap3A_1094 = tpu.vector_load %arg9[%swap3A_1092, %swap3A_1093] {strides = array<i32>} : memref<3x104xi32, #tpu.memory_space<vmem>>, vector<16xi32>,
      tpu.vector_store %arg9[%swap3A_1092, %swap3A_1093], %add3A_1090 {strides = array<i32>} : memref<3x104xi32, #tpu.memory_space<vmem>>, vector<16xi32>,
      %add3A_1095 = arith.constant 48 : i32
      %add3A_1096 = vector.broadcast %add3A_1095 : i32 to vector<16xi32>
      %add3A_1097 = arith.addi %iota3A, %add3A_1096 : vector<16xi32>
      %min3A_1098 = arith.constant 99 : i32
      %min3A_1099 = vector.broadcast %min3A_1098 : i32 to vector<16xi32>
      %min3A_1100 = arith.minsi %add3A_1097, %min3A_1099 : vector<16xi32>
      %broadcast_in_dim3A_1101 = vector.broadcast %min3A_998 : i32 to vector<16xi32>
      %gather3A_1102 = tpu.vector_load_idx %arg6[%broadcast_in_dim3A_1101, %min3A_1100] : memref<128x100xi32, #tpu.memory_space<vmem>>[vector<16xi32>, vector<16xi32>], vector<16xi32>,
      %mul3A_1103 = arith.constant 3 : i32
      %mul3A_1104 = vector.broadcast %mul3A_1103 : i32 to vector<16xi32>
      %mul3A_1105 = arith.muli %gather3A_1102, %mul3A_1104 : vector<16xi32>
      %add3A_1106 = arith.constant 0 : i32
      %add3A_1107 = vector.broadcast %add3A_1106 : i32 to vector<16xi32>
      %add3A_1108 = arith.addi %mul3A_1105, %add3A_1107 : vector<16xi32>
      %swap3A_1109 = arith.constant 0 : i32
      %swap3A_1110 = arith.index_cast %swap3A_1109 : i32 to index
      %swap3A_1111 = arith.constant 48 : index
      %swap3A_1112 = tpu.vector_load %arg9[%swap3A_1110, %swap3A_1111] {strides = array<i32>} : memref<3x104xi32, #tpu.memory_space<vmem>>, vector<16xi32>,
      tpu.vector_store %arg9[%swap3A_1110, %swap3A_1111], %add3A_1108 {strides = array<i32>} : memref<3x104xi32, #tpu.memory_space<vmem>>, vector<16xi32>,
      %add3A_1113 = arith.constant 1 : i32
      %add3A_1114 = vector.broadcast %add3A_1113 : i32 to vector<16xi32>
      %add3A_1115 = arith.addi %mul3A_1105, %add3A_1114 : vector<16xi32>
      %swap3A_1116 = arith.constant 1 : i32
      %swap3A_1117 = arith.index_cast %swap3A_1116 : i32 to index
      %swap3A_1118 = arith.constant 48 : index
      %swap3A_1119 = tpu.vector_load %arg9[%swap3A_1117, %swap3A_1118] {strides = array<i32>} : memref<3x104xi32, #tpu.memory_space<vmem>>, vector<16xi32>,
      tpu.vector_store %arg9[%swap3A_1117, %swap3A_1118], %add3A_1115 {strides = array<i32>} : memref<3x104xi32, #tpu.memory_space<vmem>>, vector<16xi32>,
      %add3A_1120 = arith.constant 2 : i32
      %add3A_1121 = vector.broadcast %add3A_1120 : i32 to vector<16xi32>
      %add3A_1122 = arith.addi %mul3A_1105, %add3A_1121 : vector<16xi32>
      %swap3A_1123 = arith.constant 2 : i32
      %swap3A_1124 = arith.index_cast %swap3A_1123 : i32 to index
      %swap3A_1125 = arith.constant 48 : index
      %swap3A_1126 = tpu.vector_load %arg9[%swap3A_1124, %swap3A_1125] {strides = array<i32>} : memref<3x104xi32, #tpu.memory_space<vmem>>, vector<16xi32>,
      tpu.vector_store %arg9[%swap3A_1124, %swap3A_1125], %add3A_1122 {strides = array<i32>} : memref<3x104xi32, #tpu.memory_space<vmem>>, vector<16xi32>,
      %add3A_1127 = arith.constant 64 : i32
      %add3A_1128 = vector.broadcast %add3A_1127 : i32 to vector<16xi32>
      %add3A_1129 = arith.addi %iota3A, %add3A_1128 : vector<16xi32>
      %min3A_1130 = arith.constant 99 : i32
      %min3A_1131 = vector.broadcast %min3A_1130 : i32 to vector<16xi32>
      %min3A_1132 = arith.minsi %add3A_1129, %min3A_1131 : vector<16xi32>
      %broadcast_in_dim3A_1133 = vector.broadcast %min3A_998 : i32 to vector<16xi32>
      %gather3A_1134 = tpu.vector_load_idx %arg6[%broadcast_in_dim3A_1133, %min3A_1132] : memref<128x100xi32, #tpu.memory_space<vmem>>[vector<16xi32>, vector<16xi32>], vector<16xi32>,
      %mul3A_1135 = arith.constant 3 : i32
      %mul3A_1136 = vector.broadcast %mul3A_1135 : i32 to vector<16xi32>
      %mul3A_1137 = arith.muli %gather3A_1134, %mul3A_1136 : vector<16xi32>
      %add3A_1138 = arith.constant 0 : i32
      %add3A_1139 = vector.broadcast %add3A_1138 : i32 to vector<16xi32>
      %add3A_1140 = arith.addi %mul3A_1137, %add3A_1139 : vector<16xi32>
      %swap3A_1141 = arith.constant 0 : i32
      %swap3A_1142 = arith.index_cast %swap3A_1141 : i32 to index
      %swap3A_1143 = arith.constant 64 : index
      %swap3A_1144 = tpu.vector_load %arg9[%swap3A_1142, %swap3A_1143] {strides = array<i32>} : memref<3x104xi32, #tpu.memory_space<vmem>>, vector<16xi32>,
      tpu.vector_store %arg9[%swap3A_1142, %swap3A_1143], %add3A_1140 {strides = array<i32>} : memref<3x104xi32, #tpu.memory_space<vmem>>, vector<16xi32>,
      %add3A_1145 = arith.constant 1 : i32
      %add3A_1146 = vector.broadcast %add3A_1145 : i32 to vector<16xi32>
      %add3A_1147 = arith.addi %mul3A_1137, %add3A_1146 : vector<16xi32>
      %swap3A_1148 = arith.constant 1 : i32
      %swap3A_1149 = arith.index_cast %swap3A_1148 : i32 to index
      %swap3A_1150 = arith.constant 64 : index
      %swap3A_1151 = tpu.vector_load %arg9[%swap3A_1149, %swap3A_1150] {strides = array<i32>} : memref<3x104xi32, #tpu.memory_space<vmem>>, vector<16xi32>,
      tpu.vector_store %arg9[%swap3A_1149, %swap3A_1150], %add3A_1147 {strides = array<i32>} : memref<3x104xi32, #tpu.memory_space<vmem>>, vector<16xi32>,
      %add3A_1152 = arith.constant 2 : i32
      %add3A_1153 = vector.broadcast %add3A_1152 : i32 to vector<16xi32>
      %add3A_1154 = arith.addi %mul3A_1137, %add3A_1153 : vector<16xi32>
      %swap3A_1155 = arith.constant 2 : i32
      %swap3A_1156 = arith.index_cast %swap3A_1155 : i32 to index
      %swap3A_1157 = arith.constant 64 : index
      %swap3A_1158 = tpu.vector_load %arg9[%swap3A_1156, %swap3A_1157] {strides = array<i32>} : memref<3x104xi32, #tpu.memory_space<vmem>>, vector<16xi32>,
      tpu.vector_store %arg9[%swap3A_1156, %swap3A_1157], %add3A_1154 {strides = array<i32>} : memref<3x104xi32, #tpu.memory_space<vmem>>, vector<16xi32>,
      %add3A_1159 = arith.constant 80 : i32
      %add3A_1160 = vector.broadcast %add3A_1159 : i32 to vector<16xi32>
      %add3A_1161 = arith.addi %iota3A, %add3A_1160 : vector<16xi32>
      %min3A_1162 = arith.constant 99 : i32
      %min3A_1163 = vector.broadcast %min3A_1162 : i32 to vector<16xi32>
      %min3A_1164 = arith.minsi %add3A_1161, %min3A_1163 : vector<16xi32>
      %broadcast_in_dim3A_1165 = vector.broadcast %min3A_998 : i32 to vector<16xi32>
      %gather3A_1166 = tpu.vector_load_idx %arg6[%broadcast_in_dim3A_1165, %min3A_1164] : memref<128x100xi32, #tpu.memory_space<vmem>>[vector<16xi32>, vector<16xi32>], vector<16xi32>,
      %mul3A_1167 = arith.constant 3 : i32
      %mul3A_1168 = vector.broadcast %mul3A_1167 : i32 to vector<16xi32>
      %mul3A_1169 = arith.muli %gather3A_1166, %mul3A_1168 : vector<16xi32>
      %add3A_1170 = arith.constant 0 : i32
      %add3A_1171 = vector.broadcast %add3A_1170 : i32 to vector<16xi32>
      %add3A_1172 = arith.addi %mul3A_1169, %add3A_1171 : vector<16xi32>
      %swap3A_1173 = arith.constant 0 : i32
      %swap3A_1174 = arith.index_cast %swap3A_1173 : i32 to index
      %swap3A_1175 = arith.constant 80 : index
      %swap3A_1176 = tpu.vector_load %arg9[%swap3A_1174, %swap3A_1175] {strides = array<i32>} : memref<3x104xi32, #tpu.memory_space<vmem>>, vector<16xi32>,
      tpu.vector_store %arg9[%swap3A_1174, %swap3A_1175], %add3A_1172 {strides = array<i32>} : memref<3x104xi32, #tpu.memory_space<vmem>>, vector<16xi32>,
      %add3A_1177 = arith.constant 1 : i32
      %add3A_1178 = vector.broadcast %add3A_1177 : i32 to vector<16xi32>
      %add3A_1179 = arith.addi %mul3A_1169, %add3A_1178 : vector<16xi32>
      %swap3A_1180 = arith.constant 1 : i32
      %swap3A_1181 = arith.index_cast %swap3A_1180 : i32 to index
      %swap3A_1182 = arith.constant 80 : index
      %swap3A_1183 = tpu.vector_load %arg9[%swap3A_1181, %swap3A_1182] {strides = array<i32>} : memref<3x104xi32, #tpu.memory_space<vmem>>, vector<16xi32>,
      tpu.vector_store %arg9[%swap3A_1181, %swap3A_1182], %add3A_1179 {strides = array<i32>} : memref<3x104xi32, #tpu.memory_space<vmem>>, vector<16xi32>,
      %add3A_1184 = arith.constant 2 : i32
      %add3A_1185 = vector.broadcast %add3A_1184 : i32 to vector<16xi32>
      %add3A_1186 = arith.addi %mul3A_1169, %add3A_1185 : vector<16xi32>
      %swap3A_1187 = arith.constant 2 : i32
      %swap3A_1188 = arith.index_cast %swap3A_1187 : i32 to index
      %swap3A_1189 = arith.constant 80 : index
      %swap3A_1190 = tpu.vector_load %arg9[%swap3A_1188, %swap3A_1189] {strides = array<i32>} : memref<3x104xi32, #tpu.memory_space<vmem>>, vector<16xi32>,
      tpu.vector_store %arg9[%swap3A_1188, %swap3A_1189], %add3A_1186 {strides = array<i32>} : memref<3x104xi32, #tpu.memory_space<vmem>>, vector<16xi32>,
      %add3A_1191 = arith.constant 88 : i32
      %add3A_1192 = vector.broadcast %add3A_1191 : i32 to vector<16xi32>
      %add3A_1193 = arith.addi %iota3A, %add3A_1192 : vector<16xi32>
      %min3A_1194 = arith.constant 99 : i32
      %min3A_1195 = vector.broadcast %min3A_1194 : i32 to vector<16xi32>
      %min3A_1196 = arith.minsi %add3A_1193, %min3A_1195 : vector<16xi32>
      %broadcast_in_dim3A_1197 = vector.broadcast %min3A_998 : i32 to vector<16xi32>
      %gather3A_1198 = tpu.vector_load_idx %arg6[%broadcast_in_dim3A_1197, %min3A_1196] : memref<128x100xi32, #tpu.memory_space<vmem>>[vector<16xi32>, vector<16xi32>], vector<16xi32>,
      %mul3A_1199 = arith.constant 3 : i32
      %mul3A_1200 = vector.broadcast %mul3A_1199 : i32 to vector<16xi32>
      %mul3A_1201 = arith.muli %gather3A_1198, %mul3A_1200 : vector<16xi32>
      %add3A_1202 = arith.constant 0 : i32
      %add3A_1203 = vector.broadcast %add3A_1202 : i32 to vector<16xi32>
      %add3A_1204 = arith.addi %mul3A_1201, %add3A_1203 : vector<16xi32>
      %swap3A_1205 = arith.constant 0 : i32
      %swap3A_1206 = arith.index_cast %swap3A_1205 : i32 to index
      %swap3A_1207 = arith.constant 88 : index
      %swap3A_1208 = tpu.vector_load %arg9[%swap3A_1206, %swap3A_1207] {strides = array<i32>} : memref<3x104xi32, #tpu.memory_space<vmem>>, vector<16xi32>,
      tpu.vector_store %arg9[%swap3A_1206, %swap3A_1207], %add3A_1204 {strides = array<i32>} : memref<3x104xi32, #tpu.memory_space<vmem>>, vector<16xi32>,
      %add3A_1209 = arith.constant 1 : i32
      %add3A_1210 = vector.broadcast %add3A_1209 : i32 to vector<16xi32>
      %add3A_1211 = arith.addi %mul3A_1201, %add3A_1210 : vector<16xi32>
      %swap3A_1212 = arith.constant 1 : i32
      %swap3A_1213 = arith.index_cast %swap3A_1212 : i32 to index
      %swap3A_1214 = arith.constant 88 : index
      %swap3A_1215 = tpu.vector_load %arg9[%swap3A_1213, %swap3A_1214] {strides = array<i32>} : memref<3x104xi32, #tpu.memory_space<vmem>>, vector<16xi32>,
      tpu.vector_store %arg9[%swap3A_1213, %swap3A_1214], %add3A_1211 {strides = array<i32>} : memref<3x104xi32, #tpu.memory_space<vmem>>, vector<16xi32>,
      %add3A_1216 = arith.constant 2 : i32
      %add3A_1217 = vector.broadcast %add3A_1216 : i32 to vector<16xi32>
      %add3A_1218 = arith.addi %mul3A_1201, %add3A_1217 : vector<16xi32>
      %swap3A_1219 = arith.constant 2 : i32
      %swap3A_1220 = arith.index_cast %swap3A_1219 : i32 to index
      %swap3A_1221 = arith.constant 88 : index
      %swap3A_1222 = tpu.vector_load %arg9[%swap3A_1220, %swap3A_1221] {strides = array<i32>} : memref<3x104xi32, #tpu.memory_space<vmem>>, vector<16xi32>,
      tpu.vector_store %arg9[%swap3A_1220, %swap3A_1221], %add3A_1218 {strides = array<i32>} : memref<3x104xi32, #tpu.memory_space<vmem>>, vector<16xi32>,
      %dma_start3A_1223 = arith.constant 0 : i32
      %dma_start3A_1224 = arith.constant 0 : i32
      %dma_start3A_1225 = arith.constant 0 : i32
      %dma_start3A_1226 = tpu.memref_slice %arg11[%dma_start3A_1224, %dma_start3A_1225] : memref<312x128xf32, #tpu.memory_space<vmem>> -> memref<104x128xf32, #tpu.memory_space<vmem>>
      %dma_start3A_1227 = arith.constant 0 : i32
      %dma_start3A_1228 = tpu.memref_slice %arg9[%dma_start3A_1223, %dma_start3A_1227] : memref<3x104xi32, #tpu.memory_space<vmem>> -> memref<1x104xi32, #tpu.memory_space<vmem>>
      %dma_start3A_1229 = tpu.memref_squeeze %dma_start3A_1228 : memref<1x104xi32, #tpu.memory_space<vmem>> -> memref<104xi32, #tpu.memory_space<vmem>>
      %dma_start3A_1230 = arith.constant 0 : i32
      %dma_start3A_1231 = arith.constant 0 : i32
      %dma_start3A_1232 = tpu.memref_slice %arg3[%dma_start3A_1230, %dma_start3A_1231] : memref<300000x128xf32, #tpu.memory_space<hbm>> -> memref<300000x128xf32, #tpu.memory_space<hbm>>
      tpu.enqueue_indirect_dma source(%dma_start3A_1232 : memref<300000x128xf32, #tpu.memory_space<hbm>>) target(%dma_start3A_1226 : memref<104x128xf32, #tpu.memory_space<vmem>>) offsets(%dma_start3A_1229 : memref<104xi32, #tpu.memory_space<vmem>>) semaphore(%arg13 : memref<!tpu.dma_semaphore, #tpu.memory_space<semaphore_mem>>)
      %dma_start3A_1233 = arith.constant 1 : i32
      %dma_start3A_1234 = arith.constant 104 : i32
      %dma_start3A_1235 = arith.constant 0 : i32
      %dma_start3A_1236 = tpu.memref_slice %arg11[%dma_start3A_1234, %dma_start3A_1235] : memref<312x128xf32, #tpu.memory_space<vmem>> -> memref<104x128xf32, #tpu.memory_space<vmem>>
      %dma_start3A_1237 = arith.constant 0 : i32
      %dma_start3A_1238 = tpu.memref_slice %arg9[%dma_start3A_1233, %dma_start3A_1237] : memref<3x104xi32, #tpu.memory_space<vmem>> -> memref<1x104xi32, #tpu.memory_space<vmem>>
      %dma_start3A_1239 = tpu.memref_squeeze %dma_start3A_1238 : memref<1x104xi32, #tpu.memory_space<vmem>> -> memref<104xi32, #tpu.memory_space<vmem>>
      %dma_start3A_1240 = arith.constant 0 : i32
      %dma_start3A_1241 = arith.constant 0 : i32
      %dma_start3A_1242 = tpu.memref_slice %arg3[%dma_start3A_1240, %dma_start3A_1241] : memref<300000x128xf32, #tpu.memory_space<hbm>> -> memref<300000x128xf32, #tpu.memory_space<hbm>>
      tpu.enqueue_indirect_dma source(%dma_start3A_1242 : memref<300000x128xf32, #tpu.memory_space<hbm>>) target(%dma_start3A_1236 : memref<104x128xf32, #tpu.memory_space<vmem>>) offsets(%dma_start3A_1239 : memref<104xi32, #tpu.memory_space<vmem>>) semaphore(%arg13 : memref<!tpu.dma_semaphore, #tpu.memory_space<semaphore_mem>>)
      %dma_start3A_1243 = arith.constant 2 : i32
      %dma_start3A_1244 = arith.constant 208 : i32
      %dma_start3A_1245 = arith.constant 0 : i32
      %dma_start3A_1246 = tpu.memref_slice %arg11[%dma_start3A_1244, %dma_start3A_1245] : memref<312x128xf32, #tpu.memory_space<vmem>> -> memref<104x128xf32, #tpu.memory_space<vmem>>
      %dma_start3A_1247 = arith.constant 0 : i32
      %dma_start3A_1248 = tpu.memref_slice %arg9[%dma_start3A_1243, %dma_start3A_1247] : memref<3x104xi32, #tpu.memory_space<vmem>> -> memref<1x104xi32, #tpu.memory_space<vmem>>
      %dma_start3A_1249 = tpu.memref_squeeze %dma_start3A_1248 : memref<1x104xi32, #tpu.memory_space<vmem>> -> memref<104xi32, #tpu.memory_space<vmem>>
      %dma_start3A_1250 = arith.constant 0 : i32
      %dma_start3A_1251 = arith.constant 0 : i32
      %dma_start3A_1252 = tpu.memref_slice %arg3[%dma_start3A_1250, %dma_start3A_1251] : memref<300000x128xf32, #tpu.memory_space<hbm>> -> memref<300000x128xf32, #tpu.memory_space<hbm>>
      tpu.enqueue_indirect_dma source(%dma_start3A_1252 : memref<300000x128xf32, #tpu.memory_space<hbm>>) target(%dma_start3A_1246 : memref<104x128xf32, #tpu.memory_space<vmem>>) offsets(%dma_start3A_1249 : memref<104xi32, #tpu.memory_space<vmem>>) semaphore(%arg13 : memref<!tpu.dma_semaphore, #tpu.memory_space<semaphore_mem>>)
      %dma_wait3A_1253 = arith.constant 0 : i32
      %dma_wait3A_1254 = arith.constant 0 : i32
      %dma_wait3A_1255 = arith.constant 0 : i32
      %dma_wait3A_1256 = tpu.memref_slice %arg12[%dma_wait3A_1254, %dma_wait3A_1255] : memref<312x128xf32, #tpu.memory_space<vmem>> -> memref<104x128xf32, #tpu.memory_space<vmem>>
      %dma_wait3A_1257 = arith.constant 0 : i32
      %dma_wait3A_1258 = tpu.memref_slice %arg10[%dma_wait3A_1253, %dma_wait3A_1257] : memref<3x104xi32, #tpu.memory_space<vmem>> -> memref<1x104xi32, #tpu.memory_space<vmem>>
      %dma_wait3A_1259 = tpu.memref_squeeze %dma_wait3A_1258 : memref<1x104xi32, #tpu.memory_space<vmem>> -> memref<104xi32, #tpu.memory_space<vmem>>
      %dma_wait3A_1260 = arith.constant 0 : i32
      %dma_wait3A_1261 = arith.constant 0 : i32
      %dma_wait3A_1262 = tpu.memref_slice %arg3[%dma_wait3A_1260, %dma_wait3A_1261] : memref<300000x128xf32, #tpu.memory_space<hbm>> -> memref<300000x128xf32, #tpu.memory_space<hbm>>
      tpu.wait_indirect_dma semaphore(%arg14 : memref<!tpu.dma_semaphore, #tpu.memory_space<semaphore_mem>>) src(%dma_wait3A_1262 : memref<300000x128xf32, #tpu.memory_space<hbm>>) dst(%dma_wait3A_1256 : memref<104x128xf32, #tpu.memory_space<vmem>>)
      %dma_wait3A_1263 = arith.constant 1 : i32
      %dma_wait3A_1264 = arith.constant 104 : i32
      %dma_wait3A_1265 = arith.constant 0 : i32
      %dma_wait3A_1266 = tpu.memref_slice %arg12[%dma_wait3A_1264, %dma_wait3A_1265] : memref<312x128xf32, #tpu.memory_space<vmem>> -> memref<104x128xf32, #tpu.memory_space<vmem>>
      %dma_wait3A_1267 = arith.constant 0 : i32
      %dma_wait3A_1268 = tpu.memref_slice %arg10[%dma_wait3A_1263, %dma_wait3A_1267] : memref<3x104xi32, #tpu.memory_space<vmem>> -> memref<1x104xi32, #tpu.memory_space<vmem>>
      %dma_wait3A_1269 = tpu.memref_squeeze %dma_wait3A_1268 : memref<1x104xi32, #tpu.memory_space<vmem>> -> memref<104xi32, #tpu.memory_space<vmem>>
      %dma_wait3A_1270 = arith.constant 0 : i32
      %dma_wait3A_1271 = arith.constant 0 : i32
      %dma_wait3A_1272 = tpu.memref_slice %arg3[%dma_wait3A_1270, %dma_wait3A_1271] : memref<300000x128xf32, #tpu.memory_space<hbm>> -> memref<300000x128xf32, #tpu.memory_space<hbm>>
      tpu.wait_indirect_dma semaphore(%arg14 : memref<!tpu.dma_semaphore, #tpu.memory_space<semaphore_mem>>) src(%dma_wait3A_1272 : memref<300000x128xf32, #tpu.memory_space<hbm>>) dst(%dma_wait3A_1266 : memref<104x128xf32, #tpu.memory_space<vmem>>)
      %dma_wait3A_1273 = arith.constant 2 : i32
      %dma_wait3A_1274 = arith.constant 208 : i32
      %dma_wait3A_1275 = arith.constant 0 : i32
      %dma_wait3A_1276 = tpu.memref_slice %arg12[%dma_wait3A_1274, %dma_wait3A_1275] : memref<312x128xf32, #tpu.memory_space<vmem>> -> memref<104x128xf32, #tpu.memory_space<vmem>>
      %dma_wait3A_1277 = arith.constant 0 : i32
      %dma_wait3A_1278 = tpu.memref_slice %arg10[%dma_wait3A_1273, %dma_wait3A_1277] : memref<3x104xi32, #tpu.memory_space<vmem>> -> memref<1x104xi32, #tpu.memory_space<vmem>>
      %dma_wait3A_1279 = tpu.memref_squeeze %dma_wait3A_1278 : memref<1x104xi32, #tpu.memory_space<vmem>> -> memref<104xi32, #tpu.memory_space<vmem>>
      %dma_wait3A_1280 = arith.constant 0 : i32
      %dma_wait3A_1281 = arith.constant 0 : i32
      %dma_wait3A_1282 = tpu.memref_slice %arg3[%dma_wait3A_1280, %dma_wait3A_1281] : memref<300000x128xf32, #tpu.memory_space<hbm>> -> memref<300000x128xf32, #tpu.memory_space<hbm>>
      tpu.wait_indirect_dma semaphore(%arg14 : memref<!tpu.dma_semaphore, #tpu.memory_space<semaphore_mem>>) src(%dma_wait3A_1282 : memref<300000x128xf32, #tpu.memory_space<hbm>>) dst(%dma_wait3A_1276 : memref<104x128xf32, #tpu.memory_space<vmem>>)
      %get3A_1283 = arith.constant 0 : i32
      %get3A_1284 = arith.index_cast %get3A_1283 : i32 to index
      %get3A_1285 = arith.constant 0 : index
      %get3A_1286 = tpu.vector_load %arg12[%get3A_1284, %get3A_1285] {strides = array<i32>} : memref<312x128xf32, #tpu.memory_space<vmem>>, vector<16xf32>,
      %get3A_1287 = arith.constant 0 : i32
      %get3A_1288 = arith.index_cast %get3A_1287 : i32 to index
      %get3A_1289 = arith.constant 16 : index
      %get3A_1290 = tpu.vector_load %arg12[%get3A_1288, %get3A_1289] {strides = array<i32>} : memref<312x128xf32, #tpu.memory_space<vmem>>, vector<16xf32>,
      %get3A_1291 = arith.constant 0 : i32
      %get3A_1292 = arith.index_cast %get3A_1291 : i32 to index
      %get3A_1293 = arith.constant 32 : index
      %get3A_1294 = tpu.vector_load %arg12[%get3A_1292, %get3A_1293] {strides = array<i32>} : memref<312x128xf32, #tpu.memory_space<vmem>>, vector<16xf32>,
      %get3A_1295 = arith.constant 0 : i32
      %get3A_1296 = arith.index_cast %get3A_1295 : i32 to index
      %get3A_1297 = arith.constant 48 : index
      %get3A_1298 = tpu.vector_load %arg12[%get3A_1296, %get3A_1297] {strides = array<i32>} : memref<312x128xf32, #tpu.memory_space<vmem>>, vector<16xf32>,
      %get3A_1299 = arith.constant 0 : i32
      %get3A_1300 = arith.index_cast %get3A_1299 : i32 to index
      %get3A_1301 = arith.constant 64 : index
      %get3A_1302 = tpu.vector_load %arg12[%get3A_1300, %get3A_1301] {strides = array<i32>} : memref<312x128xf32, #tpu.memory_space<vmem>>, vector<16xf32>,
      %get3A_1303 = arith.constant 0 : i32
      %get3A_1304 = arith.index_cast %get3A_1303 : i32 to index
      %get3A_1305 = arith.constant 80 : index
      %get3A_1306 = tpu.vector_load %arg12[%get3A_1304, %get3A_1305] {strides = array<i32>} : memref<312x128xf32, #tpu.memory_space<vmem>>, vector<16xf32>,
      %get3A_1307 = arith.constant 0 : i32
      %get3A_1308 = arith.index_cast %get3A_1307 : i32 to index
      %get3A_1309 = arith.constant 96 : index
      %get3A_1310 = tpu.vector_load %arg12[%get3A_1308, %get3A_1309] {strides = array<i32>} : memref<312x128xf32, #tpu.memory_space<vmem>>, vector<16xf32>,
      %get3A_1311 = arith.constant 0 : i32
      %get3A_1312 = arith.index_cast %get3A_1311 : i32 to index
      %get3A_1313 = arith.constant 112 : index
      %get3A_1314 = tpu.vector_load %arg12[%get3A_1312, %get3A_1313] {strides = array<i32>} : memref<312x128xf32, #tpu.memory_space<vmem>>, vector<16xf32>,
      %get3A_1315 = arith.constant 104 : i32
      %get3A_1316 = arith.index_cast %get3A_1315 : i32 to index
      %get3A_1317 = arith.constant 0 : index
      %get3A_1318 = tpu.vector_load %arg12[%get3A_1316, %get3A_1317] {strides = array<i32>} : memref<312x128xf32, #tpu.memory_space<vmem>>, vector<16xf32>,
      %get3A_1319 = arith.constant 104 : i32
      %get3A_1320 = arith.index_cast %get3A_1319 : i32 to index
      %get3A_1321 = arith.constant 16 : index
      %get3A_1322 = tpu.vector_load %arg12[%get3A_1320, %get3A_1321] {strides = array<i32>} : memref<312x128xf32, #tpu.memory_space<vmem>>, vector<16xf32>,
      %get3A_1323 = arith.constant 104 : i32
      %get3A_1324 = arith.index_cast %get3A_1323 : i32 to index
      %get3A_1325 = arith.constant 32 : index
      %get3A_1326 = tpu.vector_load %arg12[%get3A_1324, %get3A_1325] {strides = array<i32>} : memref<312x128xf32, #tpu.memory_space<vmem>>, vector<16xf32>,
      %get3A_1327 = arith.constant 104 : i32
      %get3A_1328 = arith.index_cast %get3A_1327 : i32 to index
      %get3A_1329 = arith.constant 48 : index
      %get3A_1330 = tpu.vector_load %arg12[%get3A_1328, %get3A_1329] {strides = array<i32>} : memref<312x128xf32, #tpu.memory_space<vmem>>, vector<16xf32>,
      %get3A_1331 = arith.constant 104 : i32
      %get3A_1332 = arith.index_cast %get3A_1331 : i32 to index
      %get3A_1333 = arith.constant 64 : index
      %get3A_1334 = tpu.vector_load %arg12[%get3A_1332, %get3A_1333] {strides = array<i32>} : memref<312x128xf32, #tpu.memory_space<vmem>>, vector<16xf32>,
      %get3A_1335 = arith.constant 104 : i32
      %get3A_1336 = arith.index_cast %get3A_1335 : i32 to index
      %get3A_1337 = arith.constant 80 : index
      %get3A_1338 = tpu.vector_load %arg12[%get3A_1336, %get3A_1337] {strides = array<i32>} : memref<312x128xf32, #tpu.memory_space<vmem>>, vector<16xf32>,
      %get3A_1339 = arith.constant 104 : i32
      %get3A_1340 = arith.index_cast %get3A_1339 : i32 to index
      %get3A_1341 = arith.constant 96 : index
      %get3A_1342 = tpu.vector_load %arg12[%get3A_1340, %get3A_1341] {strides = array<i32>} : memref<312x128xf32, #tpu.memory_space<vmem>>, vector<16xf32>,
      %get3A_1343 = arith.constant 104 : i32
      %get3A_1344 = arith.index_cast %get3A_1343 : i32 to index
      %get3A_1345 = arith.constant 112 : index
      %get3A_1346 = tpu.vector_load %arg12[%get3A_1344, %get3A_1345] {strides = array<i32>} : memref<312x128xf32, #tpu.memory_space<vmem>>, vector<16xf32>,
      %get3A_1347 = arith.constant 208 : i32
      %get3A_1348 = arith.index_cast %get3A_1347 : i32 to index
      %get3A_1349 = arith.constant 0 : index
      %get3A_1350 = tpu.vector_load %arg12[%get3A_1348, %get3A_1349] {strides = array<i32>} : memref<312x128xf32, #tpu.memory_space<vmem>>, vector<16xf32>,
      %get3A_1351 = arith.constant 208 : i32
      %get3A_1352 = arith.index_cast %get3A_1351 : i32 to index
      %get3A_1353 = arith.constant 16 : index
      %get3A_1354 = tpu.vector_load %arg12[%get3A_1352, %get3A_1353] {strides = array<i32>} : memref<312x128xf32, #tpu.memory_space<vmem>>, vector<16xf32>,
      %get3A_1355 = arith.constant 208 : i32
      %get3A_1356 = arith.index_cast %get3A_1355 : i32 to index
      %get3A_1357 = arith.constant 32 : index
      %get3A_1358 = tpu.vector_load %arg12[%get3A_1356, %get3A_1357] {strides = array<i32>} : memref<312x128xf32, #tpu.memory_space<vmem>>, vector<16xf32>,
      %scan3A_1359 = arith.constant 1 : i32
      %scan3A_1360 = arith.constant 49 : i32
      %scan3A_1361 = arith.addi %scan3A_1359, %scan3A_1360 : i32
      %scan3A_1362 = arith.constant 1 : i32
      %scan3A_1363:19 = scf.for %scan3A_1693 = %scan3A_1359 to %scan3A_1361 step %scan3A_1362 iter_args(%scan3A_1694 = %get3A_1286, %scan3A_1695 = %get3A_1290, %scan3A_1696 = %get3A_1294, %scan3A_1697 = %get3A_1298, %scan3A_1698 = %get3A_1302, %scan3A_1699 = %get3A_1306, %scan3A_1700 = %get3A_1310, %scan3A_1701 = %get3A_1314, %scan3A_1702 = %get3A_1318, %scan3A_1703 = %get3A_1322, %scan3A_1704 = %get3A_1326, %scan3A_1705 = %get3A_1330, %scan3A_1706 = %get3A_1334, %scan3A_1707 = %get3A_1338, %scan3A_1708 = %get3A_1342, %scan3A_1709 = %get3A_1346, %scan3A_1710 = %get3A_1350, %scan3A_1711 = %get3A_1354, %scan3A_1712 = %get3A_1358) -> (vector<16xf32>, vector<16xf32>, vector<16xf32>, vector<16xf32>, vector<16xf32>, vector<16xf32>, vector<16xf32>, vector<16xf32>, vector<16xf32>, vector<16xf32>, vector<16xf32>, vector<16xf32>, vector<16xf32>, vector<16xf32>, vector<16xf32>, vector<16xf32>, vector<16xf32>, vector<16xf32>, vector<16xf32>)  : i32 {
        %add3A_1713 = arith.constant 0 : i32
        %add3A_1714 = arith.addi %add3A_1713, %scan3A_1693 : i32
        %add3A_1715 = arith.constant 0 : i32
        %add3A_1716 = arith.addi %add3A_1715, %add3A_1714 : i32
        %get3A_1717 = arith.index_cast %add3A_1716 : i32 to index
        %get3A_1718 = arith.constant 0 : index
        %get3A_1719 = tpu.vector_load %arg12[%get3A_1717, %get3A_1718] {strides = array<i32>} : memref<312x128xf32, #tpu.memory_space<vmem>>, vector<16xf32>,
        %add3A_1720 = arith.constant 0 : i32
        %add3A_1721 = arith.addi %add3A_1720, %add3A_1714 : i32
        %get3A_1722 = arith.index_cast %add3A_1721 : i32 to index
        %get3A_1723 = arith.constant 16 : index
        %get3A_1724 = tpu.vector_load %arg12[%get3A_1722, %get3A_1723] {strides = array<i32>} : memref<312x128xf32, #tpu.memory_space<vmem>>, vector<16xf32>,
        %add3A_1725 = arith.constant 0 : i32
        %add3A_1726 = arith.addi %add3A_1725, %add3A_1714 : i32
        %get3A_1727 = arith.index_cast %add3A_1726 : i32 to index
        %get3A_1728 = arith.constant 32 : index
        %get3A_1729 = tpu.vector_load %arg12[%get3A_1727, %get3A_1728] {strides = array<i32>} : memref<312x128xf32, #tpu.memory_space<vmem>>, vector<16xf32>,
        %add3A_1730 = arith.constant 0 : i32
        %add3A_1731 = arith.addi %add3A_1730, %add3A_1714 : i32
        %get3A_1732 = arith.index_cast %add3A_1731 : i32 to index
        %get3A_1733 = arith.constant 48 : index
        %get3A_1734 = tpu.vector_load %arg12[%get3A_1732, %get3A_1733] {strides = array<i32>} : memref<312x128xf32, #tpu.memory_space<vmem>>, vector<16xf32>,
        %add3A_1735 = arith.constant 0 : i32
        %add3A_1736 = arith.addi %add3A_1735, %add3A_1714 : i32
        %get3A_1737 = arith.index_cast %add3A_1736 : i32 to index
        %get3A_1738 = arith.constant 64 : index
        %get3A_1739 = tpu.vector_load %arg12[%get3A_1737, %get3A_1738] {strides = array<i32>} : memref<312x128xf32, #tpu.memory_space<vmem>>, vector<16xf32>,
        %add3A_1740 = arith.constant 0 : i32
        %add3A_1741 = arith.addi %add3A_1740, %add3A_1714 : i32
        %get3A_1742 = arith.index_cast %add3A_1741 : i32 to index
        %get3A_1743 = arith.constant 80 : index
        %get3A_1744 = tpu.vector_load %arg12[%get3A_1742, %get3A_1743] {strides = array<i32>} : memref<312x128xf32, #tpu.memory_space<vmem>>, vector<16xf32>,
        %add3A_1745 = arith.constant 0 : i32
        %add3A_1746 = arith.addi %add3A_1745, %add3A_1714 : i32
        %get3A_1747 = arith.index_cast %add3A_1746 : i32 to index
        %get3A_1748 = arith.constant 96 : index
        %get3A_1749 = tpu.vector_load %arg12[%get3A_1747, %get3A_1748] {strides = array<i32>} : memref<312x128xf32, #tpu.memory_space<vmem>>, vector<16xf32>,
        %add3A_1750 = arith.constant 0 : i32
        %add3A_1751 = arith.addi %add3A_1750, %add3A_1714 : i32
        %get3A_1752 = arith.index_cast %add3A_1751 : i32 to index
        %get3A_1753 = arith.constant 112 : index
        %get3A_1754 = tpu.vector_load %arg12[%get3A_1752, %get3A_1753] {strides = array<i32>} : memref<312x128xf32, #tpu.memory_space<vmem>>, vector<16xf32>,
        %add3A_1755 = arith.constant 104 : i32
        %add3A_1756 = arith.addi %add3A_1755, %add3A_1714 : i32
        %get3A_1757 = arith.index_cast %add3A_1756 : i32 to index
        %get3A_1758 = arith.constant 0 : index
        %get3A_1759 = tpu.vector_load %arg12[%get3A_1757, %get3A_1758] {strides = array<i32>} : memref<312x128xf32, #tpu.memory_space<vmem>>, vector<16xf32>,
        %add3A_1760 = arith.constant 104 : i32
        %add3A_1761 = arith.addi %add3A_1760, %add3A_1714 : i32
        %get3A_1762 = arith.index_cast %add3A_1761 : i32 to index
        %get3A_1763 = arith.constant 16 : index
        %get3A_1764 = tpu.vector_load %arg12[%get3A_1762, %get3A_1763] {strides = array<i32>} : memref<312x128xf32, #tpu.memory_space<vmem>>, vector<16xf32>,
        %add3A_1765 = arith.constant 104 : i32
        %add3A_1766 = arith.addi %add3A_1765, %add3A_1714 : i32
        %get3A_1767 = arith.index_cast %add3A_1766 : i32 to index
        %get3A_1768 = arith.constant 32 : index
        %get3A_1769 = tpu.vector_load %arg12[%get3A_1767, %get3A_1768] {strides = array<i32>} : memref<312x128xf32, #tpu.memory_space<vmem>>, vector<16xf32>,
        %add3A_1770 = arith.constant 104 : i32
        %add3A_1771 = arith.addi %add3A_1770, %add3A_1714 : i32
        %get3A_1772 = arith.index_cast %add3A_1771 : i32 to index
        %get3A_1773 = arith.constant 48 : index
        %get3A_1774 = tpu.vector_load %arg12[%get3A_1772, %get3A_1773] {strides = array<i32>} : memref<312x128xf32, #tpu.memory_space<vmem>>, vector<16xf32>,
        %add3A_1775 = arith.constant 104 : i32
        %add3A_1776 = arith.addi %add3A_1775, %add3A_1714 : i32
        %get3A_1777 = arith.index_cast %add3A_1776 : i32 to index
        %get3A_1778 = arith.constant 64 : index
        %get3A_1779 = tpu.vector_load %arg12[%get3A_1777, %get3A_1778] {strides = array<i32>} : memref<312x128xf32, #tpu.memory_space<vmem>>, vector<16xf32>,
        %add3A_1780 = arith.constant 104 : i32
        %add3A_1781 = arith.addi %add3A_1780, %add3A_1714 : i32
        %get3A_1782 = arith.index_cast %add3A_1781 : i32 to index
        %get3A_1783 = arith.constant 80 : index
        %get3A_1784 = tpu.vector_load %arg12[%get3A_1782, %get3A_1783] {strides = array<i32>} : memref<312x128xf32, #tpu.memory_space<vmem>>, vector<16xf32>,
        %add3A_1785 = arith.constant 104 : i32
        %add3A_1786 = arith.addi %add3A_1785, %add3A_1714 : i32
        %get3A_1787 = arith.index_cast %add3A_1786 : i32 to index
        %get3A_1788 = arith.constant 96 : index
        %get3A_1789 = tpu.vector_load %arg12[%get3A_1787, %get3A_1788] {strides = array<i32>} : memref<312x128xf32, #tpu.memory_space<vmem>>, vector<16xf32>,
        %add3A_1790 = arith.constant 104 : i32
        %add3A_1791 = arith.addi %add3A_1790, %add3A_1714 : i32
        %get3A_1792 = arith.index_cast %add3A_1791 : i32 to index
        %get3A_1793 = arith.constant 112 : index
        %get3A_1794 = tpu.vector_load %arg12[%get3A_1792, %get3A_1793] {strides = array<i32>} : memref<312x128xf32, #tpu.memory_space<vmem>>, vector<16xf32>,
        %add3A_1795 = arith.constant 208 : i32
        %add3A_1796 = arith.addi %add3A_1795, %add3A_1714 : i32
        %get3A_1797 = arith.index_cast %add3A_1796 : i32 to index
        %get3A_1798 = arith.constant 0 : index
        %get3A_1799 = tpu.vector_load %arg12[%get3A_1797, %get3A_1798] {strides = array<i32>} : memref<312x128xf32, #tpu.memory_space<vmem>>, vector<16xf32>,
        %add3A_1800 = arith.constant 208 : i32
        %add3A_1801 = arith.addi %add3A_1800, %add3A_1714 : i32
        %get3A_1802 = arith.index_cast %add3A_1801 : i32 to index
        %get3A_1803 = arith.constant 16 : index
        %get3A_1804 = tpu.vector_load %arg12[%get3A_1802, %get3A_1803] {strides = array<i32>} : memref<312x128xf32, #tpu.memory_space<vmem>>, vector<16xf32>,
        %add3A_1805 = arith.constant 208 : i32
        %add3A_1806 = arith.addi %add3A_1805, %add3A_1714 : i32
        %get3A_1807 = arith.index_cast %add3A_1806 : i32 to index
        %get3A_1808 = arith.constant 32 : index
        %get3A_1809 = tpu.vector_load %arg12[%get3A_1807, %get3A_1808] {strides = array<i32>} : memref<312x128xf32, #tpu.memory_space<vmem>>, vector<16xf32>,
        %max3A = arith.maximumf %scan3A_1694, %get3A_1719 : vector<16xf32>
        %max3A_1810 = arith.maximumf %scan3A_1695, %get3A_1724 : vector<16xf32>
        %max3A_1811 = arith.maximumf %scan3A_1696, %get3A_1729 : vector<16xf32>
        %max3A_1812 = arith.maximumf %scan3A_1697, %get3A_1734 : vector<16xf32>
        %max3A_1813 = arith.maximumf %scan3A_1698, %get3A_1739 : vector<16xf32>
        %max3A_1814 = arith.maximumf %scan3A_1699, %get3A_1744 : vector<16xf32>
        %max3A_1815 = arith.maximumf %scan3A_1700, %get3A_1749 : vector<16xf32>
        %max3A_1816 = arith.maximumf %scan3A_1701, %get3A_1754 : vector<16xf32>
        %max3A_1817 = arith.maximumf %scan3A_1702, %get3A_1759 : vector<16xf32>
        %max3A_1818 = arith.maximumf %scan3A_1703, %get3A_1764 : vector<16xf32>
        %max3A_1819 = arith.maximumf %scan3A_1704, %get3A_1769 : vector<16xf32>
        %max3A_1820 = arith.maximumf %scan3A_1705, %get3A_1774 : vector<16xf32>
        %max3A_1821 = arith.maximumf %scan3A_1706, %get3A_1779 : vector<16xf32>
        %max3A_1822 = arith.maximumf %scan3A_1707, %get3A_1784 : vector<16xf32>
        %max3A_1823 = arith.maximumf %scan3A_1708, %get3A_1789 : vector<16xf32>
        %max3A_1824 = arith.maximumf %scan3A_1709, %get3A_1794 : vector<16xf32>
        %max3A_1825 = arith.maximumf %scan3A_1710, %get3A_1799 : vector<16xf32>
        %max3A_1826 = arith.maximumf %scan3A_1711, %get3A_1804 : vector<16xf32>
        %max3A_1827 = arith.maximumf %scan3A_1712, %get3A_1809 : vector<16xf32>
        scf.yield %max3A, %max3A_1810, %max3A_1811, %max3A_1812, %max3A_1813, %max3A_1814, %max3A_1815, %max3A_1816, %max3A_1817, %max3A_1818, %max3A_1819, %max3A_1820, %max3A_1821, %max3A_1822, %max3A_1823, %max3A_1824, %max3A_1825, %max3A_1826, %max3A_1827 : vector<16xf32>, vector<16xf32>, vector<16xf32>, vector<16xf32>, vector<16xf32>, vector<16xf32>, vector<16xf32>, vector<16xf32>, vector<16xf32>, vector<16xf32>, vector<16xf32>, vector<16xf32>, vector<16xf32>, vector<16xf32>, vector<16xf32>, vector<16xf32>, vector<16xf32>, vector<16xf32>, vector<16xf32>
      }
      %scan3A_1364 = arith.constant 49 : i32
      %broadcast_in_dim3A_1365 = arith.constant 0.000000e+00 : f32
      %broadcast_in_dim3A_1366 = vector.broadcast %broadcast_in_dim3A_1365 : f32 to vector<16xf32>
      %get3A_1367 = arith.constant 0 : i32
      %get3A_1368 = arith.index_cast %get3A_1367 : i32 to index
      %get3A_1369 = arith.constant 0 : index
      %get3A_1370 = tpu.vector_load %arg7[%get3A_1368, %get3A_1369] {strides = array<i32>} : memref<19x16xf32, #tpu.memory_space<vmem>>, vector<16xf32>,
      %mul3A_1371 = arith.mulf %scan3A_1363#0, %get3A_1370 : vector<16xf32>
      %add3A_1372 = arith.addf %broadcast_in_dim3A_1366, %mul3A_1371 : vector<16xf32>
      %get3A_1373 = arith.constant 1 : i32
      %get3A_1374 = arith.index_cast %get3A_1373 : i32 to index
      %get3A_1375 = arith.constant 0 : index
      %get3A_1376 = tpu.vector_load %arg7[%get3A_1374, %get3A_1375] {strides = array<i32>} : memref<19x16xf32, #tpu.memory_space<vmem>>, vector<16xf32>,
      %mul3A_1377 = arith.mulf %scan3A_1363#1, %get3A_1376 : vector<16xf32>
      %add3A_1378 = arith.addf %add3A_1372, %mul3A_1377 : vector<16xf32>
      %get3A_1379 = arith.constant 2 : i32
      %get3A_1380 = arith.index_cast %get3A_1379 : i32 to index
      %get3A_1381 = arith.constant 0 : index
      %get3A_1382 = tpu.vector_load %arg7[%get3A_1380, %get3A_1381] {strides = array<i32>} : memref<19x16xf32, #tpu.memory_space<vmem>>, vector<16xf32>,
      %mul3A_1383 = arith.mulf %scan3A_1363#2, %get3A_1382 : vector<16xf32>
      %add3A_1384 = arith.addf %add3A_1378, %mul3A_1383 : vector<16xf32>
      %get3A_1385 = arith.constant 3 : i32
      %get3A_1386 = arith.index_cast %get3A_1385 : i32 to index
      %get3A_1387 = arith.constant 0 : index
      %get3A_1388 = tpu.vector_load %arg7[%get3A_1386, %get3A_1387] {strides = array<i32>} : memref<19x16xf32, #tpu.memory_space<vmem>>, vector<16xf32>,
      %mul3A_1389 = arith.mulf %scan3A_1363#3, %get3A_1388 : vector<16xf32>
      %add3A_1390 = arith.addf %add3A_1384, %mul3A_1389 : vector<16xf32>
      %get3A_1391 = arith.constant 4 : i32
      %get3A_1392 = arith.index_cast %get3A_1391 : i32 to index
      %get3A_1393 = arith.constant 0 : index
      %get3A_1394 = tpu.vector_load %arg7[%get3A_1392, %get3A_1393] {strides = array<i32>} : memref<19x16xf32, #tpu.memory_space<vmem>>, vector<16xf32>,
      %mul3A_1395 = arith.mulf %scan3A_1363#4, %get3A_1394 : vector<16xf32>
      %add3A_1396 = arith.addf %add3A_1390, %mul3A_1395 : vector<16xf32>
      %get3A_1397 = arith.constant 5 : i32
      %get3A_1398 = arith.index_cast %get3A_1397 : i32 to index
      %get3A_1399 = arith.constant 0 : index
      %get3A_1400 = tpu.vector_load %arg7[%get3A_1398, %get3A_1399] {strides = array<i32>} : memref<19x16xf32, #tpu.memory_space<vmem>>, vector<16xf32>,
      %mul3A_1401 = arith.mulf %scan3A_1363#5, %get3A_1400 : vector<16xf32>
      %add3A_1402 = arith.addf %add3A_1396, %mul3A_1401 : vector<16xf32>
      %get3A_1403 = arith.constant 6 : i32
      %get3A_1404 = arith.index_cast %get3A_1403 : i32 to index
      %get3A_1405 = arith.constant 0 : index
      %get3A_1406 = tpu.vector_load %arg7[%get3A_1404, %get3A_1405] {strides = array<i32>} : memref<19x16xf32, #tpu.memory_space<vmem>>, vector<16xf32>,
      %mul3A_1407 = arith.mulf %scan3A_1363#6, %get3A_1406 : vector<16xf32>
      %add3A_1408 = arith.addf %add3A_1402, %mul3A_1407 : vector<16xf32>
      %get3A_1409 = arith.constant 7 : i32
      %get3A_1410 = arith.index_cast %get3A_1409 : i32 to index
      %get3A_1411 = arith.constant 0 : index
      %get3A_1412 = tpu.vector_load %arg7[%get3A_1410, %get3A_1411] {strides = array<i32>} : memref<19x16xf32, #tpu.memory_space<vmem>>, vector<16xf32>,
      %mul3A_1413 = arith.mulf %scan3A_1363#7, %get3A_1412 : vector<16xf32>
      %add3A_1414 = arith.addf %add3A_1408, %mul3A_1413 : vector<16xf32>
      %get3A_1415 = arith.constant 8 : i32
      %get3A_1416 = arith.index_cast %get3A_1415 : i32 to index
      %get3A_1417 = arith.constant 0 : index
      %get3A_1418 = tpu.vector_load %arg7[%get3A_1416, %get3A_1417] {strides = array<i32>} : memref<19x16xf32, #tpu.memory_space<vmem>>, vector<16xf32>,
      %mul3A_1419 = arith.mulf %scan3A_1363#8, %get3A_1418 : vector<16xf32>
      %add3A_1420 = arith.addf %add3A_1414, %mul3A_1419 : vector<16xf32>
      %get3A_1421 = arith.constant 9 : i32
      %get3A_1422 = arith.index_cast %get3A_1421 : i32 to index
      %get3A_1423 = arith.constant 0 : index
      %get3A_1424 = tpu.vector_load %arg7[%get3A_1422, %get3A_1423] {strides = array<i32>} : memref<19x16xf32, #tpu.memory_space<vmem>>, vector<16xf32>,
      %mul3A_1425 = arith.mulf %scan3A_1363#9, %get3A_1424 : vector<16xf32>
      %add3A_1426 = arith.addf %add3A_1420, %mul3A_1425 : vector<16xf32>
      %get3A_1427 = arith.constant 10 : i32
      %get3A_1428 = arith.index_cast %get3A_1427 : i32 to index
      %get3A_1429 = arith.constant 0 : index
      %get3A_1430 = tpu.vector_load %arg7[%get3A_1428, %get3A_1429] {strides = array<i32>} : memref<19x16xf32, #tpu.memory_space<vmem>>, vector<16xf32>,
      %mul3A_1431 = arith.mulf %scan3A_1363#10, %get3A_1430 : vector<16xf32>
      %add3A_1432 = arith.addf %add3A_1426, %mul3A_1431 : vector<16xf32>
      %get3A_1433 = arith.constant 11 : i32
      %get3A_1434 = arith.index_cast %get3A_1433 : i32 to index
      %get3A_1435 = arith.constant 0 : index
      %get3A_1436 = tpu.vector_load %arg7[%get3A_1434, %get3A_1435] {strides = array<i32>} : memref<19x16xf32, #tpu.memory_space<vmem>>, vector<16xf32>,
      %mul3A_1437 = arith.mulf %scan3A_1363#11, %get3A_1436 : vector<16xf32>
      %add3A_1438 = arith.addf %add3A_1432, %mul3A_1437 : vector<16xf32>
      %get3A_1439 = arith.constant 12 : i32
      %get3A_1440 = arith.index_cast %get3A_1439 : i32 to index
      %get3A_1441 = arith.constant 0 : index
      %get3A_1442 = tpu.vector_load %arg7[%get3A_1440, %get3A_1441] {strides = array<i32>} : memref<19x16xf32, #tpu.memory_space<vmem>>, vector<16xf32>,
      %mul3A_1443 = arith.mulf %scan3A_1363#12, %get3A_1442 : vector<16xf32>
      %add3A_1444 = arith.addf %add3A_1438, %mul3A_1443 : vector<16xf32>
      %get3A_1445 = arith.constant 13 : i32
      %get3A_1446 = arith.index_cast %get3A_1445 : i32 to index
      %get3A_1447 = arith.constant 0 : index
      %get3A_1448 = tpu.vector_load %arg7[%get3A_1446, %get3A_1447] {strides = array<i32>} : memref<19x16xf32, #tpu.memory_space<vmem>>, vector<16xf32>,
      %mul3A_1449 = arith.mulf %scan3A_1363#13, %get3A_1448 : vector<16xf32>
      %add3A_1450 = arith.addf %add3A_1444, %mul3A_1449 : vector<16xf32>
      %get3A_1451 = arith.constant 14 : i32
      %get3A_1452 = arith.index_cast %get3A_1451 : i32 to index
      %get3A_1453 = arith.constant 0 : index
      %get3A_1454 = tpu.vector_load %arg7[%get3A_1452, %get3A_1453] {strides = array<i32>} : memref<19x16xf32, #tpu.memory_space<vmem>>, vector<16xf32>,
      %mul3A_1455 = arith.mulf %scan3A_1363#14, %get3A_1454 : vector<16xf32>
      %add3A_1456 = arith.addf %add3A_1450, %mul3A_1455 : vector<16xf32>
      %get3A_1457 = arith.constant 15 : i32
      %get3A_1458 = arith.index_cast %get3A_1457 : i32 to index
      %get3A_1459 = arith.constant 0 : index
      %get3A_1460 = tpu.vector_load %arg7[%get3A_1458, %get3A_1459] {strides = array<i32>} : memref<19x16xf32, #tpu.memory_space<vmem>>, vector<16xf32>,
      %mul3A_1461 = arith.mulf %scan3A_1363#15, %get3A_1460 : vector<16xf32>
      %add3A_1462 = arith.addf %add3A_1456, %mul3A_1461 : vector<16xf32>
      %get3A_1463 = arith.constant 16 : i32
      %get3A_1464 = arith.index_cast %get3A_1463 : i32 to index
      %get3A_1465 = arith.constant 0 : index
      %get3A_1466 = tpu.vector_load %arg7[%get3A_1464, %get3A_1465] {strides = array<i32>} : memref<19x16xf32, #tpu.memory_space<vmem>>, vector<16xf32>,
      %mul3A_1467 = arith.mulf %scan3A_1363#16, %get3A_1466 : vector<16xf32>
      %add3A_1468 = arith.addf %add3A_1462, %mul3A_1467 : vector<16xf32>
      %get3A_1469 = arith.constant 17 : i32
      %get3A_1470 = arith.index_cast %get3A_1469 : i32 to index
      %get3A_1471 = arith.constant 0 : index
      %get3A_1472 = tpu.vector_load %arg7[%get3A_1470, %get3A_1471] {strides = array<i32>} : memref<19x16xf32, #tpu.memory_space<vmem>>, vector<16xf32>,
      %mul3A_1473 = arith.mulf %scan3A_1363#17, %get3A_1472 : vector<16xf32>
      %add3A_1474 = arith.addf %add3A_1468, %mul3A_1473 : vector<16xf32>
      %get3A_1475 = arith.constant 18 : i32
      %get3A_1476 = arith.index_cast %get3A_1475 : i32 to index
      %get3A_1477 = arith.constant 0 : index
      %get3A_1478 = tpu.vector_load %arg7[%get3A_1476, %get3A_1477] {strides = array<i32>} : memref<19x16xf32, #tpu.memory_space<vmem>>, vector<16xf32>,
      %mul3A_1479 = arith.mulf %scan3A_1363#18, %get3A_1478 : vector<16xf32>
      %add3A_1480 = arith.addf %add3A_1474, %mul3A_1479 : vector<16xf32>
      %mul3A_1481 = arith.constant 2 : i32
      %mul3A_1482 = arith.muli %mul3A_1481, %add3A_301 : i32
      %add3A_1483 = arith.constant 0 : i32
      %add3A_1484 = arith.addi %mul3A_1482, %add3A_1483 : i32
      %swap3A_1485 = arith.index_cast %add3A_1484 : i32 to index
      %swap3A_1486 = arith.constant 0 : index
      %swap3A_1487 = tpu.vector_load %arg8[%swap3A_1485, %swap3A_1486] {strides = array<i32>} : memref<256x16xf32, #tpu.memory_space<vmem>>, vector<16xf32>,
      tpu.vector_store %arg8[%swap3A_1485, %swap3A_1486], %add3A_1480 {strides = array<i32>} : memref<256x16xf32, #tpu.memory_space<vmem>>, vector<16xf32>,
      %get3A_1488 = arith.constant 50 : i32
      %get3A_1489 = arith.index_cast %get3A_1488 : i32 to index
      %get3A_1490 = arith.constant 0 : index
      %get3A_1491 = tpu.vector_load %arg12[%get3A_1489, %get3A_1490] {strides = array<i32>} : memref<312x128xf32, #tpu.memory_space<vmem>>, vector<16xf32>,
      %get3A_1492 = arith.constant 50 : i32
      %get3A_1493 = arith.index_cast %get3A_1492 : i32 to index
      %get3A_1494 = arith.constant 16 : index
      %get3A_1495 = tpu.vector_load %arg12[%get3A_1493, %get3A_1494] {strides = array<i32>} : memref<312x128xf32, #tpu.memory_space<vmem>>, vector<16xf32>,
      %get3A_1496 = arith.constant 50 : i32
      %get3A_1497 = arith.index_cast %get3A_1496 : i32 to index
      %get3A_1498 = arith.constant 32 : index
      %get3A_1499 = tpu.vector_load %arg12[%get3A_1497, %get3A_1498] {strides = array<i32>} : memref<312x128xf32, #tpu.memory_space<vmem>>, vector<16xf32>,
      %get3A_1500 = arith.constant 50 : i32
      %get3A_1501 = arith.index_cast %get3A_1500 : i32 to index
      %get3A_1502 = arith.constant 48 : index
      %get3A_1503 = tpu.vector_load %arg12[%get3A_1501, %get3A_1502] {strides = array<i32>} : memref<312x128xf32, #tpu.memory_space<vmem>>, vector<16xf32>,
      %get3A_1504 = arith.constant 50 : i32
      %get3A_1505 = arith.index_cast %get3A_1504 : i32 to index
      %get3A_1506 = arith.constant 64 : index
      %get3A_1507 = tpu.vector_load %arg12[%get3A_1505, %get3A_1506] {strides = array<i32>} : memref<312x128xf32, #tpu.memory_space<vmem>>, vector<16xf32>,
      %get3A_1508 = arith.constant 50 : i32
      %get3A_1509 = arith.index_cast %get3A_1508 : i32 to index
      %get3A_1510 = arith.constant 80 : index
      %get3A_1511 = tpu.vector_load %arg12[%get3A_1509, %get3A_1510] {strides = array<i32>} : memref<312x128xf32, #tpu.memory_space<vmem>>, vector<16xf32>,
      %get3A_1512 = arith.constant 50 : i32
      %get3A_1513 = arith.index_cast %get3A_1512 : i32 to index
      %get3A_1514 = arith.constant 96 : index
      %get3A_1515 = tpu.vector_load %arg12[%get3A_1513, %get3A_1514] {strides = array<i32>} : memref<312x128xf32, #tpu.memory_space<vmem>>, vector<16xf32>,
      %get3A_1516 = arith.constant 50 : i32
      %get3A_1517 = arith.index_cast %get3A_1516 : i32 to index
      %get3A_1518 = arith.constant 112 : index
      %get3A_1519 = tpu.vector_load %arg12[%get3A_1517, %get3A_1518] {strides = array<i32>} : memref<312x128xf32, #tpu.memory_space<vmem>>, vector<16xf32>,
      %get3A_1520 = arith.constant 154 : i32
      %get3A_1521 = arith.index_cast %get3A_1520 : i32 to index
      %get3A_1522 = arith.constant 0 : index
      %get3A_1523 = tpu.vector_load %arg12[%get3A_1521, %get3A_1522] {strides = array<i32>} : memref<312x128xf32, #tpu.memory_space<vmem>>, vector<16xf32>,
      %get3A_1524 = arith.constant 154 : i32
      %get3A_1525 = arith.index_cast %get3A_1524 : i32 to index
      %get3A_1526 = arith.constant 16 : index
      %get3A_1527 = tpu.vector_load %arg12[%get3A_1525, %get3A_1526] {strides = array<i32>} : memref<312x128xf32, #tpu.memory_space<vmem>>, vector<16xf32>,
      %get3A_1528 = arith.constant 154 : i32
      %get3A_1529 = arith.index_cast %get3A_1528 : i32 to index
      %get3A_1530 = arith.constant 32 : index
      %get3A_1531 = tpu.vector_load %arg12[%get3A_1529, %get3A_1530] {strides = array<i32>} : memref<312x128xf32, #tpu.memory_space<vmem>>, vector<16xf32>,
      %get3A_1532 = arith.constant 154 : i32
      %get3A_1533 = arith.index_cast %get3A_1532 : i32 to index
      %get3A_1534 = arith.constant 48 : index
      %get3A_1535 = tpu.vector_load %arg12[%get3A_1533, %get3A_1534] {strides = array<i32>} : memref<312x128xf32, #tpu.memory_space<vmem>>, vector<16xf32>,
      %get3A_1536 = arith.constant 154 : i32
      %get3A_1537 = arith.index_cast %get3A_1536 : i32 to index
      %get3A_1538 = arith.constant 64 : index
      %get3A_1539 = tpu.vector_load %arg12[%get3A_1537, %get3A_1538] {strides = array<i32>} : memref<312x128xf32, #tpu.memory_space<vmem>>, vector<16xf32>,
      %get3A_1540 = arith.constant 154 : i32
      %get3A_1541 = arith.index_cast %get3A_1540 : i32 to index
      %get3A_1542 = arith.constant 80 : index
      %get3A_1543 = tpu.vector_load %arg12[%get3A_1541, %get3A_1542] {strides = array<i32>} : memref<312x128xf32, #tpu.memory_space<vmem>>, vector<16xf32>,
      %get3A_1544 = arith.constant 154 : i32
      %get3A_1545 = arith.index_cast %get3A_1544 : i32 to index
      %get3A_1546 = arith.constant 96 : index
      %get3A_1547 = tpu.vector_load %arg12[%get3A_1545, %get3A_1546] {strides = array<i32>} : memref<312x128xf32, #tpu.memory_space<vmem>>, vector<16xf32>,
      %get3A_1548 = arith.constant 154 : i32
      %get3A_1549 = arith.index_cast %get3A_1548 : i32 to index
      %get3A_1550 = arith.constant 112 : index
      %get3A_1551 = tpu.vector_load %arg12[%get3A_1549, %get3A_1550] {strides = array<i32>} : memref<312x128xf32, #tpu.memory_space<vmem>>, vector<16xf32>,
      %get3A_1552 = arith.constant 258 : i32
      %get3A_1553 = arith.index_cast %get3A_1552 : i32 to index
      %get3A_1554 = arith.constant 0 : index
      %get3A_1555 = tpu.vector_load %arg12[%get3A_1553, %get3A_1554] {strides = array<i32>} : memref<312x128xf32, #tpu.memory_space<vmem>>, vector<16xf32>,
      %get3A_1556 = arith.constant 258 : i32
      %get3A_1557 = arith.index_cast %get3A_1556 : i32 to index
      %get3A_1558 = arith.constant 16 : index
      %get3A_1559 = tpu.vector_load %arg12[%get3A_1557, %get3A_1558] {strides = array<i32>} : memref<312x128xf32, #tpu.memory_space<vmem>>, vector<16xf32>,
      %get3A_1560 = arith.constant 258 : i32
      %get3A_1561 = arith.index_cast %get3A_1560 : i32 to index
      %get3A_1562 = arith.constant 32 : index
      %get3A_1563 = tpu.vector_load %arg12[%get3A_1561, %get3A_1562] {strides = array<i32>} : memref<312x128xf32, #tpu.memory_space<vmem>>, vector<16xf32>,
      %scan3A_1564 = arith.constant 1 : i32
      %scan3A_1565 = arith.constant 49 : i32
      %scan3A_1566 = arith.addi %scan3A_1564, %scan3A_1565 : i32
      %scan3A_1567 = arith.constant 1 : i32
      %scan3A_1568:19 = scf.for %scan3A_1693 = %scan3A_1564 to %scan3A_1566 step %scan3A_1567 iter_args(%scan3A_1694 = %get3A_1491, %scan3A_1695 = %get3A_1495, %scan3A_1696 = %get3A_1499, %scan3A_1697 = %get3A_1503, %scan3A_1698 = %get3A_1507, %scan3A_1699 = %get3A_1511, %scan3A_1700 = %get3A_1515, %scan3A_1701 = %get3A_1519, %scan3A_1702 = %get3A_1523, %scan3A_1703 = %get3A_1527, %scan3A_1704 = %get3A_1531, %scan3A_1705 = %get3A_1535, %scan3A_1706 = %get3A_1539, %scan3A_1707 = %get3A_1543, %scan3A_1708 = %get3A_1547, %scan3A_1709 = %get3A_1551, %scan3A_1710 = %get3A_1555, %scan3A_1711 = %get3A_1559, %scan3A_1712 = %get3A_1563) -> (vector<16xf32>, vector<16xf32>, vector<16xf32>, vector<16xf32>, vector<16xf32>, vector<16xf32>, vector<16xf32>, vector<16xf32>, vector<16xf32>, vector<16xf32>, vector<16xf32>, vector<16xf32>, vector<16xf32>, vector<16xf32>, vector<16xf32>, vector<16xf32>, vector<16xf32>, vector<16xf32>, vector<16xf32>)  : i32 {
        %add3A_1713 = arith.constant 50 : i32
        %add3A_1714 = arith.addi %add3A_1713, %scan3A_1693 : i32
        %add3A_1715 = arith.constant 0 : i32
        %add3A_1716 = arith.addi %add3A_1715, %add3A_1714 : i32
        %get3A_1717 = arith.index_cast %add3A_1716 : i32 to index
        %get3A_1718 = arith.constant 0 : index
        %get3A_1719 = tpu.vector_load %arg12[%get3A_1717, %get3A_1718] {strides = array<i32>} : memref<312x128xf32, #tpu.memory_space<vmem>>, vector<16xf32>,
        %add3A_1720 = arith.constant 0 : i32
        %add3A_1721 = arith.addi %add3A_1720, %add3A_1714 : i32
        %get3A_1722 = arith.index_cast %add3A_1721 : i32 to index
        %get3A_1723 = arith.constant 16 : index
        %get3A_1724 = tpu.vector_load %arg12[%get3A_1722, %get3A_1723] {strides = array<i32>} : memref<312x128xf32, #tpu.memory_space<vmem>>, vector<16xf32>,
        %add3A_1725 = arith.constant 0 : i32
        %add3A_1726 = arith.addi %add3A_1725, %add3A_1714 : i32
        %get3A_1727 = arith.index_cast %add3A_1726 : i32 to index
        %get3A_1728 = arith.constant 32 : index
        %get3A_1729 = tpu.vector_load %arg12[%get3A_1727, %get3A_1728] {strides = array<i32>} : memref<312x128xf32, #tpu.memory_space<vmem>>, vector<16xf32>,
        %add3A_1730 = arith.constant 0 : i32
        %add3A_1731 = arith.addi %add3A_1730, %add3A_1714 : i32
        %get3A_1732 = arith.index_cast %add3A_1731 : i32 to index
        %get3A_1733 = arith.constant 48 : index
        %get3A_1734 = tpu.vector_load %arg12[%get3A_1732, %get3A_1733] {strides = array<i32>} : memref<312x128xf32, #tpu.memory_space<vmem>>, vector<16xf32>,
        %add3A_1735 = arith.constant 0 : i32
        %add3A_1736 = arith.addi %add3A_1735, %add3A_1714 : i32
        %get3A_1737 = arith.index_cast %add3A_1736 : i32 to index
        %get3A_1738 = arith.constant 64 : index
        %get3A_1739 = tpu.vector_load %arg12[%get3A_1737, %get3A_1738] {strides = array<i32>} : memref<312x128xf32, #tpu.memory_space<vmem>>, vector<16xf32>,
        %add3A_1740 = arith.constant 0 : i32
        %add3A_1741 = arith.addi %add3A_1740, %add3A_1714 : i32
        %get3A_1742 = arith.index_cast %add3A_1741 : i32 to index
        %get3A_1743 = arith.constant 80 : index
        %get3A_1744 = tpu.vector_load %arg12[%get3A_1742, %get3A_1743] {strides = array<i32>} : memref<312x128xf32, #tpu.memory_space<vmem>>, vector<16xf32>,
        %add3A_1745 = arith.constant 0 : i32
        %add3A_1746 = arith.addi %add3A_1745, %add3A_1714 : i32
        %get3A_1747 = arith.index_cast %add3A_1746 : i32 to index
        %get3A_1748 = arith.constant 96 : index
        %get3A_1749 = tpu.vector_load %arg12[%get3A_1747, %get3A_1748] {strides = array<i32>} : memref<312x128xf32, #tpu.memory_space<vmem>>, vector<16xf32>,
        %add3A_1750 = arith.constant 0 : i32
        %add3A_1751 = arith.addi %add3A_1750, %add3A_1714 : i32
        %get3A_1752 = arith.index_cast %add3A_1751 : i32 to index
        %get3A_1753 = arith.constant 112 : index
        %get3A_1754 = tpu.vector_load %arg12[%get3A_1752, %get3A_1753] {strides = array<i32>} : memref<312x128xf32, #tpu.memory_space<vmem>>, vector<16xf32>,
        %add3A_1755 = arith.constant 104 : i32
        %add3A_1756 = arith.addi %add3A_1755, %add3A_1714 : i32
        %get3A_1757 = arith.index_cast %add3A_1756 : i32 to index
        %get3A_1758 = arith.constant 0 : index
        %get3A_1759 = tpu.vector_load %arg12[%get3A_1757, %get3A_1758] {strides = array<i32>} : memref<312x128xf32, #tpu.memory_space<vmem>>, vector<16xf32>,
        %add3A_1760 = arith.constant 104 : i32
        %add3A_1761 = arith.addi %add3A_1760, %add3A_1714 : i32
        %get3A_1762 = arith.index_cast %add3A_1761 : i32 to index
        %get3A_1763 = arith.constant 16 : index
        %get3A_1764 = tpu.vector_load %arg12[%get3A_1762, %get3A_1763] {strides = array<i32>} : memref<312x128xf32, #tpu.memory_space<vmem>>, vector<16xf32>,
        %add3A_1765 = arith.constant 104 : i32
        %add3A_1766 = arith.addi %add3A_1765, %add3A_1714 : i32
        %get3A_1767 = arith.index_cast %add3A_1766 : i32 to index
        %get3A_1768 = arith.constant 32 : index
        %get3A_1769 = tpu.vector_load %arg12[%get3A_1767, %get3A_1768] {strides = array<i32>} : memref<312x128xf32, #tpu.memory_space<vmem>>, vector<16xf32>,
        %add3A_1770 = arith.constant 104 : i32
        %add3A_1771 = arith.addi %add3A_1770, %add3A_1714 : i32
        %get3A_1772 = arith.index_cast %add3A_1771 : i32 to index
        %get3A_1773 = arith.constant 48 : index
        %get3A_1774 = tpu.vector_load %arg12[%get3A_1772, %get3A_1773] {strides = array<i32>} : memref<312x128xf32, #tpu.memory_space<vmem>>, vector<16xf32>,
        %add3A_1775 = arith.constant 104 : i32
        %add3A_1776 = arith.addi %add3A_1775, %add3A_1714 : i32
        %get3A_1777 = arith.index_cast %add3A_1776 : i32 to index
        %get3A_1778 = arith.constant 64 : index
        %get3A_1779 = tpu.vector_load %arg12[%get3A_1777, %get3A_1778] {strides = array<i32>} : memref<312x128xf32, #tpu.memory_space<vmem>>, vector<16xf32>,
        %add3A_1780 = arith.constant 104 : i32
        %add3A_1781 = arith.addi %add3A_1780, %add3A_1714 : i32
        %get3A_1782 = arith.index_cast %add3A_1781 : i32 to index
        %get3A_1783 = arith.constant 80 : index
        %get3A_1784 = tpu.vector_load %arg12[%get3A_1782, %get3A_1783] {strides = array<i32>} : memref<312x128xf32, #tpu.memory_space<vmem>>, vector<16xf32>,
        %add3A_1785 = arith.constant 104 : i32
        %add3A_1786 = arith.addi %add3A_1785, %add3A_1714 : i32
        %get3A_1787 = arith.index_cast %add3A_1786 : i32 to index
        %get3A_1788 = arith.constant 96 : index
        %get3A_1789 = tpu.vector_load %arg12[%get3A_1787, %get3A_1788] {strides = array<i32>} : memref<312x128xf32, #tpu.memory_space<vmem>>, vector<16xf32>,
        %add3A_1790 = arith.constant 104 : i32
        %add3A_1791 = arith.addi %add3A_1790, %add3A_1714 : i32
        %get3A_1792 = arith.index_cast %add3A_1791 : i32 to index
        %get3A_1793 = arith.constant 112 : index
        %get3A_1794 = tpu.vector_load %arg12[%get3A_1792, %get3A_1793] {strides = array<i32>} : memref<312x128xf32, #tpu.memory_space<vmem>>, vector<16xf32>,
        %add3A_1795 = arith.constant 208 : i32
        %add3A_1796 = arith.addi %add3A_1795, %add3A_1714 : i32
        %get3A_1797 = arith.index_cast %add3A_1796 : i32 to index
        %get3A_1798 = arith.constant 0 : index
        %get3A_1799 = tpu.vector_load %arg12[%get3A_1797, %get3A_1798] {strides = array<i32>} : memref<312x128xf32, #tpu.memory_space<vmem>>, vector<16xf32>,
        %add3A_1800 = arith.constant 208 : i32
        %add3A_1801 = arith.addi %add3A_1800, %add3A_1714 : i32
        %get3A_1802 = arith.index_cast %add3A_1801 : i32 to index
        %get3A_1803 = arith.constant 16 : index
        %get3A_1804 = tpu.vector_load %arg12[%get3A_1802, %get3A_1803] {strides = array<i32>} : memref<312x128xf32, #tpu.memory_space<vmem>>, vector<16xf32>,
        %add3A_1805 = arith.constant 208 : i32
        %add3A_1806 = arith.addi %add3A_1805, %add3A_1714 : i32
        %get3A_1807 = arith.index_cast %add3A_1806 : i32 to index
        %get3A_1808 = arith.constant 32 : index
        %get3A_1809 = tpu.vector_load %arg12[%get3A_1807, %get3A_1808] {strides = array<i32>} : memref<312x128xf32, #tpu.memory_space<vmem>>, vector<16xf32>,
        %max3A = arith.maximumf %scan3A_1694, %get3A_1719 : vector<16xf32>
        %max3A_1810 = arith.maximumf %scan3A_1695, %get3A_1724 : vector<16xf32>
        %max3A_1811 = arith.maximumf %scan3A_1696, %get3A_1729 : vector<16xf32>
        %max3A_1812 = arith.maximumf %scan3A_1697, %get3A_1734 : vector<16xf32>
        %max3A_1813 = arith.maximumf %scan3A_1698, %get3A_1739 : vector<16xf32>
        %max3A_1814 = arith.maximumf %scan3A_1699, %get3A_1744 : vector<16xf32>
        %max3A_1815 = arith.maximumf %scan3A_1700, %get3A_1749 : vector<16xf32>
        %max3A_1816 = arith.maximumf %scan3A_1701, %get3A_1754 : vector<16xf32>
        %max3A_1817 = arith.maximumf %scan3A_1702, %get3A_1759 : vector<16xf32>
        %max3A_1818 = arith.maximumf %scan3A_1703, %get3A_1764 : vector<16xf32>
        %max3A_1819 = arith.maximumf %scan3A_1704, %get3A_1769 : vector<16xf32>
        %max3A_1820 = arith.maximumf %scan3A_1705, %get3A_1774 : vector<16xf32>
        %max3A_1821 = arith.maximumf %scan3A_1706, %get3A_1779 : vector<16xf32>
        %max3A_1822 = arith.maximumf %scan3A_1707, %get3A_1784 : vector<16xf32>
        %max3A_1823 = arith.maximumf %scan3A_1708, %get3A_1789 : vector<16xf32>
        %max3A_1824 = arith.maximumf %scan3A_1709, %get3A_1794 : vector<16xf32>
        %max3A_1825 = arith.maximumf %scan3A_1710, %get3A_1799 : vector<16xf32>
        %max3A_1826 = arith.maximumf %scan3A_1711, %get3A_1804 : vector<16xf32>
        %max3A_1827 = arith.maximumf %scan3A_1712, %get3A_1809 : vector<16xf32>
        scf.yield %max3A, %max3A_1810, %max3A_1811, %max3A_1812, %max3A_1813, %max3A_1814, %max3A_1815, %max3A_1816, %max3A_1817, %max3A_1818, %max3A_1819, %max3A_1820, %max3A_1821, %max3A_1822, %max3A_1823, %max3A_1824, %max3A_1825, %max3A_1826, %max3A_1827 : vector<16xf32>, vector<16xf32>, vector<16xf32>, vector<16xf32>, vector<16xf32>, vector<16xf32>, vector<16xf32>, vector<16xf32>, vector<16xf32>, vector<16xf32>, vector<16xf32>, vector<16xf32>, vector<16xf32>, vector<16xf32>, vector<16xf32>, vector<16xf32>, vector<16xf32>, vector<16xf32>, vector<16xf32>
      }
      %scan3A_1569 = arith.constant 49 : i32
      %broadcast_in_dim3A_1570 = arith.constant 0.000000e+00 : f32
      %broadcast_in_dim3A_1571 = vector.broadcast %broadcast_in_dim3A_1570 : f32 to vector<16xf32>
      %get3A_1572 = arith.constant 0 : i32
      %get3A_1573 = arith.index_cast %get3A_1572 : i32 to index
      %get3A_1574 = arith.constant 0 : index
      %get3A_1575 = tpu.vector_load %arg7[%get3A_1573, %get3A_1574] {strides = array<i32>} : memref<19x16xf32, #tpu.memory_space<vmem>>, vector<16xf32>,
      %mul3A_1576 = arith.mulf %scan3A_1568#0, %get3A_1575 : vector<16xf32>
      %add3A_1577 = arith.addf %broadcast_in_dim3A_1571, %mul3A_1576 : vector<16xf32>
      %get3A_1578 = arith.constant 1 : i32
      %get3A_1579 = arith.index_cast %get3A_1578 : i32 to index
      %get3A_1580 = arith.constant 0 : index
      %get3A_1581 = tpu.vector_load %arg7[%get3A_1579, %get3A_1580] {strides = array<i32>} : memref<19x16xf32, #tpu.memory_space<vmem>>, vector<16xf32>,
      %mul3A_1582 = arith.mulf %scan3A_1568#1, %get3A_1581 : vector<16xf32>
      %add3A_1583 = arith.addf %add3A_1577, %mul3A_1582 : vector<16xf32>
      %get3A_1584 = arith.constant 2 : i32
      %get3A_1585 = arith.index_cast %get3A_1584 : i32 to index
      %get3A_1586 = arith.constant 0 : index
      %get3A_1587 = tpu.vector_load %arg7[%get3A_1585, %get3A_1586] {strides = array<i32>} : memref<19x16xf32, #tpu.memory_space<vmem>>, vector<16xf32>,
      %mul3A_1588 = arith.mulf %scan3A_1568#2, %get3A_1587 : vector<16xf32>
      %add3A_1589 = arith.addf %add3A_1583, %mul3A_1588 : vector<16xf32>
      %get3A_1590 = arith.constant 3 : i32
      %get3A_1591 = arith.index_cast %get3A_1590 : i32 to index
      %get3A_1592 = arith.constant 0 : index
      %get3A_1593 = tpu.vector_load %arg7[%get3A_1591, %get3A_1592] {strides = array<i32>} : memref<19x16xf32, #tpu.memory_space<vmem>>, vector<16xf32>,
      %mul3A_1594 = arith.mulf %scan3A_1568#3, %get3A_1593 : vector<16xf32>
      %add3A_1595 = arith.addf %add3A_1589, %mul3A_1594 : vector<16xf32>
      %get3A_1596 = arith.constant 4 : i32
      %get3A_1597 = arith.index_cast %get3A_1596 : i32 to index
      %get3A_1598 = arith.constant 0 : index
      %get3A_1599 = tpu.vector_load %arg7[%get3A_1597, %get3A_1598] {strides = array<i32>} : memref<19x16xf32, #tpu.memory_space<vmem>>, vector<16xf32>,
      %mul3A_1600 = arith.mulf %scan3A_1568#4, %get3A_1599 : vector<16xf32>
      %add3A_1601 = arith.addf %add3A_1595, %mul3A_1600 : vector<16xf32>
      %get3A_1602 = arith.constant 5 : i32
      %get3A_1603 = arith.index_cast %get3A_1602 : i32 to index
      %get3A_1604 = arith.constant 0 : index
      %get3A_1605 = tpu.vector_load %arg7[%get3A_1603, %get3A_1604] {strides = array<i32>} : memref<19x16xf32, #tpu.memory_space<vmem>>, vector<16xf32>,
      %mul3A_1606 = arith.mulf %scan3A_1568#5, %get3A_1605 : vector<16xf32>
      %add3A_1607 = arith.addf %add3A_1601, %mul3A_1606 : vector<16xf32>
      %get3A_1608 = arith.constant 6 : i32
      %get3A_1609 = arith.index_cast %get3A_1608 : i32 to index
      %get3A_1610 = arith.constant 0 : index
      %get3A_1611 = tpu.vector_load %arg7[%get3A_1609, %get3A_1610] {strides = array<i32>} : memref<19x16xf32, #tpu.memory_space<vmem>>, vector<16xf32>,
      %mul3A_1612 = arith.mulf %scan3A_1568#6, %get3A_1611 : vector<16xf32>
      %add3A_1613 = arith.addf %add3A_1607, %mul3A_1612 : vector<16xf32>
      %get3A_1614 = arith.constant 7 : i32
      %get3A_1615 = arith.index_cast %get3A_1614 : i32 to index
      %get3A_1616 = arith.constant 0 : index
      %get3A_1617 = tpu.vector_load %arg7[%get3A_1615, %get3A_1616] {strides = array<i32>} : memref<19x16xf32, #tpu.memory_space<vmem>>, vector<16xf32>,
      %mul3A_1618 = arith.mulf %scan3A_1568#7, %get3A_1617 : vector<16xf32>
      %add3A_1619 = arith.addf %add3A_1613, %mul3A_1618 : vector<16xf32>
      %get3A_1620 = arith.constant 8 : i32
      %get3A_1621 = arith.index_cast %get3A_1620 : i32 to index
      %get3A_1622 = arith.constant 0 : index
      %get3A_1623 = tpu.vector_load %arg7[%get3A_1621, %get3A_1622] {strides = array<i32>} : memref<19x16xf32, #tpu.memory_space<vmem>>, vector<16xf32>,
      %mul3A_1624 = arith.mulf %scan3A_1568#8, %get3A_1623 : vector<16xf32>
      %add3A_1625 = arith.addf %add3A_1619, %mul3A_1624 : vector<16xf32>
      %get3A_1626 = arith.constant 9 : i32
      %get3A_1627 = arith.index_cast %get3A_1626 : i32 to index
      %get3A_1628 = arith.constant 0 : index
      %get3A_1629 = tpu.vector_load %arg7[%get3A_1627, %get3A_1628] {strides = array<i32>} : memref<19x16xf32, #tpu.memory_space<vmem>>, vector<16xf32>,
      %mul3A_1630 = arith.mulf %scan3A_1568#9, %get3A_1629 : vector<16xf32>
      %add3A_1631 = arith.addf %add3A_1625, %mul3A_1630 : vector<16xf32>
      %get3A_1632 = arith.constant 10 : i32
      %get3A_1633 = arith.index_cast %get3A_1632 : i32 to index
      %get3A_1634 = arith.constant 0 : index
      %get3A_1635 = tpu.vector_load %arg7[%get3A_1633, %get3A_1634] {strides = array<i32>} : memref<19x16xf32, #tpu.memory_space<vmem>>, vector<16xf32>,
      %mul3A_1636 = arith.mulf %scan3A_1568#10, %get3A_1635 : vector<16xf32>
      %add3A_1637 = arith.addf %add3A_1631, %mul3A_1636 : vector<16xf32>
      %get3A_1638 = arith.constant 11 : i32
      %get3A_1639 = arith.index_cast %get3A_1638 : i32 to index
      %get3A_1640 = arith.constant 0 : index
      %get3A_1641 = tpu.vector_load %arg7[%get3A_1639, %get3A_1640] {strides = array<i32>} : memref<19x16xf32, #tpu.memory_space<vmem>>, vector<16xf32>,
      %mul3A_1642 = arith.mulf %scan3A_1568#11, %get3A_1641 : vector<16xf32>
      %add3A_1643 = arith.addf %add3A_1637, %mul3A_1642 : vector<16xf32>
      %get3A_1644 = arith.constant 12 : i32
      %get3A_1645 = arith.index_cast %get3A_1644 : i32 to index
      %get3A_1646 = arith.constant 0 : index
      %get3A_1647 = tpu.vector_load %arg7[%get3A_1645, %get3A_1646] {strides = array<i32>} : memref<19x16xf32, #tpu.memory_space<vmem>>, vector<16xf32>,
      %mul3A_1648 = arith.mulf %scan3A_1568#12, %get3A_1647 : vector<16xf32>
      %add3A_1649 = arith.addf %add3A_1643, %mul3A_1648 : vector<16xf32>
      %get3A_1650 = arith.constant 13 : i32
      %get3A_1651 = arith.index_cast %get3A_1650 : i32 to index
      %get3A_1652 = arith.constant 0 : index
      %get3A_1653 = tpu.vector_load %arg7[%get3A_1651, %get3A_1652] {strides = array<i32>} : memref<19x16xf32, #tpu.memory_space<vmem>>, vector<16xf32>,
      %mul3A_1654 = arith.mulf %scan3A_1568#13, %get3A_1653 : vector<16xf32>
      %add3A_1655 = arith.addf %add3A_1649, %mul3A_1654 : vector<16xf32>
      %get3A_1656 = arith.constant 14 : i32
      %get3A_1657 = arith.index_cast %get3A_1656 : i32 to index
      %get3A_1658 = arith.constant 0 : index
      %get3A_1659 = tpu.vector_load %arg7[%get3A_1657, %get3A_1658] {strides = array<i32>} : memref<19x16xf32, #tpu.memory_space<vmem>>, vector<16xf32>,
      %mul3A_1660 = arith.mulf %scan3A_1568#14, %get3A_1659 : vector<16xf32>
      %add3A_1661 = arith.addf %add3A_1655, %mul3A_1660 : vector<16xf32>
      %get3A_1662 = arith.constant 15 : i32
      %get3A_1663 = arith.index_cast %get3A_1662 : i32 to index
      %get3A_1664 = arith.constant 0 : index
      %get3A_1665 = tpu.vector_load %arg7[%get3A_1663, %get3A_1664] {strides = array<i32>} : memref<19x16xf32, #tpu.memory_space<vmem>>, vector<16xf32>,
      %mul3A_1666 = arith.mulf %scan3A_1568#15, %get3A_1665 : vector<16xf32>
      %add3A_1667 = arith.addf %add3A_1661, %mul3A_1666 : vector<16xf32>
      %get3A_1668 = arith.constant 16 : i32
      %get3A_1669 = arith.index_cast %get3A_1668 : i32 to index
      %get3A_1670 = arith.constant 0 : index
      %get3A_1671 = tpu.vector_load %arg7[%get3A_1669, %get3A_1670] {strides = array<i32>} : memref<19x16xf32, #tpu.memory_space<vmem>>, vector<16xf32>,
      %mul3A_1672 = arith.mulf %scan3A_1568#16, %get3A_1671 : vector<16xf32>
      %add3A_1673 = arith.addf %add3A_1667, %mul3A_1672 : vector<16xf32>
      %get3A_1674 = arith.constant 17 : i32
      %get3A_1675 = arith.index_cast %get3A_1674 : i32 to index
      %get3A_1676 = arith.constant 0 : index
      %get3A_1677 = tpu.vector_load %arg7[%get3A_1675, %get3A_1676] {strides = array<i32>} : memref<19x16xf32, #tpu.memory_space<vmem>>, vector<16xf32>,
      %mul3A_1678 = arith.mulf %scan3A_1568#17, %get3A_1677 : vector<16xf32>
      %add3A_1679 = arith.addf %add3A_1673, %mul3A_1678 : vector<16xf32>
      %get3A_1680 = arith.constant 18 : i32
      %get3A_1681 = arith.index_cast %get3A_1680 : i32 to index
      %get3A_1682 = arith.constant 0 : index
      %get3A_1683 = tpu.vector_load %arg7[%get3A_1681, %get3A_1682] {strides = array<i32>} : memref<19x16xf32, #tpu.memory_space<vmem>>, vector<16xf32>,
      %mul3A_1684 = arith.mulf %scan3A_1568#18, %get3A_1683 : vector<16xf32>
      %add3A_1685 = arith.addf %add3A_1679, %mul3A_1684 : vector<16xf32>
      %mul3A_1686 = arith.constant 2 : i32
      %mul3A_1687 = arith.muli %mul3A_1686, %add3A_301 : i32
      %add3A_1688 = arith.constant 1 : i32
      %add3A_1689 = arith.addi %mul3A_1687, %add3A_1688 : i32
      %swap3A_1690 = arith.index_cast %add3A_1689 : i32 to index
      %swap3A_1691 = arith.constant 0 : index
      %swap3A_1692 = tpu.vector_load %arg8[%swap3A_1690, %swap3A_1691] {strides = array<i32>} : memref<256x16xf32, #tpu.memory_space<vmem>>, vector<16xf32>,
      tpu.vector_store %arg8[%swap3A_1690, %swap3A_1691], %add3A_1685 {strides = array<i32>} : memref<256x16xf32, #tpu.memory_space<vmem>>, vector<16xf32>,
    }
    %scan3A_263 = arith.constant 64 : i32
    %dma_wait3A = arith.constant 0 : i32
    %dma_wait3A_264 = arith.constant 0 : i32
    %dma_wait3A_265 = arith.constant 0 : i32
    %dma_wait3A_266 = tpu.memref_slice %arg11[%dma_wait3A_264, %dma_wait3A_265] : memref<312x128xf32, #tpu.memory_space<vmem>> -> memref<104x128xf32, #tpu.memory_space<vmem>>
    %dma_wait3A_267 = arith.constant 0 : i32
    %dma_wait3A_268 = tpu.memref_slice %arg9[%dma_wait3A, %dma_wait3A_267] : memref<3x104xi32, #tpu.memory_space<vmem>> -> memref<1x104xi32, #tpu.memory_space<vmem>>
    %dma_wait3A_269 = tpu.memref_squeeze %dma_wait3A_268 : memref<1x104xi32, #tpu.memory_space<vmem>> -> memref<104xi32, #tpu.memory_space<vmem>>
    %dma_wait3A_270 = arith.constant 0 : i32
    %dma_wait3A_271 = arith.constant 0 : i32
    %dma_wait3A_272 = tpu.memref_slice %arg3[%dma_wait3A_270, %dma_wait3A_271] : memref<300000x128xf32, #tpu.memory_space<hbm>> -> memref<300000x128xf32, #tpu.memory_space<hbm>>
    tpu.wait_indirect_dma semaphore(%arg13 : memref<!tpu.dma_semaphore, #tpu.memory_space<semaphore_mem>>) src(%dma_wait3A_272 : memref<300000x128xf32, #tpu.memory_space<hbm>>) dst(%dma_wait3A_266 : memref<104x128xf32, #tpu.memory_space<vmem>>)
    %dma_wait3A_273 = arith.constant 1 : i32
    %dma_wait3A_274 = arith.constant 104 : i32
    %dma_wait3A_275 = arith.constant 0 : i32
    %dma_wait3A_276 = tpu.memref_slice %arg11[%dma_wait3A_274, %dma_wait3A_275] : memref<312x128xf32, #tpu.memory_space<vmem>> -> memref<104x128xf32, #tpu.memory_space<vmem>>
    %dma_wait3A_277 = arith.constant 0 : i32
    %dma_wait3A_278 = tpu.memref_slice %arg9[%dma_wait3A_273, %dma_wait3A_277] : memref<3x104xi32, #tpu.memory_space<vmem>> -> memref<1x104xi32, #tpu.memory_space<vmem>>
    %dma_wait3A_279 = tpu.memref_squeeze %dma_wait3A_278 : memref<1x104xi32, #tpu.memory_space<vmem>> -> memref<104xi32, #tpu.memory_space<vmem>>
    %dma_wait3A_280 = arith.constant 0 : i32
    %dma_wait3A_281 = arith.constant 0 : i32
    %dma_wait3A_282 = tpu.memref_slice %arg3[%dma_wait3A_280, %dma_wait3A_281] : memref<300000x128xf32, #tpu.memory_space<hbm>> -> memref<300000x128xf32, #tpu.memory_space<hbm>>
    tpu.wait_indirect_dma semaphore(%arg13 : memref<!tpu.dma_semaphore, #tpu.memory_space<semaphore_mem>>) src(%dma_wait3A_282 : memref<300000x128xf32, #tpu.memory_space<hbm>>) dst(%dma_wait3A_276 : memref<104x128xf32, #tpu.memory_space<vmem>>)
    %dma_wait3A_283 = arith.constant 2 : i32
    %dma_wait3A_284 = arith.constant 208 : i32
    %dma_wait3A_285 = arith.constant 0 : i32
    %dma_wait3A_286 = tpu.memref_slice %arg11[%dma_wait3A_284, %dma_wait3A_285] : memref<312x128xf32, #tpu.memory_space<vmem>> -> memref<104x128xf32, #tpu.memory_space<vmem>>
    %dma_wait3A_287 = arith.constant 0 : i32
    %dma_wait3A_288 = tpu.memref_slice %arg9[%dma_wait3A_283, %dma_wait3A_287] : memref<3x104xi32, #tpu.memory_space<vmem>> -> memref<1x104xi32, #tpu.memory_space<vmem>>
    %dma_wait3A_289 = tpu.memref_squeeze %dma_wait3A_288 : memref<1x104xi32, #tpu.memory_space<vmem>> -> memref<104xi32, #tpu.memory_space<vmem>>
    %dma_wait3A_290 = arith.constant 0 : i32
    %dma_wait3A_291 = arith.constant 0 : i32
    %dma_wait3A_292 = tpu.memref_slice %arg3[%dma_wait3A_290, %dma_wait3A_291] : memref<300000x128xf32, #tpu.memory_space<hbm>> -> memref<300000x128xf32, #tpu.memory_space<hbm>>
    tpu.wait_indirect_dma semaphore(%arg13 : memref<!tpu.dma_semaphore, #tpu.memory_space<semaphore_mem>>) src(%dma_wait3A_292 : memref<300000x128xf32, #tpu.memory_space<hbm>>) dst(%dma_wait3A_286 : memref<104x128xf32, #tpu.memory_space<vmem>>)
    %mul3A_293 = arith.constant 2 : i32
    %mul3A_294 = arith.muli %mul3A_2, %mul3A_293 : i32
    "tpu.region"() ({
      %run_scoped3A = tpu.sem_alloc : memref<!tpu.dma_semaphore, #tpu.memory_space<semaphore_mem>>
      %dma_start3A_295 = arith.constant 0 : i32
      %dma_start3A_296 = tpu.memref_slice %arg5[%mul3A_294, %dma_start3A_295] : memref<8192x16xf32, #tpu.memory_space<hbm>> -> memref<256x16xf32, #tpu.memory_space<hbm>>
      %dma_start3A_297 = arith.constant 0 : i32
      %dma_start3A_298 = tpu.memref_slice %arg5[%mul3A_294, %dma_start3A_297] : memref<8192x16xf32, #tpu.memory_space<hbm>> -> memref<256x16xf32, #tpu.memory_space<hbm>>
      tpu.enqueue_dma source(%arg8 : memref<256x16xf32, #tpu.memory_space<vmem>>) target(%dma_start3A_298 : memref<256x16xf32, #tpu.memory_space<hbm>>) target_semaphore(%run_scoped3A : memref<!tpu.dma_semaphore, #tpu.memory_space<semaphore_mem>>)
      %dma_wait3A_299 = arith.constant 0 : i32
      %dma_wait3A_300 = tpu.memref_slice %arg5[%mul3A_294, %dma_wait3A_299] : memref<8192x16xf32, #tpu.memory_space<hbm>> -> memref<256x16xf32, #tpu.memory_space<hbm>>
      %dma_wait3A_301 = arith.constant 0 : i32
      %dma_wait3A_302 = tpu.memref_slice %arg5[%mul3A_294, %dma_wait3A_301] : memref<8192x16xf32, #tpu.memory_space<hbm>> -> memref<256x16xf32, #tpu.memory_space<hbm>>
      tpu.wait_dma2 semaphore(%run_scoped3A : memref<!tpu.dma_semaphore, #tpu.memory_space<semaphore_mem>>) src(%arg8 : memref<256x16xf32, #tpu.memory_space<vmem>>) dst(%dma_wait3A_302 : memref<256x16xf32, #tpu.memory_space<hbm>>)
      tpu.yield
    }) : () -> ()
    return
  }
}

module attributes {stable_mosaic.version = 14 : i64} {
  func.func @_seg_body(%arg0: i32, %arg1: memref<5000x300xf32, #tpu.memory_space<vmem>>, %arg2: memref<15000x128xf32, #tpu.memory_space<vmem>>) attributes {dimension_semantics = [#tpu.dimension_semantics<arbitrary>], iteration_bounds = array<i64: 20>, scalar_prefetch = 0 : i64, scratch_operands = 0 : i64, tpu.core_type = #tpu.core_type<tc>, window_params = [{transform_indices = @transform_0, window_bounds = array<i64: 5000, 300>}, {transform_indices = @transform_1, window_bounds = array<i64: 15000, 128>}]} {
    %get3A = arith.constant 0 : index
    %get3A_0 = arith.constant 0 : index
    %get3A_1 = vector.load %arg1[%get3A, %get3A_0] : memref<5000x300xf32, #tpu.memory_space<vmem>>, vector<5000x300xf32>
    %jit3A = arith.constant 0 : i32
    %convert_element_type3A = arith.sitofp %jit3A : i32 to f32
    %pad3A = vector.broadcast %convert_element_type3A : f32 to vector<5000x84xf32>
    %pad3A_2 = tpu.concatenate %get3A_1, %pad3A in 1 : vector<5000x300xf32>, vector<5000x84xf32> -> vector<5000x384xf32>
    %reshape3A = vector.shape_cast %pad3A_2 : vector<5000x384xf32> to vector<15000x128xf32>
    %swap3A = arith.constant 0 : index
    %swap3A_3 = arith.constant 0 : index
    %swap3A_4 = vector.load %arg2[%swap3A, %swap3A_3] : memref<15000x128xf32, #tpu.memory_space<vmem>>, vector<15000x128xf32>
    tpu.vector_store %arg2[%swap3A, %swap3A_3], %reshape3A {strides = array<i32>} : memref<15000x128xf32, #tpu.memory_space<vmem>>, vector<15000x128xf32>,
    return
  }
  func.func @transform_0(%arg0: i32) -> (i32, i32) {
    %c0_i32 = arith.constant 0 : i32
    %c0_i32_0 = arith.constant 0 : i32
    return %arg0, %c0_i32 : i32, i32
  }
  func.func @transform_1(%arg0: i32) -> (i32, i32) {
    %c0_i32 = arith.constant 0 : i32
    %c0_i32_0 = arith.constant 0 : i32
    return %arg0, %c0_i32 : i32, i32
  }
}

module attributes {stable_mosaic.version = 14 : i64} {
  func.func @_tc_body(%arg0: memref<8192x16xf32, #tpu.memory_space<vmem>>, %arg1: memref<4096x1xi32, #tpu.memory_space<vmem>>, %arg2: memref<1x1xf32, #tpu.memory_space<smem>>, %arg3: memref<8192x1xf32, #tpu.memory_space<vmem>>, %arg4: memref<1x1xf32, #tpu.memory_space<smem>>) attributes {dimension_semantics = [], scalar_prefetch = 0 : i64, scratch_operands = 0 : i64, tpu.core_type = #tpu.core_type<tc>} {
    %get3A = arith.constant 0 : index
    %get3A_0 = arith.constant 0 : index
    %get3A_1 = vector.load %arg0[%get3A, %get3A_0] : memref<8192x16xf32, #tpu.memory_space<vmem>>, vector<8192x16xf32>
    %reduce_sum3A = arith.constant dense<0.000000e+00> : vector<8192xf32>
    %reduce_sum3A_2 = vector.multi_reduction <add>, %get3A_1, %reduce_sum3A [1] : vector<8192x16xf32> to vector<8192xf32>
    %broadcast_in_dim3A = vector.shape_cast %reduce_sum3A_2 : vector<8192xf32> to vector<8192x1xf32>
    %get3A_3 = arith.constant 0 : index
    %get3A_4 = arith.constant 0 : index
    %get3A_5 = memref.load %arg2[%get3A_3, %get3A_4] : memref<1x1xf32, #tpu.memory_space<smem>>
    %add3A = vector.broadcast %get3A_5 : f32 to vector<8192x1xf32>
    %add3A_6 = arith.addf %broadcast_in_dim3A, %add3A : vector<8192x1xf32>
    %swap3A = arith.constant 0 : index
    %swap3A_7 = arith.constant 0 : index
    %swap3A_8 = vector.load %arg3[%swap3A, %swap3A_7] : memref<8192x1xf32, #tpu.memory_space<vmem>>, vector<8192x1xf32>
    tpu.vector_store %arg3[%swap3A, %swap3A_7], %add3A_6 {strides = array<i32>} : memref<8192x1xf32, #tpu.memory_space<vmem>>, vector<8192x1xf32>,
    %slice3A = vector.extract_strided_slice %add3A_6 {offsets = [0, 0], sizes = [4096, 1], strides = [1, 1]} : vector<8192x1xf32> to vector<4096x1xf32>
    %slice3A_9 = vector.extract_strided_slice %add3A_6 {offsets = [4096, 0], sizes = [4096, 1], strides = [1, 1]} : vector<8192x1xf32> to vector<4096x1xf32>
    %max3A = arith.maximumf %slice3A, %slice3A_9 : vector<4096x1xf32>
    %sub3A = arith.subf %slice3A, %max3A : vector<4096x1xf32>
    %exp3A = math.exp %sub3A : vector<4096x1xf32>
    %sub3A_10 = arith.subf %slice3A_9, %max3A : vector<4096x1xf32>
    %exp3A_11 = math.exp %sub3A_10 : vector<4096x1xf32>
    %add3A_12 = arith.addf %exp3A, %exp3A_11 : vector<4096x1xf32>
    %log3A = math.log %add3A_12 : vector<4096x1xf32>
    %add3A_13 = arith.addf %max3A, %log3A : vector<4096x1xf32>
    %get3A_14 = arith.constant 0 : index
    %get3A_15 = arith.constant 0 : index
    %get3A_16 = vector.load %arg1[%get3A_14, %get3A_15] : memref<4096x1xi32, #tpu.memory_space<vmem>>, vector<4096x1xi32>
    %eq3A = arith.constant 0 : i32
    %eq3A_17 = vector.broadcast %eq3A : i32 to vector<4096x1xi32>
    %eq3A_18 = arith.cmpi eq, %get3A_16, %eq3A_17 : vector<4096x1xi32>
    %select_n3A = arith.select %eq3A_18, %slice3A, %slice3A_9 : vector<4096x1xi1>, vector<4096x1xf32>
    %sub3A_19 = arith.subf %add3A_13, %select_n3A : vector<4096x1xf32>
    %reduce_sum3A_20 = vector.shape_cast %sub3A_19 : vector<4096x1xf32> to vector<1x4096x1xf32>
    %reduce_sum3A_21 = arith.constant dense<0.000000e+00> : vector<1xf32>
    %reduce_sum3A_22 = vector.multi_reduction <add>, %reduce_sum3A_20, %reduce_sum3A_21 [1, 2] : vector<1x4096x1xf32> to vector<1xf32>
    %reduce_sum3A_23 = vector.shape_cast %reduce_sum3A_22 : vector<1xf32> to vector<1x1x1xf32>
    %reduce_sum3A_24 = vector.extract %reduce_sum3A_23[0, 0, 0] : f32 from vector<1x1x1xf32>
    %div3A = arith.constant 4.096000e+03 : f32
    %div3A_25 = arith.divf %reduce_sum3A_24, %div3A : f32
    %swap3A_26 = arith.constant 0 : index
    %swap3A_27 = arith.constant 0 : index
    %swap3A_28 = memref.load %arg4[%swap3A_26, %swap3A_27] : memref<1x1xf32, #tpu.memory_space<smem>>
    memref.store %div3A_25, %arg4[%swap3A_26, %swap3A_27] : memref<1x1xf32, #tpu.memory_space<smem>>
    return
  }
}

</mosaic_0001>

<sc_bundles>
// kernel: kernel.5.cloned.1.call-start
scs
__scs_entry_jumppad:
0x0: {  	(pc) =	sbr.rel $0x88, $3  }
0x1: {  	(tag) =	ssettag $0x0;
	lr =	simm.s32 $0x1  }
0x2: {  	[smem:$0x3F9B] =	sst lr;
	_ =	strace $0xD0000000  }
0x3: {  	_ = 	snop  }
0x4: {  	_ = 	snop  }
0x5: {  	_ = 	snop  }
0x6: {  	_ = 	snop  }
0x7: {  	_ = 	snop  }
__scs_overlays_trampoline_lowered:
0x8: {  	[smem:$0x3FAA] =	sst s0  }
0x9: {  	[smem:$0x3FAB] =	sst s1  }
0xa: {  	[smem:$0x3FAC] =	sst s2  }
0xb: {  	[smem:$0x3FAD] =	sst s3  }
0xc: {  	[smem:$0x3FAE] =	sst s4  }
0xd: {  	[smem:$0x3FAF] =	sst s5  }
0xe: {  	[smem:$0x3FB0] =	sst s6  }
0xf: {  	[smem:$0x3FB1] =	sst s7  }
0x10: {  	[smem:$0x3FB2] =	sst s8  }
0x11: {  	[smem:$0x3FB3] =	sst s9;
	s0 =	simm.s32 @!p0 $0x0  }
0x12: {  	s1 =	sld [smem:$0x3F99];
	s0 =	simm.s32 @p0 $0x1  }
0x13: {  	[smem:$0x3FB4] =	sst s0;
	s0 =	simm.s32 @!p1 $0x0  }
0x14: {  	s2 =	sld [smem:$0x3F98];
	s0 =	simm.s32 @p1 $0x1  }
0x15: {  	[smem:$0x3FB5] =	sst s0;
	s0 =	simm.s32 @!p2 $0x0  }
0x16: {  	s3 =	sld [smem:$0x3FDB];
	s0 =	simm.s32 @p2 $0x1  }
0x17: {  	s4 =	simm.s32 $0x1BF5;
	[smem:$0x3FB7] =	sst s0  }
0x18: {  	s0 =	sld [smem:$0x3F9A];
	_ =	swait.ge [sflag:s4], $0x0  }
0x19: {  	s7 =	sld [smem:$0x3F9B]  }
0x1a: {  	s8 =	sadd.s32 $0xFFFFE003, lr  }
0x1b: {  	s9 =	sadd.s32 $0xFFFFFEF7, lr;
	s5 =	simm.s32 $0xFFFFFFFF;
	p2 =	slt.u32 s8, $0xFFFFF086  }
0x1c: {  	p1 =	slt.u32 s9, $0xF7A;
	s5 =	simm.s32 @!p2 $0x0  }
0x1d: {  	s5 =	simm.s32 @p1 $0x1;
	p0 =	seq.s32 s7, s2  }
0x1e: {  	s7 =	smul.u32 @!p0 $0xF7A, s2;
	p2 =	seq.s32 @!p0 s5, $0x0  }
0x1f: {  	s9 =	smul.u32 $0xF7A, s1;
	s8 =	simm.s32 @!p0 $0x1BF5;
	p2 =	por !p2, p0  }
0x20: {  	[sflag:s8] =	ssyncset.s32 @!p0 $0xFFFFF086;
	s6 =	sadd.s32 @!p0 s3, s7;
	s7 =	simm.s32 @!p0 $0x108  }
0x21: {  	s3 =	sadd.s32 s3, s9;
	s6 =	sadd.s32 @!p0 $0x88, s6;
	s7 =	simm.s32 @p2 $0x1082  }
0x22: {  	[simem:s7], [sflag:s8] =	dma.local @!p0 [hbm:s6], $0xF7A  }
0x23: {  	s9 =	sor.u32 $0xD0000000, s2;
	s6 =	simm.s32 $0x108;
	_ =	swait.ge @!p0 [sflag:s8], $0x0  }
0x24: {  	s3 =	sadd.s32 $0x88, s3;
	s6 =	simm.s32 @!p1 $0x1082;
	[sflag:s4] =	ssyncset.s32 $0xFFFFF086  }
0x25: {  	[simem:s6], [sflag:s4] =	dma.local [hbm:s3], $0xF7A  }
0x26: {  	[smem:$0x3F9B] =	sst s1;
	(tag) =	ssettag s2;
	_ =	strace s9  }
0x27: {  	s1 =	sld [smem:$0x3FAB]  }
0x28: {  	s2 =	sld [smem:$0x3FAC]  }
0x29: {  	s4 =	sld [smem:$0x3FAE]  }
0x2a: {  	p0 =	seq.s32 s5, $0x0;
	s5 =	sld [smem:$0x3FAF]  }
0x2b: {  	s6 =	sld [smem:$0x3FB0]  }
0x2c: {  	s7 =	sld [smem:$0x3FB1]  }
0x2d: {  	s3 =	simm.s32 $0x108;
	s8 =	sld [smem:$0x3FB2]  }
0x2e: {  	s3 =	simm.s32 @!p0 $0x1082;
	s9 =	sld [smem:$0x3FB3]  }
0x2f: {  	lr =	sadd.s32 s0, s3;
	s0 =	sld [smem:$0x3FAA]  }
0x30: {  	s3 =	sld [smem:$0x3FAD]  }
0x31: {  	[smem:$0x3FB6] =	sst s10  }
0x32: {  	s10 =	sld [smem:$0x3FB4];
	_ =	sdelay $0x3  }
0x33: {  	p0 =	seq.s32 s10, $0x1;
	s10 =	sld [smem:$0x3FB6];
	_ =	sdelay $0x3  }
0x34: {  	[smem:$0x3FB6] =	sst s10  }
0x35: {  	s10 =	sld [smem:$0x3FB5];
	_ =	sdelay $0x3  }
0x36: {  	p1 =	seq.s32 s10, $0x1;
	s10 =	sld [smem:$0x3FB6];
	_ =	sdelay $0x3  }
0x37: {  	[smem:$0x3FB6] =	sst s10  }
0x38: {  	s10 =	sld [smem:$0x3FB7]  }
0x39: {  	_ = 	snop;
	(pc) =	sbr.ind lr, $3  }
0x3a: {  	_ = 	snop  }
0x3b: {  	_ = 	snop  }
0x3c: {  	p2 =	seq.s32 s10, $0x1;
	s10 =	sld [smem:$0x3FB6]  }
0x3d: {  	_ =	shalt  }
0x3e: {  	_ =	shalt  }
0x3f: {  	_ =	shalt  }
0x40: {  	_ =	shalt  }
0x41: {  	_ =	shalt  }
0x42: {  	_ =	shalt  }
0x43: {  	_ =	shalt  }
0x44: {  	_ =	shalt  }
0x45: {  	_ =	shalt  }
0x46: {  	_ =	shalt  }
0x47: {  	_ =	shalt  }
0x48: {  	_ =	shalt  }
0x49: {  	_ =	shalt  }
0x4a: {  	_ =	shalt  }
0x4b: {  	_ =	shalt  }
0x4c: {  	_ =	shalt  }
0x4d: {  	_ =	shalt  }
0x4e: {  	_ =	shalt  }
0x4f: {  	_ =	shalt  }
0x50: {  	_ =	shalt  }
0x51: {  	_ =	shalt  }
0x52: {  	_ =	shalt  }
0x53: {  	_ =	shalt  }
0x54: {  	_ =	shalt  }
0x55: {  	_ =	shalt  }
0x56: {  	_ =	shalt  }
0x57: {  	_ =	shalt  }
0x58: {  	_ =	shalt  }
0x59: {  	_ =	shalt  }
0x5a: {  	_ =	shalt  }
0x5b: {  	_ =	shalt  }
0x5c: {  	_ =	shalt  }
0x5d: {  	_ =	shalt  }
0x5e: {  	_ =	shalt  }
0x5f: {  	_ =	shalt  }
0x60: {  	_ =	shalt  }
0x61: {  	_ =	shalt  }
0x62: {  	_ =	shalt  }
0x63: {  	_ =	shalt  }
0x64: {  	_ =	shalt  }
0x65: {  	_ =	shalt  }
0x66: {  	_ =	shalt  }
0x67: {  	_ =	shalt  }
0x68: {  	_ =	shalt  }
0x69: {  	_ =	shalt  }
0x6a: {  	_ =	shalt  }
0x6b: {  	_ =	shalt  }
0x6c: {  	_ =	shalt  }
0x6d: {  	_ =	shalt  }
0x6e: {  	_ =	shalt  }
0x6f: {  	_ =	shalt  }
0x70: {  	_ =	shalt  }
0x71: {  	_ =	shalt  }
0x72: {  	_ =	shalt  }
0x73: {  	_ =	shalt  }
0x74: {  	_ =	shalt  }
0x75: {  	_ =	shalt  }
0x76: {  	_ =	shalt  }
0x77: {  	_ =	shalt  }
0x78: {  	_ =	shalt  }
0x79: {  	_ =	shalt  }
0x7a: {  	_ =	shalt  }
0x7b: {  	_ =	shalt  }
0x7c: {  	_ =	shalt  }
0x7d: {  	_ =	shalt  }
0x7e: {  	_ =	shalt  }
0x7f: {  	_ =	shalt  }
0x80: {  	_ =	shalt  }
0x81: {  	_ =	shalt  }
0x82: {  	_ =	shalt  }
0x83: {  	_ =	shalt  }
0x84: {  	_ =	shalt  }
0x85: {  	_ =	shalt  }
0x86: {  	_ =	shalt  }
0x87: {  	_ =	shalt  }
.Lfunc_end0:
.L_simem_size_0:
called_computation_lowered:
.L_overlay_start_0:
0x88: {  	s2 =	sld [smem:$0x3FD9]  }
0x89: {  	s3 =	sld [smem:$0x3FFE];
	_ =	sdelay $0x1  }
0x8a: {  	s1 =	srdreg.scid  }
0x8b: {  	s0 =	sand.u32 $0x1, s1  }
0x8c: {  	s14 =	sshll.u32 s0, $0xA;
	s2 =	sadd.s32 s3, s2  }
0x8d: {  	s2 =	sadd.s32 s2, s14  }
0x8e: {  	[smem:$0x3FC2] =	sst s2  }
0x8f: {  	_ = 	snop  }
0x90: {  	s2 =	sld [smem:$0x3FD0];
	_ =	sdelay $0x2  }
0x91: {  	s15 =	simm.s32 $0xA;
	s4 =	simm.s32 $0x10  }
0x92: {  	[smem:s4], [sflag:s15] =	dma.local [hbm:s2], $0x1  }
0x93: {  	_ =	swait.eq [sflag:s15], $0x1  }
0x94: {  	[sflag:s15] =	ssyncset.done $0x0  }
0x95: {  	[sflag:s15] =	ssyncadd.s32 $0xFFFFFFFF  }
0x96: {  	s16 =	sld [smem:$0x11];
	(tm) =	ssettm $0x1  }
0x97: {  	s17 =	sld [smem:$0x3FFB];
	_ =	sdelay $0x3  }
0x98: {  	_ =	strace s17  }
0x99: {  	s3 =	sld [smem:$0x3FFC];
	_ =	sdelay $0x3  }
0x9a: {  	_ =	strace s3  }
0x9b: {  	s3 =	sld [smem:$0x3FFD];
	_ =	sdelay $0x3  }
0x9c: {  	_ =	strace s3  }
0x9d: {  	_ =	strace $0x8FFFFFFF  }
0x9e: {  	s18 =	sld [smem:$0x3FDB];
	_ =	sdelay $0x1  }
0x9f: {  	s19 =	simm.s32 $_scs_section_size  }
0xa0: {  	s5 =	simm.s32 $_size__tile_overlayer_lowered;
	s6 =	simm.s32 $_tile_overlayer_lowered  }
0xa1: {  	s22 =	simm.s32 $0x1BFF;
	s21 =	sshll.u32 s6, $0x1;
	s3 =	sadd.s32 s19, s18  }
0xa2: {  	s7 =	simm.s32 $0x0;
	s20 =	sshll.u32 s5, $0x1;
	s5 =	sadd.s32 s21, s3  }
0xa3: {  	[timem:s7], [sflag:s22] =	dma.local [hbm:s5], s20  }
0xa4: {  	_ =	swait.ge [sflag:s22], s20  }
0xa5: {  	s4 =	ssub.s32 $0x0, s20;
	[sflag:s22] =	ssyncset.done $0x0  }
0xa6: {  	[sflag:s22] =	ssyncadd.s32 s4;
	_ =	sdelay $0x1  }
0xa7: {  	s23 =	simm.s32 $0x1B8B  }
0xa8: {  	_ =	swait.ge [sflag:s23], $0x1  }
0xa9: {  	[sflag:s23] =	ssyncset.done $0x0  }
0xaa: {  	s25 =	simm.s32 $0x1B8E;
	s24 =	sld [smem:$0x3FFE];
	[sflag:s23] =	ssyncadd.s32 $0xFFFFFFFF  }
0xab: {  	s26 =	simm.s32 $execute0_lowered;
	[smem:$0x3FD2] =	sst s25  }
0xac: {  	s5 =	sshll.u32 s26, $0x1;
	_ =	strace $0x80000046;
	[dreg:$0x1] =	wrdreg $0xFFFFFFFF  }
0xad: {  	s28 =	simm.s32 $_size_execute0_lowered;
	s3 =	sadd.s32 s3, s5;
	[dreg:$0x0] =	wrdreg $0x0  }
0xae: {  	s5 =	sshll.u32 s28, $0x1;
	[dreg:$0x2] =	wrdreg s3  }
0xaf: {  	[dreg:$0x3] =	wrdreg s5  }
0xb0: {  	[dreg:$0x4] =	wrdreg $0xC0  }
0xb1: {  	_ =	task [dreg:s7], $0x5FFFF  }
0xb2: {  	[dreg:$0x1] =	wrdreg $0xFFFFFFFF  }
0xb3: {  	[dreg:$0x0] =	wrdreg $0x60  }
0xb4: {  	[dreg:$0x2] =	wrdreg s24  }
0xb5: {  	[dreg:$0x3] =	wrdreg s16  }
0xb6: {  	[dreg:$0x4] =	wrdreg $0x9  }
0xb7: {  	_ =	task.clear_ibuf [dreg:s7], $0x5FFFF;
	_ =	strace $0x90000046  }
0xb8: {  	s29 =	simm.s32 $0x9;
	_ =	strace $0x80000048  }
0xb9: {  	_ =	swait.ge [sflag:s29], $0x1  }
0xba: {  	[sflag:s29] =	ssyncadd.s32 $0xFFFFFFFF  }
0xbb: {  	_ =	strace $0x90000048  }
0xbc: {  	_ =	sfence  }
0xbd: {  	s30 =	sld [smem:$0x0];
	_ =	sdelay $0x2  }
0xbe: {  	s31 =	sshll.u32 s1, $0xD;
	s1 =	sshrl.u32 s1, $0x2  }
0xbf: {  	s3 =	sand.u32 $0x4000, s31;
	s1 =	sadd.s32 s1, s30  }
0xc0: {  	s0 =	sor.u32 s3, s0;
	s1 =	sshll.u32 s1, $0x11  }
0xc1: {  	s0 =	sor.u32 s1, s0  }
0xc2: {  	s0 =	sadd.s32 $0x8F2B, s0  }
0xc3: {  	[sflag:s0] =	ssyncadd.remote.s32 $0x1  }
0xc4: {  	_ =	sfence.sel $0xFFFF  }
0xc5: {  	[dreg:$0x0] =	wrdreg $0xFFFFFFFF;
	(pc) =	sbr.abs _section_cstart, $3  }
0xc6: {  	[dreg:$0x1] =	wrdreg $0xFFFFFFFF  }
0xc7: {  	_ =	task.clear_ibuf [dreg:s7], $0x2FFFF;
	_ =	strace $0x9FFFFFFF  }
0xc8: {  	(tm) =	ssettm $0x7FFFFFFF  }
0xc9: {  	_ =	shalt  }
tec
execute0_lowered:
.L_overlay_start_1:
0x0: {  	(tag) =	ssettag $0x1  }
0x1: {  	s0 =	srdreg.scid  }
0x2: {  	s1 =	rddreg [dreg:$0x0];
	s2 =	stileid.u32  }
0x3: {  	s8 =	simm.s32 $0x3;
	s9 =	simm.s32 $0x3400;
	s10 =	simm.s32 $0x68  }
0x4: {  	s11 =	simm.s32 $0x4530;
	s12 =	simm.s32 $0x47A0;
	s13 =	simm.s32 $0x4598  }
0x5: {  	s14 =	simm.s32 $0x7BA0;
	s15 =	simm.s32 $0x4600;
	s16 =	simm.s32 $0xAFA0  }
0x6: {  	s17 =	simm.s32 $0x4668;
	s18 =	simm.s32 $0xE3A0;
	s19 =	simm.s32 $0x46D0  }
0x7: {  	s20 =	simm.s32 $0x117A0;
	s21 =	simm.s32 $0x4738;
	s22 =	simm.s32 $0x14BA0  }
0x8: {  	s23 =	simm.s32 $0x1;
	s24 =	simm.s32 $0x2;
	s0 =	sand.u32 $0x1, s0  }
0x9: {  	v0 =	vlaneseq.u32;
	v3 =	vimm.s32 $0x5B5A5958;
	v4 =	vimm.s32 $0x5F5E5D5C;
	s25 =	simm.s32 $0x3530;
	s26 =	simm.s32 $0x0;
	s3 =	sshll.u32 s0, $0x4  }
0xa: {  	vm0 =	vcmask $0xF00;
	v5 =	vimm.s32 $0x63626160;
	v3 =	vunpack.c.0.s8.s32 v3;
	s0 =	ssub.s32 $0x2, s0;
	s5 =	sor.u32 s2, s3;
	s3 =	simm.s32 $0x0  }
0xb: {  	vm14 =	vcmask $0x1F10;
	vm15 =	vcmask $0x2F20;
	v4 =	vunpack.c.0.s8.s32 v4;
	s7 =	sshrl.u32 s0, $0x1;
	s4 =	smul.u32 $0x680, s5;
	[smem:$0x7FF] =	sst s3  }
0xc: {  	v1 =	vor.u32 $0x10, v0;
	v7 =	vunpack.c.0.s8.s32 v5;
	v6 =	vnsel vm0, $0x63, v3;
	s5 =	sshll.u32 s5, $0x9;
	s0 =	ssub.s32 s0, s7;
	_ =	strace $0x80000047  }
0xd: {  	v2 =	vor.u32 $0x20, v0;
	v5 =	vor.u32 $0x50, v0;
	v6 =	vsel vm14, v4, v6;
	s6 =	sadd.s32 s4, s1;
	s4 =	sadd.s32 $0x494A00, s1;
	s1 =	sadd.s32 s5, s1  }
0xe: {  	v3 =	vor.u32 $0x30, v0;
	v4 =	vor.u32 $0x40, v0;
	s7 =	smax.u32 s0, $0x1;
	v6 =	vsel vm15, v7, v6;
	s5 =	sadd.s32 $0xC00, s6;
	s6 =	sadd.s32 $0xDC00, s1  }
.LBB2_1:
0xf: {  	[tilespmem:s3], [sflag:$0x3] =	stream.linear.gather [hbm4b:s5+s3], $0x3400, $0x38;
	[tilespmem:$0x17FA0] =	vst v63  }
0x10: {  	_ =	swait.ge [sflag:s8], $0x3400  }
0x11: {  	[sflag:s8] =	ssyncset.done $0x0  }
0x12: {  	[sflag:s8] =	ssyncadd.s32 $0xFFFFCC00  }
0x13: {  	s0 =	rddreg [dreg:$0x1]  }
0x14: {  	[tilespmem:s9], [sflag:$0x3] =	stream.linear.gather [hbm4b:s0+s3], $0x130, $0x38;
	[tilespmem:$0x17FA0] =	vst v63  }
0x15: {  	_ =	swait.ge [sflag:s8], $0x130  }
0x16: {  	[sflag:s8] =	ssyncset.done $0x0  }
0x17: {  	[sflag:s8] =	ssyncadd.s32 $0xFFFFFED0  }
0x18: {  	v7 =	vld.idx.msk [tilespmem:v0+s3+$0x0], $0xffff;
	_ =	sdelay $0x4  }
0x19: {  	v7 =	vmul.u32 $0x3, v7;
	_ =	sdelay $0x1  }
0x1a: {  	[tilespmem:$0x4530] =	vst v7;
	v8 =	vadd.s32 $0x1, v7  }
0x1b: {  	v7 =	vadd.s32 $0x2, v7;
	[tilespmem:$0x4598] =	vst v8  }
0x1c: {  	[tilespmem:$0x4600] =	vst v7  }
0x1d: {  	v7 =	vld.idx.msk [tilespmem:v1+s3+$0x0], $0xffff;
	_ =	sdelay $0x4  }
0x1e: {  	v7 =	vmul.u32 $0x3, v7;
	_ =	sdelay $0x1  }
0x1f: {  	[tilespmem:$0x4540] =	vst v7;
	v8 =	vadd.s32 $0x1, v7  }
0x20: {  	v7 =	vadd.s32 $0x2, v7;
	[tilespmem:$0x45A8] =	vst v8  }
0x21: {  	[tilespmem:$0x4610] =	vst v7  }
0x22: {  	v7 =	vld.idx.msk [tilespmem:v2+s3+$0x0], $0xffff;
	_ =	sdelay $0x4  }
0x23: {  	v7 =	vmul.u32 $0x3, v7;
	_ =	sdelay $0x1  }
0x24: {  	[tilespmem:$0x4550] =	vst v7;
	v8 =	vadd.s32 $0x1, v7  }
0x25: {  	v7 =	vadd.s32 $0x2, v7;
	[tilespmem:$0x45B8] =	vst v8  }
0x26: {  	[tilespmem:$0x4620] =	vst v7  }
0x27: {  	v7 =	vld.idx.msk [tilespmem:v3+s3+$0x0], $0xffff;
	_ =	sdelay $0x4  }
0x28: {  	v7 =	vmul.u32 $0x3, v7;
	_ =	sdelay $0x1  }
0x29: {  	[tilespmem:$0x4560] =	vst v7;
	v8 =	vadd.s32 $0x1, v7  }
0x2a: {  	v7 =	vadd.s32 $0x2, v7;
	[tilespmem:$0x45C8] =	vst v8  }
0x2b: {  	[tilespmem:$0x4630] =	vst v7  }
0x2c: {  	v7 =	vld.idx.msk [tilespmem:v4+s3+$0x0], $0xffff;
	_ =	sdelay $0x4  }
0x2d: {  	v7 =	vmul.u32 $0x3, v7;
	_ =	sdelay $0x1  }
0x2e: {  	[tilespmem:$0x4570] =	vst v7;
	v8 =	vadd.s32 $0x1, v7  }
0x2f: {  	v7 =	vadd.s32 $0x2, v7;
	[tilespmem:$0x45D8] =	vst v8  }
0x30: {  	[tilespmem:$0x4640] =	vst v7  }
0x31: {  	v7 =	vld.idx.msk [tilespmem:v5+s3+$0x0], $0xffff;
	_ =	sdelay $0x4  }
0x32: {  	v7 =	vmul.u32 $0x3, v7;
	_ =	sdelay $0x1  }
0x33: {  	[tilespmem:$0x4580] =	vst v7;
	v8 =	vadd.s32 $0x1, v7  }
0x34: {  	v7 =	vadd.s32 $0x2, v7;
	[tilespmem:$0x45E8] =	vst v8  }
0x35: {  	[tilespmem:$0x4650] =	vst v7  }
0x36: {  	v7 =	vld.idx.msk [tilespmem:v6+s3+$0x0], $0xffff;
	_ =	sdelay $0x4  }
0x37: {  	v7 =	vmul.u32 $0x3, v7;
	_ =	sdelay $0x1  }
0x38: {  	[tilespmem:$0x4588] =	vst v7;
	v8 =	vadd.s32 $0x1, v7  }
0x39: {  	v7 =	vadd.s32 $0x2, v7;
	[tilespmem:$0x45F0] =	vst v8  }
0x3a: {  	[tilespmem:$0x4658] =	vst v7  }
0x3b: {  	[tilespmem:s12], [sflag:$0x1] =	stream.indirect.gather [hbm4b:s4+s10], $0x80, s11, s10, $0xb8;
	[tilespmem:$0x17FA0] =	vst v63  }
0x3c: {  	_ = 	snop  }
0x3d: {  	[tilespmem:s14], [sflag:$0x1] =	stream.indirect.gather [hbm4b:s4+s10], $0x80, s13, s10, $0xb8;
	[tilespmem:$0x17FA0] =	vst v63  }
0x3e: {  	s28 =	simm.s32 $0x0  }
0x3f: {  	[tilespmem:s16], [sflag:$0x1] =	stream.indirect.gather [hbm4b:s4+s10], $0x80, s15, s10, $0xb8;
	[tilespmem:$0x17FA0] =	vst v63  }
.LBB2_2:
0x40: {  	s29 =	sshllo.u32 s28, $0x1  }
0x41: {  	v7 =	vmov s29  }
0x42: {  	v7 =	vmul.u32 $0x68, v7;
	_ =	sdelay $0x1  }
0x43: {  	v7 =	vbroadcast v7, $0x0;
	_ =	sdelay $0x1  }
0x44: {  	v8 =	vadd.s32 v0, v7;
	_ =	sdelay $0x3  }
0x45: {  	s0 =	simm.s32 $0x0  }
0x46: {  	v8 =	vld.idx.msk [tilespmem:v8+s0+$0x0], $0xffff;
	_ =	sdelay $0x4  }
0x47: {  	v9 =	vadd.s32 v1, v7;
	v8 =	vmul.u32 $0x3, v8;
	_ =	sdelay $0x1  }
0x48: {  	[tilespmem:$0x4668] =	vst v8;
	v10 =	vadd.s32 $0x1, v8  }
0x49: {  	v8 =	vadd.s32 $0x2, v8;
	[tilespmem:$0x46D0] =	vst v10  }
0x4a: {  	[tilespmem:$0x4738] =	vst v8  }
0x4b: {  	v8 =	vld.idx.msk [tilespmem:v9+s0+$0x0], $0xffff;
	_ =	sdelay $0x4  }
0x4c: {  	v9 =	vadd.s32 v2, v7;
	v8 =	vmul.u32 $0x3, v8;
	_ =	sdelay $0x1  }
0x4d: {  	[tilespmem:$0x4678] =	vst v8;
	v10 =	vadd.s32 $0x1, v8  }
0x4e: {  	v8 =	vadd.s32 $0x2, v8;
	[tilespmem:$0x46E0] =	vst v10  }
0x4f: {  	[tilespmem:$0x4748] =	vst v8  }
0x50: {  	v8 =	vld.idx.msk [tilespmem:v9+s0+$0x0], $0xffff;
	_ =	sdelay $0x4  }
0x51: {  	v9 =	vadd.s32 v3, v7;
	v8 =	vmul.u32 $0x3, v8;
	_ =	sdelay $0x1  }
0x52: {  	[tilespmem:$0x4688] =	vst v8;
	v10 =	vadd.s32 $0x1, v8  }
0x53: {  	v8 =	vadd.s32 $0x2, v8;
	[tilespmem:$0x46F0] =	vst v10  }
0x54: {  	[tilespmem:$0x4758] =	vst v8  }
0x55: {  	v8 =	vld.idx.msk [tilespmem:v9+s0+$0x0], $0xffff;
	_ =	sdelay $0x4  }
0x56: {  	v9 =	vadd.s32 v4, v7;
	v8 =	vmul.u32 $0x3, v8;
	_ =	sdelay $0x1  }
0x57: {  	[tilespmem:$0x4698] =	vst v8;
	v10 =	vadd.s32 $0x1, v8  }
0x58: {  	v8 =	vadd.s32 $0x2, v8;
	[tilespmem:$0x4700] =	vst v10  }
0x59: {  	[tilespmem:$0x4768] =	vst v8  }
0x5a: {  	v8 =	vld.idx.msk [tilespmem:v9+s0+$0x0], $0xffff;
	_ =	sdelay $0x4  }
0x5b: {  	v9 =	vadd.s32 v5, v7;
	v8 =	vmul.u32 $0x3, v8;
	_ =	sdelay $0x1  }
0x5c: {  	[tilespmem:$0x46A8] =	vst v8;
	v10 =	vadd.s32 $0x1, v8  }
0x5d: {  	v8 =	vadd.s32 $0x2, v8;
	[tilespmem:$0x4710] =	vst v10  }
0x5e: {  	[tilespmem:$0x4778] =	vst v8  }
0x5f: {  	v8 =	vld.idx.msk [tilespmem:v9+s0+$0x0], $0xffff;
	_ =	sdelay $0x4  }
0x60: {  	v7 =	vadd.s32 v6, v7;
	v8 =	vmul.u32 $0x3, v8;
	_ =	sdelay $0x1  }
0x61: {  	[tilespmem:$0x46B8] =	vst v8;
	v9 =	vadd.s32 $0x1, v8  }
0x62: {  	v8 =	vadd.s32 $0x2, v8;
	[tilespmem:$0x4720] =	vst v9  }
0x63: {  	[tilespmem:$0x4788] =	vst v8  }
0x64: {  	v7 =	vld.idx.msk [tilespmem:v7+s0+$0x0], $0xffff;
	_ =	sdelay $0x4  }
0x65: {  	v7 =	vmul.u32 $0x3, v7;
	_ =	sdelay $0x1  }
0x66: {  	[tilespmem:$0x46C0] =	vst v7;
	v8 =	vadd.s32 $0x1, v7  }
0x67: {  	v7 =	vadd.s32 $0x2, v7;
	[tilespmem:$0x4728] =	vst v8  }
0x68: {  	[tilespmem:$0x4790] =	vst v7  }
0x69: {  	[tilespmem:s18], [sflag:$0x2] =	stream.indirect.gather [hbm4b:s4+s10], $0x80, s17, s10, $0xb8;
	[tilespmem:$0x17FA0] =	vst v63  }
0x6a: {  	_ = 	snop  }
0x6b: {  	[tilespmem:s20], [sflag:$0x2] =	stream.indirect.gather [hbm4b:s4+s10], $0x80, s19, s10, $0xb8;
	[tilespmem:$0x17FA0] =	vst v63  }
0x6c: {  	_ = 	snop  }
0x6d: {  	[tilespmem:s22], [sflag:$0x2] =	stream.indirect.gather [hbm4b:s4+s10], $0x80, s21, s10, $0xb8;
	[tilespmem:$0x17FA0] =	vst v63  }
0x6e: {  	_ =	swait.ge [sflag:s23], $0x3400  }
0x6f: {  	[sflag:s23] =	ssyncset.done $0x0  }
0x70: {  	[sflag:s23] =	ssyncadd.s32 $0xFFFFCC00  }
0x71: {  	_ =	swait.ge [sflag:s23], $0x3400  }
0x72: {  	[sflag:s23] =	ssyncset.done $0x0  }
0x73: {  	[sflag:s23] =	ssyncadd.s32 $0xFFFFCC00  }
0x74: {  	_ =	swait.ge [sflag:s23], $0x3400  }
0x75: {  	[sflag:s23] =	ssyncset.done $0x0  }
0x76: {  	[sflag:s23] =	ssyncadd.s32 $0xFFFFCC00  }
0x77: {  	v13 =	vld [tilespmem:$0x47A0]  }
0x78: {  	v14 =	vld [tilespmem:$0x47B0]  }
0x79: {  	v15 =	vld [tilespmem:$0x47C0]  }
0x7a: {  	v16 =	vld [tilespmem:$0x47D0]  }
0x7b: {  	v17 =	vld [tilespmem:$0x47E0]  }
0x7c: {  	v18 =	vld [tilespmem:$0x47F0]  }
0x7d: {  	v19 =	vld [tilespmem:$0x4800]  }
0x7e: {  	v20 =	vld [tilespmem:$0x4810]  }
0x7f: {  	v31 =	vld [tilespmem:$0x7BA0]  }
0x80: {  	v32 =	vld [tilespmem:$0x7BB0]  }
0x81: {  	v33 =	vld [tilespmem:$0x7BC0]  }
0x82: {  	v34 =	vld [tilespmem:$0x7BD0]  }
0x83: {  	v35 =	vld [tilespmem:$0x7BE0]  }
0x84: {  	v12 =	vld [tilespmem:$0x7BF0]  }
0x85: {  	v11 =	vld [tilespmem:$0x7C00]  }
0x86: {  	v9 =	vld [tilespmem:$0x7C10]  }
0x87: {  	v8 =	vld [tilespmem:$0xAFA0]  }
0x88: {  	v7 =	vld [tilespmem:$0xAFB0]  }
0x89: {  	s2 =	simm.s32 $0x0;
	v10 =	vld [tilespmem:$0xAFC0]  }
0x8a: {  	v21 =	vld [tilespmem:s2+$0xB040]  }
0x8b: {  	v22 =	vld [tilespmem:s2+$0x4820]  }
0x8c: {  	v23 =	vld [tilespmem:s2+$0x4830]  }
0x8d: {  	v25 =	vld [tilespmem:s2+$0x4840]  }
0x8e: {  	v26 =	vld [tilespmem:s2+$0x4850]  }
0x8f: {  	v36 =	vld [tilespmem:s2+$0x4860]  }
0x90: {  	v37 =	vld [tilespmem:s2+$0x4870]  }
0x91: {  	v38 =	vld [tilespmem:s2+$0x4880]  }
0x92: {  	v39 =	vld [tilespmem:s2+$0x4890]  }
0x93: {  	v40 =	vld [tilespmem:s2+$0x7C20]  }
0x94: {  	v41 =	vld [tilespmem:s2+$0x7C30]  }
0x95: {  	v42 =	vld [tilespmem:s2+$0x7C40]  }
0x96: {  	v43 =	vld [tilespmem:s2+$0x7C50]  }
0x97: {  	v44 =	vld [tilespmem:s2+$0x7C60]  }
0x98: {  	v24 =	vld [tilespmem:s2+$0x7C70];
	v10 =	vmax.f32 v10, v21;
	v30 =	vmax.f32 v13, v22  }
0x99: {  	v29 =	vmax.f32 v14, v23;
	v28 =	vmax.f32 v15, v25;
	v27 =	vmax.f32 v16, v26;
	v22 =	vld [tilespmem:s2+$0x7C80]  }
0x9a: {  	v26 =	vmax.f32 v17, v36;
	v25 =	vmax.f32 v18, v37;
	v23 =	vmax.f32 v19, v38;
	v21 =	vld [tilespmem:s2+$0x7C90]  }
0x9b: {  	v20 =	vmax.f32 v20, v39;
	v17 =	vmax.f32 v31, v40;
	v16 =	vmax.f32 v32, v41;
	v18 =	vld [tilespmem:s2+$0xB020]  }
0x9c: {  	s30 =	sshll.u32 s28, $0x1;
	s1 =	simm.s32 $0x80;
	s31 =	simm.s32 $0x400;
	v15 =	vmax.f32 v33, v42;
	v14 =	vmax.f32 v34, v43;
	v19 =	vld [tilespmem:s2+$0xB030];
	v13 =	vmax.f32 v35, v44  }
.LBB2_3:
0x9d: {  	p0 =	sne.s32 s31, $0x6000;
	v31 =	vld [tilespmem:s1+$0xB040];
	v12 =	vmax.f32 v12, v24  }
0x9e: {  	v24 =	vld [tilespmem:s1+$0x4820];
	v11 =	vmax.f32 v11, v22  }
0x9f: {  	v22 =	vld [tilespmem:s1+$0x4830];
	v9 =	vmax.f32 v9, v21  }
0xa0: {  	v21 =	vld [tilespmem:s1+$0x4840];
	v8 =	vmax.f32 v8, v18  }
0xa1: {  	v18 =	vld [tilespmem:s1+$0x4850];
	v7 =	vmax.f32 v7, v19  }
0xa2: {  	v19 =	vld [tilespmem:s1+$0x4860];
	v10 =	vmax.f32 v10, v31  }
0xa3: {  	v31 =	vld [tilespmem:s1+$0x4870];
	v30 =	vmax.f32 v30, v24  }
0xa4: {  	v24 =	vld [tilespmem:s1+$0x4880];
	v29 =	vmax.f32 v29, v22  }
0xa5: {  	v22 =	vld [tilespmem:s1+$0x4890];
	v28 =	vmax.f32 v28, v21  }
0xa6: {  	v21 =	vld [tilespmem:s1+$0x7C20];
	v27 =	vmax.f32 v27, v18  }
0xa7: {  	v18 =	vld [tilespmem:s1+$0x7C30];
	v26 =	vmax.f32 v26, v19  }
0xa8: {  	v19 =	vld [tilespmem:s1+$0x7C40];
	v25 =	vmax.f32 v25, v31  }
0xa9: {  	v31 =	vld [tilespmem:s1+$0x7C50];
	v23 =	vmax.f32 v23, v24  }
0xaa: {  	v32 =	vld [tilespmem:s1+$0x7C60];
	v20 =	vmax.f32 v20, v22  }
.Ltmp0:
0xab: {  	v24 =	vld [tilespmem:s1+$0x7C70];
	v17 =	vmax.f32 v17, v21;
	(pc) =	sbr.rel @p0 .LBB2_3-.Ltmp0, $4  }
0xac: {  	v22 =	vld [tilespmem:s1+$0x7C80];
	v16 =	vmax.f32 v16, v18  }
0xad: {  	v21 =	vld [tilespmem:s1+$0x7C90];
	v15 =	vmax.f32 v15, v19  }
0xae: {  	v18 =	vld [tilespmem:s1+$0xB020];
	v14 =	vmax.f32 v14, v31  }
0xaf: {  	v19 =	vld [tilespmem:s1+$0xB030];
	s1 =	sshra.s32 s31, $0x2;
	s31 =	sadd.s32 $0x200, s31;
	v13 =	vmax.f32 v13, v32  }
0xb0: {  	v31 =	vld [tilespmem:s1+$0x4820]  }
0xb1: {  	v32 =	vld [tilespmem:$0x3400]  }
0xb2: {  	v33 =	vld [tilespmem:s1+$0x4830]  }
0xb3: {  	v34 =	vld [tilespmem:$0x3410]  }
0xb4: {  	v35 =	vld [tilespmem:s1+$0x4840]  }
0xb5: {  	v30 =	vmax.f32 v30, v31;
	v31 =	vld [tilespmem:$0x3420]  }
0xb6: {  	v36 =	vld [tilespmem:s1+$0x4850];
	v30 =	vmul.f32 v32, v30  }
0xb7: {  	v53 =	vld [tilespmem:$0x3430];
	v29 =	vmax.f32 v29, v33  }
0xb8: {  	v54 =	vld [tilespmem:s1+$0x4860];
	v29 =	vmul.f32 v34, v29;
	v30 =	vadd.f32 $0.0e+00, v30  }
0xb9: {  	v55 =	vld [tilespmem:$0x3440];
	v28 =	vmax.f32 v28, v35  }
0xba: {  	v56 =	vld [tilespmem:s1+$0x4870];
	v29 =	vadd.f32 v29, v30;
	v28 =	vmul.f32 v31, v28  }
0xbb: {  	v27 =	vmax.f32 v27, v36;
	v30 =	vld [tilespmem:$0x3450]  }
0xbc: {  	v27 =	vmul.f32 v53, v27;
	v31 =	vld [tilespmem:s1+$0x4880];
	v28 =	vadd.f32 v28, v29  }
0xbd: {  	v26 =	vmax.f32 v26, v54;
	v29 =	vld [tilespmem:$0x3460]  }
0xbe: {  	v57 =	vld [tilespmem:s1+$0x4890];
	v26 =	vmul.f32 v55, v26;
	v27 =	vadd.f32 v27, v28  }
0xbf: {  	v25 =	vmax.f32 v25, v56;
	v28 =	vld [tilespmem:$0x3470]  }
0xc0: {  	v58 =	vld [tilespmem:s1+$0x7C20];
	v25 =	vmul.f32 v30, v25;
	v26 =	vadd.f32 v26, v27  }
0xc1: {  	v23 =	vmax.f32 v23, v31;
	v27 =	vld [tilespmem:$0x3480]  }
0xc2: {  	v30 =	vld [tilespmem:s1+$0x7C30];
	v23 =	vmul.f32 v29, v23;
	v25 =	vadd.f32 v25, v26  }
0xc3: {  	v20 =	vmax.f32 v20, v57;
	v26 =	vld [tilespmem:$0x3490]  }
0xc4: {  	v29 =	vld [tilespmem:s1+$0x7C40];
	v20 =	vmul.f32 v28, v20;
	v23 =	vadd.f32 v23, v25  }
0xc5: {  	v17 =	vmax.f32 v17, v58;
	v25 =	vld [tilespmem:$0x34A0]  }
0xc6: {  	v28 =	vld [tilespmem:s1+$0x7C50];
	v17 =	vmul.f32 v27, v17;
	v20 =	vadd.f32 v20, v23  }
0xc7: {  	v16 =	vmax.f32 v16, v30;
	v23 =	vld [tilespmem:$0x34B0]  }
0xc8: {  	v27 =	vld [tilespmem:s1+$0x7C60];
	v16 =	vmul.f32 v26, v16;
	v17 =	vadd.f32 v17, v20  }
0xc9: {  	v15 =	vmax.f32 v15, v29;
	v20 =	vld [tilespmem:$0x34C0]  }
0xca: {  	v26 =	vld [tilespmem:s1+$0x7C70];
	v15 =	vmul.f32 v25, v15;
	v16 =	vadd.f32 v16, v17  }
0xcb: {  	v14 =	vmax.f32 v14, v28;
	v17 =	vld [tilespmem:$0x34D0]  }
0xcc: {  	v25 =	vld [tilespmem:s1+$0x7C80];
	v14 =	vmul.f32 v23, v14;
	v15 =	vadd.f32 v15, v16  }
0xcd: {  	v13 =	vmax.f32 v13, v27;
	v16 =	vld [tilespmem:$0x34E0]  }
0xce: {  	v12 =	vmax.f32 v12, v24;
	v23 =	vld [tilespmem:s1+$0x7C90];
	v13 =	vmul.f32 v20, v13;
	v14 =	vadd.f32 v14, v15  }
0xcf: {  	v12 =	vmax.f32 v12, v26;
	v15 =	vld [tilespmem:$0x34F0]  }
0xd0: {  	v11 =	vmax.f32 v11, v22;
	v20 =	vld [tilespmem:s1+$0xB020];
	v12 =	vmul.f32 v17, v12;
	v13 =	vadd.f32 v13, v14  }
0xd1: {  	v11 =	vmax.f32 v11, v25;
	v14 =	vld [tilespmem:$0x3500]  }
0xd2: {  	v9 =	vmax.f32 v9, v21;
	v17 =	vld [tilespmem:s1+$0xB030];
	v11 =	vmul.f32 v16, v11;
	v12 =	vadd.f32 v12, v13  }
0xd3: {  	v9 =	vmax.f32 v9, v23;
	v13 =	vld [tilespmem:$0x3510]  }
0xd4: {  	v8 =	vmax.f32 v8, v18;
	v16 =	vld [tilespmem:s1+$0xB040];
	v9 =	vmul.f32 v15, v9;
	v11 =	vadd.f32 v11, v12  }
0xd5: {  	v8 =	vmax.f32 v8, v20;
	v12 =	vld [tilespmem:$0x3520]  }
0xd6: {  	v7 =	vmax.f32 v7, v19;
	v8 =	vmul.f32 v14, v8;
	v9 =	vadd.f32 v9, v11  }
0xd7: {  	v7 =	vmax.f32 v7, v17  }
0xd8: {  	v7 =	vmul.f32 v13, v7;
	v8 =	vadd.f32 v8, v9  }
0xd9: {  	v9 =	vmax.f32 v10, v16  }
0xda: {  	v7 =	vadd.f32 v7, v8;
	v8 =	vmul.f32 v12, v9;
	_ =	sdelay $0x1  }
0xdb: {  	s0 =	sshll.u32 s28, $0x6;
	v7 =	vadd.f32 v8, v7  }
0xdc: {  	s31 =	sand.u32 $0x3FFFFFC0, s0  }
0xdd: {  	[tilespmem:s31+$0x3530] =	vst v7  }
0xde: {  	v13 =	vld [tilespmem:$0x60A0]  }
0xdf: {  	v14 =	vld [tilespmem:$0x60B0]  }
0xe0: {  	v15 =	vld [tilespmem:$0x60C0]  }
0xe1: {  	v16 =	vld [tilespmem:$0x60D0]  }
0xe2: {  	v17 =	vld [tilespmem:$0x60E0]  }
0xe3: {  	v18 =	vld [tilespmem:$0x60F0]  }
0xe4: {  	v19 =	vld [tilespmem:$0x6100]  }
0xe5: {  	v20 =	vld [tilespmem:$0x6110]  }
0xe6: {  	v31 =	vld [tilespmem:$0x94A0]  }
0xe7: {  	v59 =	vld [tilespmem:$0x94B0]  }
0xe8: {  	v60 =	vld [tilespmem:$0x94C0]  }
0xe9: {  	v61 =	vld [tilespmem:$0x94D0]  }
0xea: {  	v62 =	vld [tilespmem:$0x94E0]  }
0xeb: {  	v12 =	vld [tilespmem:$0x94F0]  }
0xec: {  	v11 =	vld [tilespmem:$0x9500]  }
0xed: {  	v10 =	vld [tilespmem:$0x9510]  }
0xee: {  	v8 =	vld [tilespmem:$0xC8A0]  }
0xef: {  	v7 =	vld [tilespmem:$0xC8B0]  }
0xf0: {  	s2 =	simm.s32 $0x0;
	v9 =	vld [tilespmem:$0xC8C0]  }
0xf1: {  	v21 =	vld [tilespmem:s2+$0xC940]  }
0xf2: {  	v22 =	vld [tilespmem:s2+$0x6120]  }
0xf3: {  	v23 =	vld [tilespmem:s2+$0x6130]  }
0xf4: {  	v25 =	vld [tilespmem:s2+$0x6140]  }
0xf5: {  	v26 =	vld [tilespmem:s2+$0x6150]  }
0xf6: {  	v63 =	vld [tilespmem:s2+$0x6160]  }
0xf7: {  	v37 =	vld [tilespmem:s2+$0x6170]  }
0xf8: {  	v38 =	vld [tilespmem:s2+$0x6180]  }
0xf9: {  	v39 =	vld [tilespmem:s2+$0x6190]  }
0xfa: {  	v40 =	vld [tilespmem:s2+$0x9520]  }
0xfb: {  	v41 =	vld [tilespmem:s2+$0x9530]  }
0xfc: {  	v42 =	vld [tilespmem:s2+$0x9540]  }
0xfd: {  	v43 =	vld [tilespmem:s2+$0x9550]  }
0xfe: {  	v44 =	vld [tilespmem:s2+$0x9560]  }
0xff: {  	v24 =	vld [tilespmem:s2+$0x9570];
	v9 =	vmax.f32 v9, v21;
	v30 =	vmax.f32 v13, v22  }
0x100: {  	v29 =	vmax.f32 v14, v23;
	v28 =	vmax.f32 v15, v25;
	v27 =	vmax.f32 v16, v26;
	v22 =	vld [tilespmem:s2+$0x9580]  }
0x101: {  	v26 =	vmax.f32 v17, v63;
	v25 =	vmax.f32 v18, v37;
	v23 =	vmax.f32 v19, v38;
	v21 =	vld [tilespmem:s2+$0x9590]  }
0x102: {  	v20 =	vmax.f32 v20, v39;
	v17 =	vmax.f32 v31, v40;
	v16 =	vmax.f32 v59, v41;
	v18 =	vld [tilespmem:s2+$0xC920]  }
0x103: {  	s0 =	simm.s32 $0x400;
	s1 =	simm.s32 $0x80;
	v15 =	vmax.f32 v60, v42;
	v14 =	vmax.f32 v61, v43;
	v19 =	vld [tilespmem:s2+$0xC930];
	v13 =	vmax.f32 v62, v44  }
.LBB2_5:
0x104: {  	p0 =	sne.s32 s0, $0x6000;
	v31 =	vld [tilespmem:s1+$0xC940];
	v12 =	vmax.f32 v12, v24  }
0x105: {  	v24 =	vld [tilespmem:s1+$0x6120];
	v11 =	vmax.f32 v11, v22  }
0x106: {  	v22 =	vld [tilespmem:s1+$0x6130];
	v10 =	vmax.f32 v10, v21  }
0x107: {  	v21 =	vld [tilespmem:s1+$0x6140];
	v8 =	vmax.f32 v8, v18  }
0x108: {  	v18 =	vld [tilespmem:s1+$0x6150];
	v7 =	vmax.f32 v7, v19  }
0x109: {  	v19 =	vld [tilespmem:s1+$0x6160];
	v9 =	vmax.f32 v9, v31  }
0x10a: {  	v31 =	vld [tilespmem:s1+$0x6170];
	v30 =	vmax.f32 v30, v24  }
0x10b: {  	v24 =	vld [tilespmem:s1+$0x6180];
	v29 =	vmax.f32 v29, v22  }
0x10c: {  	v22 =	vld [tilespmem:s1+$0x6190];
	v28 =	vmax.f32 v28, v21  }
0x10d: {  	v21 =	vld [tilespmem:s1+$0x9520];
	v27 =	vmax.f32 v27, v18  }
0x10e: {  	v18 =	vld [tilespmem:s1+$0x9530];
	v26 =	vmax.f32 v26, v19  }
0x10f: {  	v19 =	vld [tilespmem:s1+$0x9540];
	v25 =	vmax.f32 v25, v31  }
0x110: {  	v31 =	vld [tilespmem:s1+$0x9550];
	v23 =	vmax.f32 v23, v24  }
0x111: {  	v32 =	vld [tilespmem:s1+$0x9560];
	v20 =	vmax.f32 v20, v22  }
.Ltmp1:
0x112: {  	v24 =	vld [tilespmem:s1+$0x9570];
	v17 =	vmax.f32 v17, v21;
	(pc) =	sbr.rel @p0 .LBB2_5-.Ltmp1, $4  }
0x113: {  	v22 =	vld [tilespmem:s1+$0x9580];
	v16 =	vmax.f32 v16, v18  }
0x114: {  	v21 =	vld [tilespmem:s1+$0x9590];
	v15 =	vmax.f32 v15, v19  }
0x115: {  	v18 =	vld [tilespmem:s1+$0xC920];
	v14 =	vmax.f32 v14, v31  }
0x116: {  	v19 =	vld [tilespmem:s1+$0xC930];
	s1 =	sshra.s32 s0, $0x2;
	s0 =	sadd.s32 $0x200, s0;
	v13 =	vmax.f32 v13, v32  }
0x117: {  	v31 =	vld [tilespmem:s1+$0x6120]  }
0x118: {  	v32 =	vld [tilespmem:$0x3400]  }
0x119: {  	v33 =	vld [tilespmem:s1+$0x6130]  }
0x11a: {  	v34 =	vld [tilespmem:$0x3410]  }
0x11b: {  	v35 =	vld [tilespmem:s1+$0x6140]  }
0x11c: {  	v30 =	vmax.f32 v30, v31;
	v31 =	vld [tilespmem:$0x3420]  }
0x11d: {  	v36 =	vld [tilespmem:s1+$0x6150];
	v30 =	vmul.f32 v32, v30  }
0x11e: {  	v53 =	vld [tilespmem:$0x3430];
	v29 =	vmax.f32 v29, v33  }
0x11f: {  	v54 =	vld [tilespmem:s1+$0x6160];
	v29 =	vmul.f32 v34, v29;
	v30 =	vadd.f32 $0.0e+00, v30  }
0x120: {  	v55 =	vld [tilespmem:$0x3440];
	v28 =	vmax.f32 v28, v35  }
0x121: {  	v56 =	vld [tilespmem:s1+$0x6170];
	v29 =	vadd.f32 v29, v30;
	v28 =	vmul.f32 v31, v28  }
0x122: {  	v27 =	vmax.f32 v27, v36;
	v30 =	vld [tilespmem:$0x3450]  }
0x123: {  	v27 =	vmul.f32 v53, v27;
	v31 =	vld [tilespmem:s1+$0x6180];
	v28 =	vadd.f32 v28, v29  }
0x124: {  	v26 =	vmax.f32 v26, v54;
	v29 =	vld [tilespmem:$0x3460]  }
0x125: {  	v57 =	vld [tilespmem:s1+$0x6190];
	v26 =	vmul.f32 v55, v26;
	v27 =	vadd.f32 v27, v28  }
0x126: {  	v25 =	vmax.f32 v25, v56;
	v28 =	vld [tilespmem:$0x3470]  }
0x127: {  	v58 =	vld [tilespmem:s1+$0x9520];
	v25 =	vmul.f32 v30, v25;
	v26 =	vadd.f32 v26, v27  }
0x128: {  	v23 =	vmax.f32 v23, v31;
	v27 =	vld [tilespmem:$0x3480]  }
0x129: {  	v30 =	vld [tilespmem:s1+$0x9530];
	v23 =	vmul.f32 v29, v23;
	v25 =	vadd.f32 v25, v26  }
0x12a: {  	v20 =	vmax.f32 v20, v57;
	v26 =	vld [tilespmem:$0x3490]  }
0x12b: {  	v29 =	vld [tilespmem:s1+$0x9540];
	v20 =	vmul.f32 v28, v20;
	v23 =	vadd.f32 v23, v25  }
0x12c: {  	v17 =	vmax.f32 v17, v58;
	v25 =	vld [tilespmem:$0x34A0]  }
0x12d: {  	v28 =	vld [tilespmem:s1+$0x9550];
	v17 =	vmul.f32 v27, v17;
	v20 =	vadd.f32 v20, v23  }
0x12e: {  	v16 =	vmax.f32 v16, v30;
	v23 =	vld [tilespmem:$0x34B0]  }
0x12f: {  	v27 =	vld [tilespmem:s1+$0x9560];
	v16 =	vmul.f32 v26, v16;
	v17 =	vadd.f32 v17, v20  }
0x130: {  	v15 =	vmax.f32 v15, v29;
	v20 =	vld [tilespmem:$0x34C0]  }
0x131: {  	v26 =	vld [tilespmem:s1+$0x9570];
	v15 =	vmul.f32 v25, v15;
	v16 =	vadd.f32 v16, v17  }
0x132: {  	v14 =	vmax.f32 v14, v28;
	v17 =	vld [tilespmem:$0x34D0]  }
0x133: {  	v25 =	vld [tilespmem:s1+$0x9580];
	v14 =	vmul.f32 v23, v14;
	v15 =	vadd.f32 v15, v16  }
0x134: {  	v13 =	vmax.f32 v13, v27;
	v16 =	vld [tilespmem:$0x34E0]  }
0x135: {  	v12 =	vmax.f32 v12, v24;
	v23 =	vld [tilespmem:s1+$0x9590];
	v13 =	vmul.f32 v20, v13;
	v14 =	vadd.f32 v14, v15  }
0x136: {  	v12 =	vmax.f32 v12, v26;
	v15 =	vld [tilespmem:$0x34F0]  }
0x137: {  	v11 =	vmax.f32 v11, v22;
	v20 =	vld [tilespmem:s1+$0xC920];
	v12 =	vmul.f32 v17, v12;
	v13 =	vadd.f32 v13, v14  }
0x138: {  	v11 =	vmax.f32 v11, v25;
	v14 =	vld [tilespmem:$0x3500]  }
0x139: {  	v10 =	vmax.f32 v10, v21;
	v17 =	vld [tilespmem:s1+$0xC930];
	v11 =	vmul.f32 v16, v11;
	v12 =	vadd.f32 v12, v13  }
0x13a: {  	s0 =	smin.u32 s30, $0x7D;
	v10 =	vmax.f32 v10, v23;
	v13 =	vld [tilespmem:$0x3510]  }
0x13b: {  	s0 =	sadd.s32 $0x2, s0;
	v8 =	vmax.f32 v8, v18;
	v16 =	vld [tilespmem:s1+$0xC940];
	v10 =	vmul.f32 v15, v10;
	v11 =	vadd.f32 v11, v12  }
0x13c: {  	v7 =	vmax.f32 v7, v19;
	v8 =	vmax.f32 v8, v20;
	v15 =	vmov s0;
	v12 =	vld [tilespmem:$0x3520]  }
0x13d: {  	v8 =	vmul.f32 v14, v8;
	v10 =	vadd.f32 v10, v11;
	v11 =	vmul.u32 $0x68, v15  }
0x13e: {  	v7 =	vmax.f32 v7, v17  }
0x13f: {  	v7 =	vmul.f32 v13, v7;
	v8 =	vadd.f32 v8, v10;
	v10 =	vbroadcast v11, $0x0  }
0x140: {  	v9 =	vmax.f32 v9, v16  }
0x141: {  	v7 =	vadd.f32 v7, v8;
	v8 =	vmul.f32 v12, v9;
	v9 =	vadd.s32 v0, v10;
	_ =	sdelay $0x1  }
0x142: {  	v7 =	vadd.f32 v8, v7;
	_ =	sdelay $0x1  }
0x143: {  	[tilespmem:s31+$0x3540] =	vst v7;
	s31 =	simm.s32 $0x0  }
0x144: {  	v7 =	vld.idx.msk [tilespmem:v9+s31+$0x0], $0xffff;
	_ =	sdelay $0x4  }
0x145: {  	v8 =	vadd.s32 v1, v10;
	v7 =	vmul.u32 $0x3, v7;
	_ =	sdelay $0x1  }
0x146: {  	[tilespmem:$0x4530] =	vst v7;
	v9 =	vadd.s32 $0x1, v7  }
0x147: {  	v7 =	vadd.s32 $0x2, v7;
	[tilespmem:$0x4598] =	vst v9  }
0x148: {  	[tilespmem:$0x4600] =	vst v7  }
0x149: {  	v7 =	vld.idx.msk [tilespmem:v8+s31+$0x0], $0xffff;
	_ =	sdelay $0x4  }
0x14a: {  	v8 =	vadd.s32 v2, v10;
	v7 =	vmul.u32 $0x3, v7;
	_ =	sdelay $0x1  }
0x14b: {  	[tilespmem:$0x4540] =	vst v7;
	v9 =	vadd.s32 $0x1, v7  }
0x14c: {  	v7 =	vadd.s32 $0x2, v7;
	[tilespmem:$0x45A8] =	vst v9  }
0x14d: {  	[tilespmem:$0x4610] =	vst v7  }
0x14e: {  	v7 =	vld.idx.msk [tilespmem:v8+s31+$0x0], $0xffff;
	_ =	sdelay $0x4  }
0x14f: {  	v8 =	vadd.s32 v3, v10;
	v7 =	vmul.u32 $0x3, v7;
	_ =	sdelay $0x1  }
0x150: {  	[tilespmem:$0x4550] =	vst v7;
	v9 =	vadd.s32 $0x1, v7  }
0x151: {  	v7 =	vadd.s32 $0x2, v7;
	[tilespmem:$0x45B8] =	vst v9  }
0x152: {  	[tilespmem:$0x4620] =	vst v7  }
0x153: {  	v7 =	vld.idx.msk [tilespmem:v8+s31+$0x0], $0xffff;
	_ =	sdelay $0x4  }
0x154: {  	v8 =	vadd.s32 v4, v10;
	v7 =	vmul.u32 $0x3, v7;
	_ =	sdelay $0x1  }
0x155: {  	[tilespmem:$0x4560] =	vst v7;
	v9 =	vadd.s32 $0x1, v7  }
0x156: {  	v7 =	vadd.s32 $0x2, v7;
	[tilespmem:$0x45C8] =	vst v9  }
0x157: {  	[tilespmem:$0x4630] =	vst v7  }
0x158: {  	v7 =	vld.idx.msk [tilespmem:v8+s31+$0x0], $0xffff;
	_ =	sdelay $0x4  }
0x159: {  	v8 =	vadd.s32 v5, v10;
	v7 =	vmul.u32 $0x3, v7;
	_ =	sdelay $0x1  }
0x15a: {  	[tilespmem:$0x4570] =	vst v7;
	v9 =	vadd.s32 $0x1, v7  }
0x15b: {  	v7 =	vadd.s32 $0x2, v7;
	[tilespmem:$0x45D8] =	vst v9  }
0x15c: {  	[tilespmem:$0x4640] =	vst v7  }
0x15d: {  	v7 =	vld.idx.msk [tilespmem:v8+s31+$0x0], $0xffff;
	_ =	sdelay $0x4  }
0x15e: {  	v8 =	vadd.s32 v6, v10;
	v7 =	vmul.u32 $0x3, v7;
	_ =	sdelay $0x1  }
0x15f: {  	[tilespmem:$0x4580] =	vst v7;
	v9 =	vadd.s32 $0x1, v7  }
0x160: {  	v7 =	vadd.s32 $0x2, v7;
	[tilespmem:$0x45E8] =	vst v9  }
0x161: {  	[tilespmem:$0x4650] =	vst v7  }
0x162: {  	v7 =	vld.idx.msk [tilespmem:v8+s31+$0x0], $0xffff;
	_ =	sdelay $0x4  }
0x163: {  	v7 =	vmul.u32 $0x3, v7;
	_ =	sdelay $0x1  }
0x164: {  	[tilespmem:$0x4588] =	vst v7;
	v8 =	vadd.s32 $0x1, v7  }
0x165: {  	v7 =	vadd.s32 $0x2, v7;
	[tilespmem:$0x45F0] =	vst v8  }
0x166: {  	[tilespmem:$0x4658] =	vst v7  }
0x167: {  	[tilespmem:s12], [sflag:$0x1] =	stream.indirect.gather [hbm4b:s4+s10], $0x80, s11, s10, $0xb8;
	[tilespmem:$0x17FA0] =	vst v63  }
0x168: {  	_ = 	snop  }
0x169: {  	[tilespmem:s14], [sflag:$0x1] =	stream.indirect.gather [hbm4b:s4+s10], $0x80, s13, s10, $0xb8;
	[tilespmem:$0x17FA0] =	vst v63  }
0x16a: {  	_ = 	snop  }
0x16b: {  	[tilespmem:s16], [sflag:$0x1] =	stream.indirect.gather [hbm4b:s4+s10], $0x80, s15, s10, $0xb8;
	[tilespmem:$0x17FA0] =	vst v63  }
0x16c: {  	_ =	swait.ge [sflag:s24], $0x3400  }
0x16d: {  	[sflag:s24] =	ssyncset.done $0x0  }
0x16e: {  	[sflag:s24] =	ssyncadd.s32 $0xFFFFCC00  }
0x16f: {  	_ =	swait.ge [sflag:s24], $0x3400  }
0x170: {  	[sflag:s24] =	ssyncset.done $0x0  }
0x171: {  	[sflag:s24] =	ssyncadd.s32 $0xFFFFCC00  }
0x172: {  	_ =	swait.ge [sflag:s24], $0x3400  }
0x173: {  	[sflag:s24] =	ssyncset.done $0x0  }
0x174: {  	[sflag:s24] =	ssyncadd.s32 $0xFFFFCC00  }
0x175: {  	v13 =	vld [tilespmem:$0xE3A0]  }
0x176: {  	v14 =	vld [tilespmem:$0xE3B0]  }
0x177: {  	v15 =	vld [tilespmem:$0xE3C0]  }
0x178: {  	v16 =	vld [tilespmem:$0xE3D0]  }
0x179: {  	v17 =	vld [tilespmem:$0xE3E0]  }
0x17a: {  	v18 =	vld [tilespmem:$0xE3F0]  }
0x17b: {  	v19 =	vld [tilespmem:$0xE400]  }
0x17c: {  	v20 =	vld [tilespmem:$0xE410]  }
0x17d: {  	v31 =	vld [tilespmem:$0x117A0]  }
0x17e: {  	v59 =	vld [tilespmem:$0x117B0]  }
0x17f: {  	v60 =	vld [tilespmem:$0x117C0]  }
0x180: {  	v61 =	vld [tilespmem:$0x117D0]  }
0x181: {  	v62 =	vld [tilespmem:$0x117E0]  }
0x182: {  	v12 =	vld [tilespmem:$0x117F0]  }
0x183: {  	v11 =	vld [tilespmem:$0x11800]  }
0x184: {  	v9 =	vld [tilespmem:$0x11810]  }
0x185: {  	v8 =	vld [tilespmem:$0x14BA0]  }
0x186: {  	v7 =	vld [tilespmem:$0x14BB0]  }
0x187: {  	s2 =	simm.s32 $0x0;
	v10 =	vld [tilespmem:$0x14BC0]  }
0x188: {  	v21 =	vld [tilespmem:s2+$0x14C40]  }
0x189: {  	v22 =	vld [tilespmem:s2+$0xE420]  }
0x18a: {  	v23 =	vld [tilespmem:s2+$0xE430]  }
0x18b: {  	v25 =	vld [tilespmem:s2+$0xE440]  }
0x18c: {  	v26 =	vld [tilespmem:s2+$0xE450]  }
0x18d: {  	v63 =	vld [tilespmem:s2+$0xE460]  }
0x18e: {  	v37 =	vld [tilespmem:s2+$0xE470]  }
0x18f: {  	v38 =	vld [tilespmem:s2+$0xE480]  }
0x190: {  	v39 =	vld [tilespmem:s2+$0xE490]  }
0x191: {  	v40 =	vld [tilespmem:s2+$0x11820]  }
0x192: {  	v41 =	vld [tilespmem:s2+$0x11830]  }
0x193: {  	v42 =	vld [tilespmem:s2+$0x11840]  }
0x194: {  	v43 =	vld [tilespmem:s2+$0x11850]  }
0x195: {  	v44 =	vld [tilespmem:s2+$0x11860]  }
0x196: {  	v24 =	vld [tilespmem:s2+$0x11870];
	v10 =	vmax.f32 v10, v21;
	v30 =	vmax.f32 v13, v22  }
0x197: {  	v29 =	vmax.f32 v14, v23;
	v28 =	vmax.f32 v15, v25;
	v27 =	vmax.f32 v16, v26;
	v22 =	vld [tilespmem:s2+$0x11880]  }
0x198: {  	v26 =	vmax.f32 v17, v63;
	v25 =	vmax.f32 v18, v37;
	v23 =	vmax.f32 v19, v38;
	v21 =	vld [tilespmem:s2+$0x11890]  }
0x199: {  	v20 =	vmax.f32 v20, v39;
	v17 =	vmax.f32 v31, v40;
	v16 =	vmax.f32 v59, v41;
	v18 =	vld [tilespmem:s2+$0x14C20]  }
0x19a: {  	s1 =	simm.s32 $0x80;
	s0 =	simm.s32 $0x400;
	v15 =	vmax.f32 v60, v42;
	v14 =	vmax.f32 v61, v43;
	v19 =	vld [tilespmem:s2+$0x14C30];
	v13 =	vmax.f32 v62, v44  }
.LBB2_7:
0x19b: {  	p0 =	sne.s32 s0, $0x6000;
	v31 =	vld [tilespmem:s1+$0x14C40];
	v12 =	vmax.f32 v12, v24  }
0x19c: {  	v24 =	vld [tilespmem:s1+$0xE420];
	v11 =	vmax.f32 v11, v22  }
0x19d: {  	v22 =	vld [tilespmem:s1+$0xE430];
	v9 =	vmax.f32 v9, v21  }
0x19e: {  	v21 =	vld [tilespmem:s1+$0xE440];
	v8 =	vmax.f32 v8, v18  }
0x19f: {  	v18 =	vld [tilespmem:s1+$0xE450];
	v7 =	vmax.f32 v7, v19  }
0x1a0: {  	v19 =	vld [tilespmem:s1+$0xE460];
	v10 =	vmax.f32 v10, v31  }
0x1a1: {  	v31 =	vld [tilespmem:s1+$0xE470];
	v30 =	vmax.f32 v30, v24  }
0x1a2: {  	v24 =	vld [tilespmem:s1+$0xE480];
	v29 =	vmax.f32 v29, v22  }
0x1a3: {  	v22 =	vld [tilespmem:s1+$0xE490];
	v28 =	vmax.f32 v28, v21  }
0x1a4: {  	v21 =	vld [tilespmem:s1+$0x11820];
	v27 =	vmax.f32 v27, v18  }
0x1a5: {  	v18 =	vld [tilespmem:s1+$0x11830];
	v26 =	vmax.f32 v26, v19  }
0x1a6: {  	v19 =	vld [tilespmem:s1+$0x11840];
	v25 =	vmax.f32 v25, v31  }
0x1a7: {  	v31 =	vld [tilespmem:s1+$0x11850];
	v23 =	vmax.f32 v23, v24  }
0x1a8: {  	v32 =	vld [tilespmem:s1+$0x11860];
	v20 =	vmax.f32 v20, v22  }
.Ltmp2:
0x1a9: {  	v24 =	vld [tilespmem:s1+$0x11870];
	v17 =	vmax.f32 v17, v21;
	(pc) =	sbr.rel @p0 .LBB2_7-.Ltmp2, $4  }
0x1aa: {  	v22 =	vld [tilespmem:s1+$0x11880];
	v16 =	vmax.f32 v16, v18  }
0x1ab: {  	v21 =	vld [tilespmem:s1+$0x11890];
	v15 =	vmax.f32 v15, v19  }
0x1ac: {  	v18 =	vld [tilespmem:s1+$0x14C20];
	v14 =	vmax.f32 v14, v31  }
0x1ad: {  	v19 =	vld [tilespmem:s1+$0x14C30];
	s1 =	sshra.s32 s0, $0x2;
	s0 =	sadd.s32 $0x200, s0;
	v13 =	vmax.f32 v13, v32  }
0x1ae: {  	v31 =	vld [tilespmem:s1+$0xE420]  }
0x1af: {  	v32 =	vld [tilespmem:$0x3400]  }
0x1b0: {  	v33 =	vld [tilespmem:s1+$0xE430]  }
0x1b1: {  	v34 =	vld [tilespmem:$0x3410]  }
0x1b2: {  	v35 =	vld [tilespmem:s1+$0xE440]  }
0x1b3: {  	v30 =	vmax.f32 v30, v31;
	v31 =	vld [tilespmem:$0x3420]  }
0x1b4: {  	v36 =	vld [tilespmem:s1+$0xE450];
	v30 =	vmul.f32 v32, v30  }
0x1b5: {  	v53 =	vld [tilespmem:$0x3430];
	v29 =	vmax.f32 v29, v33  }
0x1b6: {  	v54 =	vld [tilespmem:s1+$0xE460];
	v29 =	vmul.f32 v34, v29;
	v30 =	vadd.f32 $0.0e+00, v30  }
0x1b7: {  	v55 =	vld [tilespmem:$0x3440];
	v28 =	vmax.f32 v28, v35  }
0x1b8: {  	v56 =	vld [tilespmem:s1+$0xE470];
	v29 =	vadd.f32 v29, v30;
	v28 =	vmul.f32 v31, v28  }
0x1b9: {  	v27 =	vmax.f32 v27, v36;
	v30 =	vld [tilespmem:$0x3450]  }
0x1ba: {  	v27 =	vmul.f32 v53, v27;
	v31 =	vld [tilespmem:s1+$0xE480];
	v28 =	vadd.f32 v28, v29  }
0x1bb: {  	v26 =	vmax.f32 v26, v54;
	v29 =	vld [tilespmem:$0x3460]  }
0x1bc: {  	v57 =	vld [tilespmem:s1+$0xE490];
	v26 =	vmul.f32 v55, v26;
	v27 =	vadd.f32 v27, v28  }
0x1bd: {  	v25 =	vmax.f32 v25, v56;
	v28 =	vld [tilespmem:$0x3470]  }
0x1be: {  	v58 =	vld [tilespmem:s1+$0x11820];
	v25 =	vmul.f32 v30, v25;
	v26 =	vadd.f32 v26, v27  }
0x1bf: {  	v23 =	vmax.f32 v23, v31;
	v27 =	vld [tilespmem:$0x3480]  }
0x1c0: {  	v30 =	vld [tilespmem:s1+$0x11830];
	v23 =	vmul.f32 v29, v23;
	v25 =	vadd.f32 v25, v26  }
0x1c1: {  	v20 =	vmax.f32 v20, v57;
	v26 =	vld [tilespmem:$0x3490]  }
0x1c2: {  	v29 =	vld [tilespmem:s1+$0x11840];
	v20 =	vmul.f32 v28, v20;
	v23 =	vadd.f32 v23, v25  }
0x1c3: {  	v17 =	vmax.f32 v17, v58;
	v25 =	vld [tilespmem:$0x34A0]  }
0x1c4: {  	v28 =	vld [tilespmem:s1+$0x11850];
	v17 =	vmul.f32 v27, v17;
	v20 =	vadd.f32 v20, v23  }
0x1c5: {  	v16 =	vmax.f32 v16, v30;
	v23 =	vld [tilespmem:$0x34B0]  }
0x1c6: {  	v27 =	vld [tilespmem:s1+$0x11860];
	v16 =	vmul.f32 v26, v16;
	v17 =	vadd.f32 v17, v20  }
0x1c7: {  	v15 =	vmax.f32 v15, v29;
	v20 =	vld [tilespmem:$0x34C0]  }
0x1c8: {  	v26 =	vld [tilespmem:s1+$0x11870];
	v15 =	vmul.f32 v25, v15;
	v16 =	vadd.f32 v16, v17  }
0x1c9: {  	v14 =	vmax.f32 v14, v28;
	v17 =	vld [tilespmem:$0x34D0]  }
0x1ca: {  	v25 =	vld [tilespmem:s1+$0x11880];
	v14 =	vmul.f32 v23, v14;
	v15 =	vadd.f32 v15, v16  }
0x1cb: {  	v13 =	vmax.f32 v13, v27;
	v16 =	vld [tilespmem:$0x34E0]  }
0x1cc: {  	v12 =	vmax.f32 v12, v24;
	v23 =	vld [tilespmem:s1+$0x11890];
	v13 =	vmul.f32 v20, v13;
	v14 =	vadd.f32 v14, v15  }
0x1cd: {  	v12 =	vmax.f32 v12, v26;
	v15 =	vld [tilespmem:$0x34F0]  }
0x1ce: {  	v11 =	vmax.f32 v11, v22;
	v20 =	vld [tilespmem:s1+$0x14C20];
	v12 =	vmul.f32 v17, v12;
	v13 =	vadd.f32 v13, v14  }
0x1cf: {  	v11 =	vmax.f32 v11, v25;
	v14 =	vld [tilespmem:$0x3500]  }
0x1d0: {  	v9 =	vmax.f32 v9, v21;
	v17 =	vld [tilespmem:s1+$0x14C30];
	v11 =	vmul.f32 v16, v11;
	v12 =	vadd.f32 v12, v13  }
0x1d1: {  	v9 =	vmax.f32 v9, v23;
	v13 =	vld [tilespmem:$0x3510]  }
0x1d2: {  	v8 =	vmax.f32 v8, v18;
	v16 =	vld [tilespmem:s1+$0x14C40];
	v9 =	vmul.f32 v15, v9;
	v11 =	vadd.f32 v11, v12  }
0x1d3: {  	v8 =	vmax.f32 v8, v20;
	v12 =	vld [tilespmem:$0x3520]  }
0x1d4: {  	v7 =	vmax.f32 v7, v19;
	v8 =	vmul.f32 v14, v8;
	v9 =	vadd.f32 v9, v11  }
0x1d5: {  	v7 =	vmax.f32 v7, v17  }
0x1d6: {  	v7 =	vmul.f32 v13, v7;
	v8 =	vadd.f32 v8, v9  }
0x1d7: {  	v9 =	vmax.f32 v10, v16  }
0x1d8: {  	v7 =	vadd.f32 v7, v8;
	v8 =	vmul.f32 v12, v9;
	_ =	sdelay $0x1  }
0x1d9: {  	s0 =	sshll.u32 s29, $0x5;
	v7 =	vadd.f32 v8, v7  }
0x1da: {  	s29 =	sand.u32 $0x3FFFFFE0, s0  }
0x1db: {  	[tilespmem:s29+$0x3530] =	vst v7  }
0x1dc: {  	v13 =	vld [tilespmem:$0xFCA0]  }
0x1dd: {  	v14 =	vld [tilespmem:$0xFCB0]  }
0x1de: {  	v15 =	vld [tilespmem:$0xFCC0]  }
0x1df: {  	v16 =	vld [tilespmem:$0xFCD0]  }
0x1e0: {  	v17 =	vld [tilespmem:$0xFCE0]  }
0x1e1: {  	v18 =	vld [tilespmem:$0xFCF0]  }
0x1e2: {  	v19 =	vld [tilespmem:$0xFD00]  }
0x1e3: {  	v20 =	vld [tilespmem:$0xFD10]  }
0x1e4: {  	v31 =	vld [tilespmem:$0x130A0]  }
0x1e5: {  	v59 =	vld [tilespmem:$0x130B0]  }
0x1e6: {  	v60 =	vld [tilespmem:$0x130C0]  }
0x1e7: {  	v61 =	vld [tilespmem:$0x130D0]  }
0x1e8: {  	v62 =	vld [tilespmem:$0x130E0]  }
0x1e9: {  	v12 =	vld [tilespmem:$0x130F0]  }
0x1ea: {  	v11 =	vld [tilespmem:$0x13100]  }
0x1eb: {  	v9 =	vld [tilespmem:$0x13110]  }
0x1ec: {  	v8 =	vld [tilespmem:$0x164A0]  }
0x1ed: {  	v7 =	vld [tilespmem:$0x164B0]  }
0x1ee: {  	s2 =	simm.s32 $0x0;
	v10 =	vld [tilespmem:$0x164C0]  }
0x1ef: {  	v21 =	vld [tilespmem:s2+$0x16540]  }
0x1f0: {  	v22 =	vld [tilespmem:s2+$0xFD20]  }
0x1f1: {  	v23 =	vld [tilespmem:s2+$0xFD30]  }
0x1f2: {  	v25 =	vld [tilespmem:s2+$0xFD40]  }
0x1f3: {  	v26 =	vld [tilespmem:s2+$0xFD50]  }
0x1f4: {  	v63 =	vld [tilespmem:s2+$0xFD60]  }
0x1f5: {  	v37 =	vld [tilespmem:s2+$0xFD70]  }
0x1f6: {  	v38 =	vld [tilespmem:s2+$0xFD80]  }
0x1f7: {  	v39 =	vld [tilespmem:s2+$0xFD90]  }
0x1f8: {  	v40 =	vld [tilespmem:s2+$0x13120]  }
0x1f9: {  	v41 =	vld [tilespmem:s2+$0x13130]  }
0x1fa: {  	v42 =	vld [tilespmem:s2+$0x13140]  }
0x1fb: {  	v43 =	vld [tilespmem:s2+$0x13150]  }
0x1fc: {  	v44 =	vld [tilespmem:s2+$0x13160]  }
0x1fd: {  	v24 =	vld [tilespmem:s2+$0x13170];
	v10 =	vmax.f32 v10, v21;
	v30 =	vmax.f32 v13, v22  }
0x1fe: {  	v29 =	vmax.f32 v14, v23;
	v28 =	vmax.f32 v15, v25;
	v27 =	vmax.f32 v16, v26;
	v22 =	vld [tilespmem:s2+$0x13180]  }
0x1ff: {  	v26 =	vmax.f32 v17, v63;
	v25 =	vmax.f32 v18, v37;
	v23 =	vmax.f32 v19, v38;
	v21 =	vld [tilespmem:s2+$0x13190]  }
0x200: {  	v20 =	vmax.f32 v20, v39;
	v17 =	vmax.f32 v31, v40;
	v16 =	vmax.f32 v59, v41;
	v18 =	vld [tilespmem:s2+$0x16520]  }
0x201: {  	s0 =	simm.s32 $0x400;
	s1 =	simm.s32 $0x80;
	v15 =	vmax.f32 v60, v42;
	v14 =	vmax.f32 v61, v43;
	v19 =	vld [tilespmem:s2+$0x16530];
	v13 =	vmax.f32 v62, v44  }
.LBB2_9:
0x202: {  	p0 =	sne.s32 s0, $0x6000;
	v31 =	vld [tilespmem:s1+$0x16540];
	v12 =	vmax.f32 v12, v24  }
0x203: {  	v24 =	vld [tilespmem:s1+$0xFD20];
	v11 =	vmax.f32 v11, v22  }
0x204: {  	v22 =	vld [tilespmem:s1+$0xFD30];
	v9 =	vmax.f32 v9, v21  }
0x205: {  	v21 =	vld [tilespmem:s1+$0xFD40];
	v8 =	vmax.f32 v8, v18  }
0x206: {  	v18 =	vld [tilespmem:s1+$0xFD50];
	v7 =	vmax.f32 v7, v19  }
0x207: {  	v19 =	vld [tilespmem:s1+$0xFD60];
	v10 =	vmax.f32 v10, v31  }
0x208: {  	v31 =	vld [tilespmem:s1+$0xFD70];
	v30 =	vmax.f32 v30, v24  }
0x209: {  	v24 =	vld [tilespmem:s1+$0xFD80];
	v29 =	vmax.f32 v29, v22  }
0x20a: {  	v22 =	vld [tilespmem:s1+$0xFD90];
	v28 =	vmax.f32 v28, v21  }
0x20b: {  	v21 =	vld [tilespmem:s1+$0x13120];
	v27 =	vmax.f32 v27, v18  }
0x20c: {  	v18 =	vld [tilespmem:s1+$0x13130];
	v26 =	vmax.f32 v26, v19  }
0x20d: {  	v19 =	vld [tilespmem:s1+$0x13140];
	v25 =	vmax.f32 v25, v31  }
0x20e: {  	v31 =	vld [tilespmem:s1+$0x13150];
	v23 =	vmax.f32 v23, v24  }
0x20f: {  	v32 =	vld [tilespmem:s1+$0x13160];
	v20 =	vmax.f32 v20, v22  }
.Ltmp3:
0x210: {  	v24 =	vld [tilespmem:s1+$0x13170];
	v17 =	vmax.f32 v17, v21;
	(pc) =	sbr.rel @p0 .LBB2_9-.Ltmp3, $4  }
0x211: {  	v22 =	vld [tilespmem:s1+$0x13180];
	v16 =	vmax.f32 v16, v18  }
0x212: {  	v21 =	vld [tilespmem:s1+$0x13190];
	v15 =	vmax.f32 v15, v19  }
0x213: {  	v18 =	vld [tilespmem:s1+$0x16520];
	v14 =	vmax.f32 v14, v31  }
0x214: {  	v19 =	vld [tilespmem:s1+$0x16530];
	s1 =	sshra.s32 s0, $0x2;
	s0 =	sadd.s32 $0x200, s0;
	v13 =	vmax.f32 v13, v32  }
0x215: {  	v31 =	vld [tilespmem:s1+$0xFD20]  }
0x216: {  	v32 =	vld [tilespmem:$0x3400]  }
0x217: {  	v33 =	vld [tilespmem:s1+$0xFD30]  }
0x218: {  	v34 =	vld [tilespmem:$0x3410]  }
0x219: {  	v35 =	vld [tilespmem:s1+$0xFD40]  }
0x21a: {  	v58 =	vld [tilespmem:$0x3420];
	v30 =	vmax.f32 v30, v31  }
0x21b: {  	v59 =	vld [tilespmem:s1+$0xFD50];
	v30 =	vmul.f32 v32, v30  }
0x21c: {  	v60 =	vld [tilespmem:$0x3430];
	v29 =	vmax.f32 v29, v33  }
0x21d: {  	v61 =	vld [tilespmem:s1+$0xFD60];
	v29 =	vmul.f32 v34, v29;
	v30 =	vadd.f32 $0.0e+00, v30  }
0x21e: {  	v62 =	vld [tilespmem:$0x3440];
	v28 =	vmax.f32 v28, v35  }
0x21f: {  	v63 =	vld [tilespmem:s1+$0xFD70];
	v28 =	vmul.f32 v58, v28;
	v29 =	vadd.f32 v29, v30  }
0x220: {  	v36 =	vld [tilespmem:$0x3450];
	v27 =	vmax.f32 v27, v59  }
0x221: {  	v37 =	vld [tilespmem:s1+$0xFD80];
	v27 =	vmul.f32 v60, v27;
	v28 =	vadd.f32 v28, v29  }
0x222: {  	v38 =	vld [tilespmem:$0x3460];
	v26 =	vmax.f32 v26, v61  }
0x223: {  	v39 =	vld [tilespmem:s1+$0xFD90];
	v26 =	vmul.f32 v62, v26;
	v27 =	vadd.f32 v27, v28  }
0x224: {  	v40 =	vld [tilespmem:$0x3470];
	v25 =	vmax.f32 v25, v63  }
0x225: {  	v41 =	vld [tilespmem:s1+$0x13120];
	v25 =	vmul.f32 v36, v25;
	v26 =	vadd.f32 v26, v27  }
0x226: {  	v42 =	vld [tilespmem:$0x3480];
	v23 =	vmax.f32 v23, v37  }
0x227: {  	v43 =	vld [tilespmem:s1+$0x13130];
	v23 =	vmul.f32 v38, v23;
	v25 =	vadd.f32 v25, v26  }
0x228: {  	v44 =	vld [tilespmem:$0x3490];
	v20 =	vmax.f32 v20, v39  }
0x229: {  	v45 =	vld [tilespmem:s1+$0x13140];
	v20 =	vmul.f32 v40, v20;
	v23 =	vadd.f32 v23, v25  }
0x22a: {  	v46 =	vld [tilespmem:$0x34A0];
	v17 =	vmax.f32 v17, v41  }
0x22b: {  	v47 =	vld [tilespmem:s1+$0x13150];
	v17 =	vmul.f32 v42, v17;
	v20 =	vadd.f32 v20, v23  }
0x22c: {  	v48 =	vld [tilespmem:$0x34B0];
	v16 =	vmax.f32 v16, v43  }
0x22d: {  	v49 =	vld [tilespmem:s1+$0x13160];
	v16 =	vmul.f32 v44, v16;
	v17 =	vadd.f32 v17, v20  }
0x22e: {  	v50 =	vld [tilespmem:$0x34C0];
	v15 =	vmax.f32 v15, v45  }
0x22f: {  	v51 =	vld [tilespmem:s1+$0x13170];
	v15 =	vmul.f32 v46, v15;
	v16 =	vadd.f32 v16, v17  }
0x230: {  	v52 =	vld [tilespmem:$0x34D0];
	v14 =	vmax.f32 v14, v47  }
0x231: {  	v53 =	vld [tilespmem:s1+$0x13180];
	v14 =	vmul.f32 v48, v14;
	v15 =	vadd.f32 v15, v16  }
0x232: {  	v54 =	vld [tilespmem:$0x34E0];
	v13 =	vmax.f32 v13, v49  }
0x233: {  	v12 =	vmax.f32 v12, v24;
	v55 =	vld [tilespmem:s1+$0x13190];
	v13 =	vmul.f32 v50, v13;
	v14 =	vadd.f32 v14, v15  }
0x234: {  	v56 =	vld [tilespmem:$0x34F0];
	v12 =	vmax.f32 v12, v51  }
0x235: {  	v57 =	vld [tilespmem:s1+$0x16520];
	v11 =	vmax.f32 v11, v22;
	v12 =	vmul.f32 v52, v12;
	v13 =	vadd.f32 v13, v14  }
0x236: {  	v11 =	vmax.f32 v11, v53;
	v58 =	vld [tilespmem:$0x3500]  }
0x237: {  	v9 =	vmax.f32 v9, v21;
	v59 =	vld [tilespmem:s1+$0x16530];
	v11 =	vmul.f32 v54, v11;
	v12 =	vadd.f32 v12, v13  }
0x238: {  	v9 =	vmax.f32 v9, v55;
	v60 =	vld [tilespmem:$0x3510]  }
0x239: {  	v8 =	vmax.f32 v8, v18;
	v61 =	vld [tilespmem:s1+$0x16540];
	v9 =	vmul.f32 v56, v9;
	v11 =	vadd.f32 v11, v12  }
0x23a: {  	v8 =	vmax.f32 v8, v57;
	v62 =	vld [tilespmem:$0x3520]  }
0x23b: {  	v7 =	vmax.f32 v7, v19;
	v8 =	vmul.f32 v58, v8;
	v9 =	vadd.f32 v9, v11  }
0x23c: {  	v7 =	vmax.f32 v7, v59  }
0x23d: {  	s28 =	sadd.s32 $0x1, s28;
	v7 =	vmul.f32 v60, v7;
	v8 =	vadd.f32 v8, v9  }
0x23e: {  	p0 =	sne.s32 s28, $0x40;
	v63 =	vmax.f32 v10, v61  }
.Ltmp4:
0x23f: {  	v7 =	vadd.f32 v7, v8;
	v8 =	vmul.f32 v62, v63;
	(pc) =	sbr.rel @p0 .LBB2_2-.Ltmp4, $3  }
0x240: {  	_ = 	snop  }
0x241: {  	v7 =	vadd.f32 v8, v7;
	_ =	sdelay $0x1  }
0x242: {  	[tilespmem:s29+$0x3540] =	vst v7  }
0x243: {  	_ =	swait.ge [sflag:s23], $0x3400  }
0x244: {  	[sflag:s23] =	ssyncset.done $0x0  }
0x245: {  	[sflag:s23] =	ssyncadd.s32 $0xFFFFCC00  }
0x246: {  	_ =	swait.ge [sflag:s23], $0x3400  }
0x247: {  	[sflag:s23] =	ssyncset.done $0x0  }
0x248: {  	[sflag:s23] =	ssyncadd.s32 $0xFFFFCC00  }
0x249: {  	s26 =	sadd.s32 $0x1, s26;
	_ =	swait.ge [sflag:s23], $0x3400  }
0x24a: {  	p0 =	sne.s32 s26, s7;
	[sflag:s23] =	ssyncset.done $0x0  }
.Ltmp5:
0x24b: {  	[sflag:s23] =	ssyncadd.s32 $0xFFFFCC00;
	(pc) =	sbr.rel @p0 .LBB2_1-.Ltmp5, $4  }
0x24c: {  	[hbm4b:s6+s3] =	stream.linear.scatter [tilespmem:s25], [sflag:$0x3], $0x1000, $0x38;
	[tilespmem:$0x17FA0] =	vst v63  }
0x24d: {  	_ =	swait.ge [sflag:s8], $0x1000  }
0x24e: {  	[sflag:s8] =	ssyncset.done $0x0  }
0x24f: {  	[sflag:s8] =	ssyncadd.s32 $0xFFFFF000  }
0x250: {  	_ =	sfence.sel $0x180000  }
0x251: {  	[bflag:$0x0] =	sbarrier.arrive $0xFFFF  }
0x252: {  	_ =	strace $0x90000047  }
0x253: {  	s0 =	stileid.u32;
	[bflag:$0x2] =	sbarrier.arrive $0xFFFF  }
0x254: {  	p0 =	sne.s32 s0, $0x0;
	s0 =	rddreg [dreg:$0x2]  }
0x255: {  	s0 =	sadd.s32 @!p0 $0x100000, s0  }
0x256: {  	[sflag:s0] =	ssyncadd.tile.s32 @!p0 $0x1;
	_ =	shalt  }
.Lfunc_end2:
_tile_overlayer_lowered:
.L_overlay_start_2:
0x257: {  	(tag) =	ssettag $0x2  }
0x258: {  	s0 =	rddreg [dreg:$0x0];
	s2 =	stileid.u32  }
0x259: {  	s1 =	rddreg [dreg:$0x1];
	p0 =	sne.s32 s2, $0x0  }
0x25a: {  	s3 =	rddreg [dreg:$0x2];
	[bflag:$0x3] =	sbarrier.arrive $0xFFFF;
	s2 =	simm.s32 @!p0 $0x1C03  }
0x25b: {  	[timem:s3], [sflag:s2] =	dma.local @!p0 [hbm:s0], s1  }
0x25c: {  	s0 =	simm.s32 @!p0 $0x3  }
0x25d: {  	_ =	swait.ge @!p0 [sflag:s0], s1  }
0x25e: {  	s1 =	ssub.s32 @!p0 $0x0, s1;
	[sflag:s0] =	ssyncset.done @!p0 $0x0  }
0x25f: {  	[sflag:s0] =	ssyncadd.s32 @!p0 s1  }
0x260: {  	[bflag:$0x3] =	sbarrier.arrive $0xFFFF  }
0x261: {  	_ =	shalt  }

</sc_bundles>
